<compile_context>
chip_gen: v7x
topology: tpu7x:2x2x1
jax: 0.10.2.dev20260603
libtpu: 0.0.44.dev20260713+nightly
codegen_flags: <defaults>
</compile_context>

<pallas_src>
import jax
import jax.numpy as jnp
from jax import lax
from jax.experimental import pallas as pl
from jax.experimental.pallas import tpu as pltpu
from jax.experimental.pallas import tpu_sc as plsc

BATCH = 16384
DIM = 32
NUM_CORES = 2
NUM_SUBCORES = 16
NUM_WORKERS = NUM_CORES * NUM_SUBCORES
B_PER_W = BATCH // NUM_WORKERS
LANES = 16
N_WINDOWS = 2
ROWS_W = B_PER_W // N_WINDOWS


def _mf_body(u_hbm, i_hbm, uw_hbm, iw_hbm, dummy_hbm, out_hbm,
             u_idx, i_idx, ue_rows, ie_rows, out_v, sem):
    wid = lax.axis_index("s") * NUM_CORES + lax.axis_index("c")

    pltpu.sync_copy(u_hbm.at[pl.ds(wid * B_PER_W, B_PER_W)], u_idx)
    pltpu.sync_copy(i_hbm.at[pl.ds(wid * B_PER_W, B_PER_W)], i_idx)

    lane_iota = lax.iota(jnp.int32, LANES)

    for w in range(N_WINDOWS):
        @pl.loop(0, ROWS_W // LANES)
        def _fire(b):
            base = w * ROWS_W + b * LANES
            uv = u_idx[pl.ds(base, LANES)]
            iv = i_idx[pl.ds(base, LANES)]
            for l in range(LANES):
                dst = b * LANES + l
                pltpu.async_copy(
                    uw_hbm.at[pl.ds(uv[l], 1)],
                    ue_rows.at[pl.ds(dst, 1)], sem)
                pltpu.async_copy(
                    iw_hbm.at[pl.ds(iv[l], 1)],
                    ie_rows.at[pl.ds(dst, 1)], sem)

        pltpu.make_async_copy(dummy_hbm, ue_rows, sem).wait()
        pltpu.make_async_copy(dummy_hbm, ie_rows, sem).wait()

        @pl.loop(0, ROWS_W // LANES)
        def _group(g):
            vrow = g * LANES + lane_iota
            acc = jnp.zeros((LANES,), jnp.float32)
            for k in range(DIM):
                vcol = jnp.full((LANES,), k, jnp.int32)
                gu = plsc.load_gather(ue_rows, [vrow, vcol])
                gi = plsc.load_gather(ie_rows, [vrow, vcol])
                acc = acc + gu * gi
            out_v[pl.ds(w * ROWS_W + g * LANES, LANES)] = acc

    pltpu.sync_copy(out_v, out_hbm.at[pl.ds(wid * B_PER_W, B_PER_W)])


def kernel(u, i, user_weight, item_weight):
    u2 = u.astype(jnp.int32)
    i2 = i.astype(jnp.int32)
    dummy = jnp.zeros((ROWS_W, DIM), jnp.float32)
    mesh = plsc.VectorSubcoreMesh(
        core_axis_name="c", subcore_axis_name="s",
        num_cores=NUM_CORES, num_subcores=NUM_SUBCORES)
    run = pl.kernel(
        _mf_body,
        out_type=jax.ShapeDtypeStruct((BATCH,), jnp.float32),
        mesh=mesh,
        compiler_params=pltpu.CompilerParams(needs_layout_passes=False,
                                             use_tc_tiling_on_sc=True),
        scratch_types=[
            pltpu.VMEM((B_PER_W,), jnp.int32),
            pltpu.VMEM((B_PER_W,), jnp.int32),
            pltpu.VMEM((ROWS_W, DIM), jnp.float32),
            pltpu.VMEM((ROWS_W, DIM), jnp.float32),
            pltpu.VMEM((B_PER_W,), jnp.float32),
            pltpu.SemaphoreType.DMA,
        ],
    )
    return run(u2, i2, user_weight, item_weight, dummy)

# --- scband reference (transcript-rebuilt; emitter-appended) ---
"""Pipeline reference for scband-mf-39659728011494 (READ-ONLY COPY).

The authoritative reference and input builder live on the scoring server;
editing this copy changes nothing except your own understanding.
"""

import jax, jax.numpy as jnp
import numpy as np

NUM_USERS = 1000000
NUM_ITEMS = 1000000
DIM = 32
BATCH = 16384

def setup_inputs(seed: int = 0) -> dict:
    key = jax.random.key(seed)
    k1, k2, k3, k4 = jax.random.split(key, 4)
    u = jax.random.randint(k1, (BATCH,), 0, NUM_USERS, dtype=jnp.int64 if jax.config.jax_enable_x64 else jnp.int32)
    i = jax.random.randint(k2, (BATCH,), 0, NUM_ITEMS, dtype=jnp.int64 if jax.config.jax_enable_x64 else jnp.int32)
    user_weight = jax.random.normal(k3, (NUM_USERS, DIM), dtype=jnp.float32) * 0.02
    item_weight = jax.random.normal(k4, (NUM_ITEMS, DIM), dtype=jnp.float32) * 0.02
    return {"u": u, "i": i, "user_weight": user_weight, "item_weight": item_weight}

def reference(u, i, user_weight, item_weight):
    # MF.score: (user(u) * item(i)).sum(dim=1)
    ue = jnp.take(user_weight, u, axis=0)
    ie = jnp.take(item_weight, i, axis=0)
    return (ue * ie).sum(axis=1)

if __name__ == "__main__":
    import jax
    _d = setup_inputs()
    print(jax.jit(kernel)(*tuple(_d.values())))

</pallas_src>

<mosaic_0001>
#map = affine_map<(d0, d1) -> (0)>
#map1 = affine_map<(d0, d1) -> (0, 0)>
module attributes {stable_mosaic.version = 14 : i64} {
  func.func @_mf_body(%arg0: i32, %arg1: i32, %arg2: memref<16384xi32, #tpu.memory_space<hbm>>, %arg3: memref<16384xi32, #tpu.memory_space<hbm>>, %arg4: memref<1000000x32xf32, #tpu.memory_space<hbm>>, %arg5: memref<1000000x32xf32, #tpu.memory_space<hbm>>, %arg6: memref<256x32xf32, #tpu.memory_space<hbm>>, %arg7: memref<16384xf32, #tpu.memory_space<hbm>>, %arg8: memref<512xi32, #tpu.memory_space<vmem>>, %arg9: memref<512xi32, #tpu.memory_space<vmem>>, %arg10: memref<256x32xf32, #tpu.memory_space<vmem>>, %arg11: memref<256x32xf32, #tpu.memory_space<vmem>>, %arg12: memref<512xf32, #tpu.memory_space<vmem>>, %arg13: memref<!tpu.dma_semaphore, #tpu.memory_space<semaphore_mem>>) attributes {dimension_semantics = [#tpu.dimension_semantics<core_parallel>, #tpu.dimension_semantics<subcore_parallel>], iteration_bounds = array<i64: 2, 16>, scalar_prefetch = 0 : i64, scratch_operands = 6 : i64, tpu.core_type = #tpu.core_type<sc_vector_subcore>, window_params = [{transform_indices = #map}, {transform_indices = #map}, {transform_indices = #map1}, {transform_indices = #map1}, {transform_indices = #map1}, {transform_indices = #map}]} {
    %mul3A = arith.constant 2 : i32
    %mul3A_0 = arith.muli %arg1, %mul3A : i32
    %add3A = arith.addi %mul3A_0, %arg0 : i32
    %mul3A_1 = arith.constant 512 : i32
    %mul3A_2 = arith.muli %add3A, %mul3A_1 : i32
    "tpu.region"() ({
      %run_scoped3A = tpu.sem_alloc : memref<!tpu.dma_semaphore, #tpu.memory_space<semaphore_mem>>
      %dma_start3A = tpu.memref_slice %arg2[%mul3A_2] : memref<16384xi32, #tpu.memory_space<hbm>> -> memref<512xi32, #tpu.memory_space<hbm>>
      %dma_start3A_26 = tpu.memref_slice %arg2[%mul3A_2] : memref<16384xi32, #tpu.memory_space<hbm>> -> memref<512xi32, #tpu.memory_space<hbm>>
      tpu.enqueue_dma source(%dma_start3A_26 : memref<512xi32, #tpu.memory_space<hbm>>) target(%arg8 : memref<512xi32, #tpu.memory_space<vmem>>) target_semaphore(%run_scoped3A : memref<!tpu.dma_semaphore, #tpu.memory_space<semaphore_mem>>)
      %dma_wait3A = tpu.memref_slice %arg2[%mul3A_2] : memref<16384xi32, #tpu.memory_space<hbm>> -> memref<512xi32, #tpu.memory_space<hbm>>
      %dma_wait3A_27 = tpu.memref_slice %arg2[%mul3A_2] : memref<16384xi32, #tpu.memory_space<hbm>> -> memref<512xi32, #tpu.memory_space<hbm>>
      tpu.wait_dma2 semaphore(%run_scoped3A : memref<!tpu.dma_semaphore, #tpu.memory_space<semaphore_mem>>) src(%dma_wait3A_27 : memref<512xi32, #tpu.memory_space<hbm>>) dst(%arg8 : memref<512xi32, #tpu.memory_space<vmem>>)
      tpu.yield
    }) : () -> ()
    %mul3A_3 = arith.constant 512 : i32
    %mul3A_4 = arith.muli %add3A, %mul3A_3 : i32
    "tpu.region"() ({
      %run_scoped3A = tpu.sem_alloc : memref<!tpu.dma_semaphore, #tpu.memory_space<semaphore_mem>>
      %dma_start3A = tpu.memref_slice %arg3[%mul3A_4] : memref<16384xi32, #tpu.memory_space<hbm>> -> memref<512xi32, #tpu.memory_space<hbm>>
      %dma_start3A_26 = tpu.memref_slice %arg3[%mul3A_4] : memref<16384xi32, #tpu.memory_space<hbm>> -> memref<512xi32, #tpu.memory_space<hbm>>
      tpu.enqueue_dma source(%dma_start3A_26 : memref<512xi32, #tpu.memory_space<hbm>>) target(%arg9 : memref<512xi32, #tpu.memory_space<vmem>>) target_semaphore(%run_scoped3A : memref<!tpu.dma_semaphore, #tpu.memory_space<semaphore_mem>>)
      %dma_wait3A = tpu.memref_slice %arg3[%mul3A_4] : memref<16384xi32, #tpu.memory_space<hbm>> -> memref<512xi32, #tpu.memory_space<hbm>>
      %dma_wait3A_27 = tpu.memref_slice %arg3[%mul3A_4] : memref<16384xi32, #tpu.memory_space<hbm>> -> memref<512xi32, #tpu.memory_space<hbm>>
      tpu.wait_dma2 semaphore(%run_scoped3A : memref<!tpu.dma_semaphore, #tpu.memory_space<semaphore_mem>>) src(%dma_wait3A_27 : memref<512xi32, #tpu.memory_space<hbm>>) dst(%arg9 : memref<512xi32, #tpu.memory_space<vmem>>)
      tpu.yield
    }) : () -> ()
    %iota3A = tpu.iota {dimensions = array<i32: 0>} : vector<16xi32>
    %scan3A = arith.constant 0 : i32
    %scan3A_5 = arith.constant 16 : i32
    %scan3A_6 = arith.addi %scan3A, %scan3A_5 : i32
    %scan3A_7 = arith.constant 1 : i32
    scf.for %scan3A_26 = %scan3A to %scan3A_6 step %scan3A_7  : i32 {
      %mul3A_27 = arith.constant 1 : i32
      %mul3A_28 = arith.muli %scan3A_26, %mul3A_27 : i32
      %add3A_29 = arith.constant 0 : i32
      %add3A_30 = arith.addi %add3A_29, %mul3A_28 : i32
      %mul3A_31 = arith.constant 16 : i32
      %mul3A_32 = arith.muli %add3A_30, %mul3A_31 : i32
      %add3A_33 = arith.constant 0 : i32
      %add3A_34 = arith.addi %add3A_33, %mul3A_32 : i32
      %get3A = arith.index_cast %add3A_34 : i32 to index
      %get3A_35 = tpu.vector_load %arg8[%get3A] {strides = array<i32>} : memref<512xi32, #tpu.memory_space<vmem>>, vector<16xi32>,
      %get3A_36 = arith.index_cast %add3A_34 : i32 to index
      %get3A_37 = tpu.vector_load %arg9[%get3A_36] {strides = array<i32>} : memref<512xi32, #tpu.memory_space<vmem>>, vector<16xi32>,
      %mul3A_38 = arith.constant 16 : i32
      %mul3A_39 = arith.muli %add3A_30, %mul3A_38 : i32
      %add3A_40 = arith.constant 0 : i32
      %add3A_41 = arith.addi %mul3A_39, %add3A_40 : i32
      %slice3A = vector.extract_strided_slice %get3A_35 {offsets = [0], sizes = [1], strides = [1]} : vector<16xi32> to vector<1xi32>
      %squeeze3A = vector.extract %slice3A[0] : i32 from vector<1xi32>
      %dma_start3A = arith.constant 0 : i32
      %dma_start3A_42 = tpu.memref_slice %arg10[%add3A_41, %dma_start3A] : memref<256x32xf32, #tpu.memory_space<vmem>> -> memref<1x32xf32, #tpu.memory_space<vmem>>
      %dma_start3A_43 = arith.constant 0 : i32
      %dma_start3A_44 = tpu.memref_slice %arg4[%squeeze3A, %dma_start3A_43] : memref<1000000x32xf32, #tpu.memory_space<hbm>> -> memref<1x32xf32, #tpu.memory_space<hbm>>
      %dma_start3A_45 = arith.constant 0 : i32
      %dma_start3A_46 = tpu.memref_slice %arg10[%add3A_41, %dma_start3A_45] : memref<256x32xf32, #tpu.memory_space<vmem>> -> memref<1x32xf32, #tpu.memory_space<vmem>>
      %dma_start3A_47 = arith.constant 0 : i32
      %dma_start3A_48 = tpu.memref_slice %arg4[%squeeze3A, %dma_start3A_47] : memref<1000000x32xf32, #tpu.memory_space<hbm>> -> memref<1x32xf32, #tpu.memory_space<hbm>>
      tpu.enqueue_dma source(%dma_start3A_48 : memref<1x32xf32, #tpu.memory_space<hbm>>) target(%dma_start3A_46 : memref<1x32xf32, #tpu.memory_space<vmem>>) target_semaphore(%arg13 : memref<!tpu.dma_semaphore, #tpu.memory_space<semaphore_mem>>)
      %slice3A_49 = vector.extract_strided_slice %get3A_37 {offsets = [0], sizes = [1], strides = [1]} : vector<16xi32> to vector<1xi32>
      %squeeze3A_50 = vector.extract %slice3A_49[0] : i32 from vector<1xi32>
      %dma_start3A_51 = arith.constant 0 : i32
      %dma_start3A_52 = tpu.memref_slice %arg11[%add3A_41, %dma_start3A_51] : memref<256x32xf32, #tpu.memory_space<vmem>> -> memref<1x32xf32, #tpu.memory_space<vmem>>
      %dma_start3A_53 = arith.constant 0 : i32
      %dma_start3A_54 = tpu.memref_slice %arg5[%squeeze3A_50, %dma_start3A_53] : memref<1000000x32xf32, #tpu.memory_space<hbm>> -> memref<1x32xf32, #tpu.memory_space<hbm>>
      %dma_start3A_55 = arith.constant 0 : i32
      %dma_start3A_56 = tpu.memref_slice %arg11[%add3A_41, %dma_start3A_55] : memref<256x32xf32, #tpu.memory_space<vmem>> -> memref<1x32xf32, #tpu.memory_space<vmem>>
      %dma_start3A_57 = arith.constant 0 : i32
      %dma_start3A_58 = tpu.memref_slice %arg5[%squeeze3A_50, %dma_start3A_57] : memref<1000000x32xf32, #tpu.memory_space<hbm>> -> memref<1x32xf32, #tpu.memory_space<hbm>>
      tpu.enqueue_dma source(%dma_start3A_58 : memref<1x32xf32, #tpu.memory_space<hbm>>) target(%dma_start3A_56 : memref<1x32xf32, #tpu.memory_space<vmem>>) target_semaphore(%arg13 : memref<!tpu.dma_semaphore, #tpu.memory_space<semaphore_mem>>)
      %mul3A_59 = arith.constant 16 : i32
      %mul3A_60 = arith.muli %add3A_30, %mul3A_59 : i32
      %add3A_61 = arith.constant 1 : i32
      %add3A_62 = arith.addi %mul3A_60, %add3A_61 : i32
      %slice3A_63 = vector.extract_strided_slice %get3A_35 {offsets = [1], sizes = [1], strides = [1]} : vector<16xi32> to vector<1xi32>
      %squeeze3A_64 = vector.extract %slice3A_63[0] : i32 from vector<1xi32>
      %dma_start3A_65 = arith.constant 0 : i32
      %dma_start3A_66 = tpu.memref_slice %arg10[%add3A_62, %dma_start3A_65] : memref<256x32xf32, #tpu.memory_space<vmem>> -> memref<1x32xf32, #tpu.memory_space<vmem>>
      %dma_start3A_67 = arith.constant 0 : i32
      %dma_start3A_68 = tpu.memref_slice %arg4[%squeeze3A_64, %dma_start3A_67] : memref<1000000x32xf32, #tpu.memory_space<hbm>> -> memref<1x32xf32, #tpu.memory_space<hbm>>
      %dma_start3A_69 = arith.constant 0 : i32
      %dma_start3A_70 = tpu.memref_slice %arg10[%add3A_62, %dma_start3A_69] : memref<256x32xf32, #tpu.memory_space<vmem>> -> memref<1x32xf32, #tpu.memory_space<vmem>>
      %dma_start3A_71 = arith.constant 0 : i32
      %dma_start3A_72 = tpu.memref_slice %arg4[%squeeze3A_64, %dma_start3A_71] : memref<1000000x32xf32, #tpu.memory_space<hbm>> -> memref<1x32xf32, #tpu.memory_space<hbm>>
      tpu.enqueue_dma source(%dma_start3A_72 : memref<1x32xf32, #tpu.memory_space<hbm>>) target(%dma_start3A_70 : memref<1x32xf32, #tpu.memory_space<vmem>>) target_semaphore(%arg13 : memref<!tpu.dma_semaphore, #tpu.memory_space<semaphore_mem>>)
      %slice3A_73 = vector.extract_strided_slice %get3A_37 {offsets = [1], sizes = [1], strides = [1]} : vector<16xi32> to vector<1xi32>
      %squeeze3A_74 = vector.extract %slice3A_73[0] : i32 from vector<1xi32>
      %dma_start3A_75 = arith.constant 0 : i32
      %dma_start3A_76 = tpu.memref_slice %arg11[%add3A_62, %dma_start3A_75] : memref<256x32xf32, #tpu.memory_space<vmem>> -> memref<1x32xf32, #tpu.memory_space<vmem>>
      %dma_start3A_77 = arith.constant 0 : i32
      %dma_start3A_78 = tpu.memref_slice %arg5[%squeeze3A_74, %dma_start3A_77] : memref<1000000x32xf32, #tpu.memory_space<hbm>> -> memref<1x32xf32, #tpu.memory_space<hbm>>
      %dma_start3A_79 = arith.constant 0 : i32
      %dma_start3A_80 = tpu.memref_slice %arg11[%add3A_62, %dma_start3A_79] : memref<256x32xf32, #tpu.memory_space<vmem>> -> memref<1x32xf32, #tpu.memory_space<vmem>>
      %dma_start3A_81 = arith.constant 0 : i32
      %dma_start3A_82 = tpu.memref_slice %arg5[%squeeze3A_74, %dma_start3A_81] : memref<1000000x32xf32, #tpu.memory_space<hbm>> -> memref<1x32xf32, #tpu.memory_space<hbm>>
      tpu.enqueue_dma source(%dma_start3A_82 : memref<1x32xf32, #tpu.memory_space<hbm>>) target(%dma_start3A_80 : memref<1x32xf32, #tpu.memory_space<vmem>>) target_semaphore(%arg13 : memref<!tpu.dma_semaphore, #tpu.memory_space<semaphore_mem>>)
      %mul3A_83 = arith.constant 16 : i32
      %mul3A_84 = arith.muli %add3A_30, %mul3A_83 : i32
      %add3A_85 = arith.constant 2 : i32
      %add3A_86 = arith.addi %mul3A_84, %add3A_85 : i32
      %slice3A_87 = vector.extract_strided_slice %get3A_35 {offsets = [2], sizes = [1], strides = [1]} : vector<16xi32> to vector<1xi32>
      %squeeze3A_88 = vector.extract %slice3A_87[0] : i32 from vector<1xi32>
      %dma_start3A_89 = arith.constant 0 : i32
      %dma_start3A_90 = tpu.memref_slice %arg10[%add3A_86, %dma_start3A_89] : memref<256x32xf32, #tpu.memory_space<vmem>> -> memref<1x32xf32, #tpu.memory_space<vmem>>
      %dma_start3A_91 = arith.constant 0 : i32
      %dma_start3A_92 = tpu.memref_slice %arg4[%squeeze3A_88, %dma_start3A_91] : memref<1000000x32xf32, #tpu.memory_space<hbm>> -> memref<1x32xf32, #tpu.memory_space<hbm>>
      %dma_start3A_93 = arith.constant 0 : i32
      %dma_start3A_94 = tpu.memref_slice %arg10[%add3A_86, %dma_start3A_93] : memref<256x32xf32, #tpu.memory_space<vmem>> -> memref<1x32xf32, #tpu.memory_space<vmem>>
      %dma_start3A_95 = arith.constant 0 : i32
      %dma_start3A_96 = tpu.memref_slice %arg4[%squeeze3A_88, %dma_start3A_95] : memref<1000000x32xf32, #tpu.memory_space<hbm>> -> memref<1x32xf32, #tpu.memory_space<hbm>>
      tpu.enqueue_dma source(%dma_start3A_96 : memref<1x32xf32, #tpu.memory_space<hbm>>) target(%dma_start3A_94 : memref<1x32xf32, #tpu.memory_space<vmem>>) target_semaphore(%arg13 : memref<!tpu.dma_semaphore, #tpu.memory_space<semaphore_mem>>)
      %slice3A_97 = vector.extract_strided_slice %get3A_37 {offsets = [2], sizes = [1], strides = [1]} : vector<16xi32> to vector<1xi32>
      %squeeze3A_98 = vector.extract %slice3A_97[0] : i32 from vector<1xi32>
      %dma_start3A_99 = arith.constant 0 : i32
      %dma_start3A_100 = tpu.memref_slice %arg11[%add3A_86, %dma_start3A_99] : memref<256x32xf32, #tpu.memory_space<vmem>> -> memref<1x32xf32, #tpu.memory_space<vmem>>
      %dma_start3A_101 = arith.constant 0 : i32
      %dma_start3A_102 = tpu.memref_slice %arg5[%squeeze3A_98, %dma_start3A_101] : memref<1000000x32xf32, #tpu.memory_space<hbm>> -> memref<1x32xf32, #tpu.memory_space<hbm>>
      %dma_start3A_103 = arith.constant 0 : i32
      %dma_start3A_104 = tpu.memref_slice %arg11[%add3A_86, %dma_start3A_103] : memref<256x32xf32, #tpu.memory_space<vmem>> -> memref<1x32xf32, #tpu.memory_space<vmem>>
      %dma_start3A_105 = arith.constant 0 : i32
      %dma_start3A_106 = tpu.memref_slice %arg5[%squeeze3A_98, %dma_start3A_105] : memref<1000000x32xf32, #tpu.memory_space<hbm>> -> memref<1x32xf32, #tpu.memory_space<hbm>>
      tpu.enqueue_dma source(%dma_start3A_106 : memref<1x32xf32, #tpu.memory_space<hbm>>) target(%dma_start3A_104 : memref<1x32xf32, #tpu.memory_space<vmem>>) target_semaphore(%arg13 : memref<!tpu.dma_semaphore, #tpu.memory_space<semaphore_mem>>)
      %mul3A_107 = arith.constant 16 : i32
      %mul3A_108 = arith.muli %add3A_30, %mul3A_107 : i32
      %add3A_109 = arith.constant 3 : i32
      %add3A_110 = arith.addi %mul3A_108, %add3A_109 : i32
      %slice3A_111 = vector.extract_strided_slice %get3A_35 {offsets = [3], sizes = [1], strides = [1]} : vector<16xi32> to vector<1xi32>
      %squeeze3A_112 = vector.extract %slice3A_111[0] : i32 from vector<1xi32>
      %dma_start3A_113 = arith.constant 0 : i32
      %dma_start3A_114 = tpu.memref_slice %arg10[%add3A_110, %dma_start3A_113] : memref<256x32xf32, #tpu.memory_space<vmem>> -> memref<1x32xf32, #tpu.memory_space<vmem>>
      %dma_start3A_115 = arith.constant 0 : i32
      %dma_start3A_116 = tpu.memref_slice %arg4[%squeeze3A_112, %dma_start3A_115] : memref<1000000x32xf32, #tpu.memory_space<hbm>> -> memref<1x32xf32, #tpu.memory_space<hbm>>
      %dma_start3A_117 = arith.constant 0 : i32
      %dma_start3A_118 = tpu.memref_slice %arg10[%add3A_110, %dma_start3A_117] : memref<256x32xf32, #tpu.memory_space<vmem>> -> memref<1x32xf32, #tpu.memory_space<vmem>>
      %dma_start3A_119 = arith.constant 0 : i32
      %dma_start3A_120 = tpu.memref_slice %arg4[%squeeze3A_112, %dma_start3A_119] : memref<1000000x32xf32, #tpu.memory_space<hbm>> -> memref<1x32xf32, #tpu.memory_space<hbm>>
      tpu.enqueue_dma source(%dma_start3A_120 : memref<1x32xf32, #tpu.memory_space<hbm>>) target(%dma_start3A_118 : memref<1x32xf32, #tpu.memory_space<vmem>>) target_semaphore(%arg13 : memref<!tpu.dma_semaphore, #tpu.memory_space<semaphore_mem>>)
      %slice3A_121 = vector.extract_strided_slice %get3A_37 {offsets = [3], sizes = [1], strides = [1]} : vector<16xi32> to vector<1xi32>
      %squeeze3A_122 = vector.extract %slice3A_121[0] : i32 from vector<1xi32>
      %dma_start3A_123 = arith.constant 0 : i32
      %dma_start3A_124 = tpu.memref_slice %arg11[%add3A_110, %dma_start3A_123] : memref<256x32xf32, #tpu.memory_space<vmem>> -> memref<1x32xf32, #tpu.memory_space<vmem>>
      %dma_start3A_125 = arith.constant 0 : i32
      %dma_start3A_126 = tpu.memref_slice %arg5[%squeeze3A_122, %dma_start3A_125] : memref<1000000x32xf32, #tpu.memory_space<hbm>> -> memref<1x32xf32, #tpu.memory_space<hbm>>
      %dma_start3A_127 = arith.constant 0 : i32
      %dma_start3A_128 = tpu.memref_slice %arg11[%add3A_110, %dma_start3A_127] : memref<256x32xf32, #tpu.memory_space<vmem>> -> memref<1x32xf32, #tpu.memory_space<vmem>>
      %dma_start3A_129 = arith.constant 0 : i32
      %dma_start3A_130 = tpu.memref_slice %arg5[%squeeze3A_122, %dma_start3A_129] : memref<1000000x32xf32, #tpu.memory_space<hbm>> -> memref<1x32xf32, #tpu.memory_space<hbm>>
      tpu.enqueue_dma source(%dma_start3A_130 : memref<1x32xf32, #tpu.memory_space<hbm>>) target(%dma_start3A_128 : memref<1x32xf32, #tpu.memory_space<vmem>>) target_semaphore(%arg13 : memref<!tpu.dma_semaphore, #tpu.memory_space<semaphore_mem>>)
      %mul3A_131 = arith.constant 16 : i32
      %mul3A_132 = arith.muli %add3A_30, %mul3A_131 : i32
      %add3A_133 = arith.constant 4 : i32
      %add3A_134 = arith.addi %mul3A_132, %add3A_133 : i32
      %slice3A_135 = vector.extract_strided_slice %get3A_35 {offsets = [4], sizes = [1], strides = [1]} : vector<16xi32> to vector<1xi32>
      %squeeze3A_136 = vector.extract %slice3A_135[0] : i32 from vector<1xi32>
      %dma_start3A_137 = arith.constant 0 : i32
      %dma_start3A_138 = tpu.memref_slice %arg10[%add3A_134, %dma_start3A_137] : memref<256x32xf32, #tpu.memory_space<vmem>> -> memref<1x32xf32, #tpu.memory_space<vmem>>
      %dma_start3A_139 = arith.constant 0 : i32
      %dma_start3A_140 = tpu.memref_slice %arg4[%squeeze3A_136, %dma_start3A_139] : memref<1000000x32xf32, #tpu.memory_space<hbm>> -> memref<1x32xf32, #tpu.memory_space<hbm>>
      %dma_start3A_141 = arith.constant 0 : i32
      %dma_start3A_142 = tpu.memref_slice %arg10[%add3A_134, %dma_start3A_141] : memref<256x32xf32, #tpu.memory_space<vmem>> -> memref<1x32xf32, #tpu.memory_space<vmem>>
      %dma_start3A_143 = arith.constant 0 : i32
      %dma_start3A_144 = tpu.memref_slice %arg4[%squeeze3A_136, %dma_start3A_143] : memref<1000000x32xf32, #tpu.memory_space<hbm>> -> memref<1x32xf32, #tpu.memory_space<hbm>>
      tpu.enqueue_dma source(%dma_start3A_144 : memref<1x32xf32, #tpu.memory_space<hbm>>) target(%dma_start3A_142 : memref<1x32xf32, #tpu.memory_space<vmem>>) target_semaphore(%arg13 : memref<!tpu.dma_semaphore, #tpu.memory_space<semaphore_mem>>)
      %slice3A_145 = vector.extract_strided_slice %get3A_37 {offsets = [4], sizes = [1], strides = [1]} : vector<16xi32> to vector<1xi32>
      %squeeze3A_146 = vector.extract %slice3A_145[0] : i32 from vector<1xi32>
      %dma_start3A_147 = arith.constant 0 : i32
      %dma_start3A_148 = tpu.memref_slice %arg11[%add3A_134, %dma_start3A_147] : memref<256x32xf32, #tpu.memory_space<vmem>> -> memref<1x32xf32, #tpu.memory_space<vmem>>
      %dma_start3A_149 = arith.constant 0 : i32
      %dma_start3A_150 = tpu.memref_slice %arg5[%squeeze3A_146, %dma_start3A_149] : memref<1000000x32xf32, #tpu.memory_space<hbm>> -> memref<1x32xf32, #tpu.memory_space<hbm>>
      %dma_start3A_151 = arith.constant 0 : i32
      %dma_start3A_152 = tpu.memref_slice %arg11[%add3A_134, %dma_start3A_151] : memref<256x32xf32, #tpu.memory_space<vmem>> -> memref<1x32xf32, #tpu.memory_space<vmem>>
      %dma_start3A_153 = arith.constant 0 : i32
      %dma_start3A_154 = tpu.memref_slice %arg5[%squeeze3A_146, %dma_start3A_153] : memref<1000000x32xf32, #tpu.memory_space<hbm>> -> memref<1x32xf32, #tpu.memory_space<hbm>>
      tpu.enqueue_dma source(%dma_start3A_154 : memref<1x32xf32, #tpu.memory_space<hbm>>) target(%dma_start3A_152 : memref<1x32xf32, #tpu.memory_space<vmem>>) target_semaphore(%arg13 : memref<!tpu.dma_semaphore, #tpu.memory_space<semaphore_mem>>)
      %mul3A_155 = arith.constant 16 : i32
      %mul3A_156 = arith.muli %add3A_30, %mul3A_155 : i32
      %add3A_157 = arith.constant 5 : i32
      %add3A_158 = arith.addi %mul3A_156, %add3A_157 : i32
      %slice3A_159 = vector.extract_strided_slice %get3A_35 {offsets = [5], sizes = [1], strides = [1]} : vector<16xi32> to vector<1xi32>
      %squeeze3A_160 = vector.extract %slice3A_159[0] : i32 from vector<1xi32>
      %dma_start3A_161 = arith.constant 0 : i32
      %dma_start3A_162 = tpu.memref_slice %arg10[%add3A_158, %dma_start3A_161] : memref<256x32xf32, #tpu.memory_space<vmem>> -> memref<1x32xf32, #tpu.memory_space<vmem>>
      %dma_start3A_163 = arith.constant 0 : i32
      %dma_start3A_164 = tpu.memref_slice %arg4[%squeeze3A_160, %dma_start3A_163] : memref<1000000x32xf32, #tpu.memory_space<hbm>> -> memref<1x32xf32, #tpu.memory_space<hbm>>
      %dma_start3A_165 = arith.constant 0 : i32
      %dma_start3A_166 = tpu.memref_slice %arg10[%add3A_158, %dma_start3A_165] : memref<256x32xf32, #tpu.memory_space<vmem>> -> memref<1x32xf32, #tpu.memory_space<vmem>>
      %dma_start3A_167 = arith.constant 0 : i32
      %dma_start3A_168 = tpu.memref_slice %arg4[%squeeze3A_160, %dma_start3A_167] : memref<1000000x32xf32, #tpu.memory_space<hbm>> -> memref<1x32xf32, #tpu.memory_space<hbm>>
      tpu.enqueue_dma source(%dma_start3A_168 : memref<1x32xf32, #tpu.memory_space<hbm>>) target(%dma_start3A_166 : memref<1x32xf32, #tpu.memory_space<vmem>>) target_semaphore(%arg13 : memref<!tpu.dma_semaphore, #tpu.memory_space<semaphore_mem>>)
      %slice3A_169 = vector.extract_strided_slice %get3A_37 {offsets = [5], sizes = [1], strides = [1]} : vector<16xi32> to vector<1xi32>
      %squeeze3A_170 = vector.extract %slice3A_169[0] : i32 from vector<1xi32>
      %dma_start3A_171 = arith.constant 0 : i32
      %dma_start3A_172 = tpu.memref_slice %arg11[%add3A_158, %dma_start3A_171] : memref<256x32xf32, #tpu.memory_space<vmem>> -> memref<1x32xf32, #tpu.memory_space<vmem>>
      %dma_start3A_173 = arith.constant 0 : i32
      %dma_start3A_174 = tpu.memref_slice %arg5[%squeeze3A_170, %dma_start3A_173] : memref<1000000x32xf32, #tpu.memory_space<hbm>> -> memref<1x32xf32, #tpu.memory_space<hbm>>
      %dma_start3A_175 = arith.constant 0 : i32
      %dma_start3A_176 = tpu.memref_slice %arg11[%add3A_158, %dma_start3A_175] : memref<256x32xf32, #tpu.memory_space<vmem>> -> memref<1x32xf32, #tpu.memory_space<vmem>>
      %dma_start3A_177 = arith.constant 0 : i32
      %dma_start3A_178 = tpu.memref_slice %arg5[%squeeze3A_170, %dma_start3A_177] : memref<1000000x32xf32, #tpu.memory_space<hbm>> -> memref<1x32xf32, #tpu.memory_space<hbm>>
      tpu.enqueue_dma source(%dma_start3A_178 : memref<1x32xf32, #tpu.memory_space<hbm>>) target(%dma_start3A_176 : memref<1x32xf32, #tpu.memory_space<vmem>>) target_semaphore(%arg13 : memref<!tpu.dma_semaphore, #tpu.memory_space<semaphore_mem>>)
      %mul3A_179 = arith.constant 16 : i32
      %mul3A_180 = arith.muli %add3A_30, %mul3A_179 : i32
      %add3A_181 = arith.constant 6 : i32
      %add3A_182 = arith.addi %mul3A_180, %add3A_181 : i32
      %slice3A_183 = vector.extract_strided_slice %get3A_35 {offsets = [6], sizes = [1], strides = [1]} : vector<16xi32> to vector<1xi32>
      %squeeze3A_184 = vector.extract %slice3A_183[0] : i32 from vector<1xi32>
      %dma_start3A_185 = arith.constant 0 : i32
      %dma_start3A_186 = tpu.memref_slice %arg10[%add3A_182, %dma_start3A_185] : memref<256x32xf32, #tpu.memory_space<vmem>> -> memref<1x32xf32, #tpu.memory_space<vmem>>
      %dma_start3A_187 = arith.constant 0 : i32
      %dma_start3A_188 = tpu.memref_slice %arg4[%squeeze3A_184, %dma_start3A_187] : memref<1000000x32xf32, #tpu.memory_space<hbm>> -> memref<1x32xf32, #tpu.memory_space<hbm>>
      %dma_start3A_189 = arith.constant 0 : i32
      %dma_start3A_190 = tpu.memref_slice %arg10[%add3A_182, %dma_start3A_189] : memref<256x32xf32, #tpu.memory_space<vmem>> -> memref<1x32xf32, #tpu.memory_space<vmem>>
      %dma_start3A_191 = arith.constant 0 : i32
      %dma_start3A_192 = tpu.memref_slice %arg4[%squeeze3A_184, %dma_start3A_191] : memref<1000000x32xf32, #tpu.memory_space<hbm>> -> memref<1x32xf32, #tpu.memory_space<hbm>>
      tpu.enqueue_dma source(%dma_start3A_192 : memref<1x32xf32, #tpu.memory_space<hbm>>) target(%dma_start3A_190 : memref<1x32xf32, #tpu.memory_space<vmem>>) target_semaphore(%arg13 : memref<!tpu.dma_semaphore, #tpu.memory_space<semaphore_mem>>)
      %slice3A_193 = vector.extract_strided_slice %get3A_37 {offsets = [6], sizes = [1], strides = [1]} : vector<16xi32> to vector<1xi32>
      %squeeze3A_194 = vector.extract %slice3A_193[0] : i32 from vector<1xi32>
      %dma_start3A_195 = arith.constant 0 : i32
      %dma_start3A_196 = tpu.memref_slice %arg11[%add3A_182, %dma_start3A_195] : memref<256x32xf32, #tpu.memory_space<vmem>> -> memref<1x32xf32, #tpu.memory_space<vmem>>
      %dma_start3A_197 = arith.constant 0 : i32
      %dma_start3A_198 = tpu.memref_slice %arg5[%squeeze3A_194, %dma_start3A_197] : memref<1000000x32xf32, #tpu.memory_space<hbm>> -> memref<1x32xf32, #tpu.memory_space<hbm>>
      %dma_start3A_199 = arith.constant 0 : i32
      %dma_start3A_200 = tpu.memref_slice %arg11[%add3A_182, %dma_start3A_199] : memref<256x32xf32, #tpu.memory_space<vmem>> -> memref<1x32xf32, #tpu.memory_space<vmem>>
      %dma_start3A_201 = arith.constant 0 : i32
      %dma_start3A_202 = tpu.memref_slice %arg5[%squeeze3A_194, %dma_start3A_201] : memref<1000000x32xf32, #tpu.memory_space<hbm>> -> memref<1x32xf32, #tpu.memory_space<hbm>>
      tpu.enqueue_dma source(%dma_start3A_202 : memref<1x32xf32, #tpu.memory_space<hbm>>) target(%dma_start3A_200 : memref<1x32xf32, #tpu.memory_space<vmem>>) target_semaphore(%arg13 : memref<!tpu.dma_semaphore, #tpu.memory_space<semaphore_mem>>)
      %mul3A_203 = arith.constant 16 : i32
      %mul3A_204 = arith.muli %add3A_30, %mul3A_203 : i32
      %add3A_205 = arith.constant 7 : i32
      %add3A_206 = arith.addi %mul3A_204, %add3A_205 : i32
      %slice3A_207 = vector.extract_strided_slice %get3A_35 {offsets = [7], sizes = [1], strides = [1]} : vector<16xi32> to vector<1xi32>
      %squeeze3A_208 = vector.extract %slice3A_207[0] : i32 from vector<1xi32>
      %dma_start3A_209 = arith.constant 0 : i32
      %dma_start3A_210 = tpu.memref_slice %arg10[%add3A_206, %dma_start3A_209] : memref<256x32xf32, #tpu.memory_space<vmem>> -> memref<1x32xf32, #tpu.memory_space<vmem>>
      %dma_start3A_211 = arith.constant 0 : i32
      %dma_start3A_212 = tpu.memref_slice %arg4[%squeeze3A_208, %dma_start3A_211] : memref<1000000x32xf32, #tpu.memory_space<hbm>> -> memref<1x32xf32, #tpu.memory_space<hbm>>
      %dma_start3A_213 = arith.constant 0 : i32
      %dma_start3A_214 = tpu.memref_slice %arg10[%add3A_206, %dma_start3A_213] : memref<256x32xf32, #tpu.memory_space<vmem>> -> memref<1x32xf32, #tpu.memory_space<vmem>>
      %dma_start3A_215 = arith.constant 0 : i32
      %dma_start3A_216 = tpu.memref_slice %arg4[%squeeze3A_208, %dma_start3A_215] : memref<1000000x32xf32, #tpu.memory_space<hbm>> -> memref<1x32xf32, #tpu.memory_space<hbm>>
      tpu.enqueue_dma source(%dma_start3A_216 : memref<1x32xf32, #tpu.memory_space<hbm>>) target(%dma_start3A_214 : memref<1x32xf32, #tpu.memory_space<vmem>>) target_semaphore(%arg13 : memref<!tpu.dma_semaphore, #tpu.memory_space<semaphore_mem>>)
      %slice3A_217 = vector.extract_strided_slice %get3A_37 {offsets = [7], sizes = [1], strides = [1]} : vector<16xi32> to vector<1xi32>
      %squeeze3A_218 = vector.extract %slice3A_217[0] : i32 from vector<1xi32>
      %dma_start3A_219 = arith.constant 0 : i32
      %dma_start3A_220 = tpu.memref_slice %arg11[%add3A_206, %dma_start3A_219] : memref<256x32xf32, #tpu.memory_space<vmem>> -> memref<1x32xf32, #tpu.memory_space<vmem>>
      %dma_start3A_221 = arith.constant 0 : i32
      %dma_start3A_222 = tpu.memref_slice %arg5[%squeeze3A_218, %dma_start3A_221] : memref<1000000x32xf32, #tpu.memory_space<hbm>> -> memref<1x32xf32, #tpu.memory_space<hbm>>
      %dma_start3A_223 = arith.constant 0 : i32
      %dma_start3A_224 = tpu.memref_slice %arg11[%add3A_206, %dma_start3A_223] : memref<256x32xf32, #tpu.memory_space<vmem>> -> memref<1x32xf32, #tpu.memory_space<vmem>>
      %dma_start3A_225 = arith.constant 0 : i32
      %dma_start3A_226 = tpu.memref_slice %arg5[%squeeze3A_218, %dma_start3A_225] : memref<1000000x32xf32, #tpu.memory_space<hbm>> -> memref<1x32xf32, #tpu.memory_space<hbm>>
      tpu.enqueue_dma source(%dma_start3A_226 : memref<1x32xf32, #tpu.memory_space<hbm>>) target(%dma_start3A_224 : memref<1x32xf32, #tpu.memory_space<vmem>>) target_semaphore(%arg13 : memref<!tpu.dma_semaphore, #tpu.memory_space<semaphore_mem>>)
      %mul3A_227 = arith.constant 16 : i32
      %mul3A_228 = arith.muli %add3A_30, %mul3A_227 : i32
      %add3A_229 = arith.constant 8 : i32
      %add3A_230 = arith.addi %mul3A_228, %add3A_229 : i32
      %slice3A_231 = vector.extract_strided_slice %get3A_35 {offsets = [8], sizes = [1], strides = [1]} : vector<16xi32> to vector<1xi32>
      %squeeze3A_232 = vector.extract %slice3A_231[0] : i32 from vector<1xi32>
      %dma_start3A_233 = arith.constant 0 : i32
      %dma_start3A_234 = tpu.memref_slice %arg10[%add3A_230, %dma_start3A_233] : memref<256x32xf32, #tpu.memory_space<vmem>> -> memref<1x32xf32, #tpu.memory_space<vmem>>
      %dma_start3A_235 = arith.constant 0 : i32
      %dma_start3A_236 = tpu.memref_slice %arg4[%squeeze3A_232, %dma_start3A_235] : memref<1000000x32xf32, #tpu.memory_space<hbm>> -> memref<1x32xf32, #tpu.memory_space<hbm>>
      %dma_start3A_237 = arith.constant 0 : i32
      %dma_start3A_238 = tpu.memref_slice %arg10[%add3A_230, %dma_start3A_237] : memref<256x32xf32, #tpu.memory_space<vmem>> -> memref<1x32xf32, #tpu.memory_space<vmem>>
      %dma_start3A_239 = arith.constant 0 : i32
      %dma_start3A_240 = tpu.memref_slice %arg4[%squeeze3A_232, %dma_start3A_239] : memref<1000000x32xf32, #tpu.memory_space<hbm>> -> memref<1x32xf32, #tpu.memory_space<hbm>>
      tpu.enqueue_dma source(%dma_start3A_240 : memref<1x32xf32, #tpu.memory_space<hbm>>) target(%dma_start3A_238 : memref<1x32xf32, #tpu.memory_space<vmem>>) target_semaphore(%arg13 : memref<!tpu.dma_semaphore, #tpu.memory_space<semaphore_mem>>)
      %slice3A_241 = vector.extract_strided_slice %get3A_37 {offsets = [8], sizes = [1], strides = [1]} : vector<16xi32> to vector<1xi32>
      %squeeze3A_242 = vector.extract %slice3A_241[0] : i32 from vector<1xi32>
      %dma_start3A_243 = arith.constant 0 : i32
      %dma_start3A_244 = tpu.memref_slice %arg11[%add3A_230, %dma_start3A_243] : memref<256x32xf32, #tpu.memory_space<vmem>> -> memref<1x32xf32, #tpu.memory_space<vmem>>
      %dma_start3A_245 = arith.constant 0 : i32
      %dma_start3A_246 = tpu.memref_slice %arg5[%squeeze3A_242, %dma_start3A_245] : memref<1000000x32xf32, #tpu.memory_space<hbm>> -> memref<1x32xf32, #tpu.memory_space<hbm>>
      %dma_start3A_247 = arith.constant 0 : i32
      %dma_start3A_248 = tpu.memref_slice %arg11[%add3A_230, %dma_start3A_247] : memref<256x32xf32, #tpu.memory_space<vmem>> -> memref<1x32xf32, #tpu.memory_space<vmem>>
      %dma_start3A_249 = arith.constant 0 : i32
      %dma_start3A_250 = tpu.memref_slice %arg5[%squeeze3A_242, %dma_start3A_249] : memref<1000000x32xf32, #tpu.memory_space<hbm>> -> memref<1x32xf32, #tpu.memory_space<hbm>>
      tpu.enqueue_dma source(%dma_start3A_250 : memref<1x32xf32, #tpu.memory_space<hbm>>) target(%dma_start3A_248 : memref<1x32xf32, #tpu.memory_space<vmem>>) target_semaphore(%arg13 : memref<!tpu.dma_semaphore, #tpu.memory_space<semaphore_mem>>)
      %mul3A_251 = arith.constant 16 : i32
      %mul3A_252 = arith.muli %add3A_30, %mul3A_251 : i32
      %add3A_253 = arith.constant 9 : i32
      %add3A_254 = arith.addi %mul3A_252, %add3A_253 : i32
      %slice3A_255 = vector.extract_strided_slice %get3A_35 {offsets = [9], sizes = [1], strides = [1]} : vector<16xi32> to vector<1xi32>
      %squeeze3A_256 = vector.extract %slice3A_255[0] : i32 from vector<1xi32>
      %dma_start3A_257 = arith.constant 0 : i32
      %dma_start3A_258 = tpu.memref_slice %arg10[%add3A_254, %dma_start3A_257] : memref<256x32xf32, #tpu.memory_space<vmem>> -> memref<1x32xf32, #tpu.memory_space<vmem>>
      %dma_start3A_259 = arith.constant 0 : i32
      %dma_start3A_260 = tpu.memref_slice %arg4[%squeeze3A_256, %dma_start3A_259] : memref<1000000x32xf32, #tpu.memory_space<hbm>> -> memref<1x32xf32, #tpu.memory_space<hbm>>
      %dma_start3A_261 = arith.constant 0 : i32
      %dma_start3A_262 = tpu.memref_slice %arg10[%add3A_254, %dma_start3A_261] : memref<256x32xf32, #tpu.memory_space<vmem>> -> memref<1x32xf32, #tpu.memory_space<vmem>>
      %dma_start3A_263 = arith.constant 0 : i32
      %dma_start3A_264 = tpu.memref_slice %arg4[%squeeze3A_256, %dma_start3A_263] : memref<1000000x32xf32, #tpu.memory_space<hbm>> -> memref<1x32xf32, #tpu.memory_space<hbm>>
      tpu.enqueue_dma source(%dma_start3A_264 : memref<1x32xf32, #tpu.memory_space<hbm>>) target(%dma_start3A_262 : memref<1x32xf32, #tpu.memory_space<vmem>>) target_semaphore(%arg13 : memref<!tpu.dma_semaphore, #tpu.memory_space<semaphore_mem>>)
      %slice3A_265 = vector.extract_strided_slice %get3A_37 {offsets = [9], sizes = [1], strides = [1]} : vector<16xi32> to vector<1xi32>
      %squeeze3A_266 = vector.extract %slice3A_265[0] : i32 from vector<1xi32>
      %dma_start3A_267 = arith.constant 0 : i32
      %dma_start3A_268 = tpu.memref_slice %arg11[%add3A_254, %dma_start3A_267] : memref<256x32xf32, #tpu.memory_space<vmem>> -> memref<1x32xf32, #tpu.memory_space<vmem>>
      %dma_start3A_269 = arith.constant 0 : i32
      %dma_start3A_270 = tpu.memref_slice %arg5[%squeeze3A_266, %dma_start3A_269] : memref<1000000x32xf32, #tpu.memory_space<hbm>> -> memref<1x32xf32, #tpu.memory_space<hbm>>
      %dma_start3A_271 = arith.constant 0 : i32
      %dma_start3A_272 = tpu.memref_slice %arg11[%add3A_254, %dma_start3A_271] : memref<256x32xf32, #tpu.memory_space<vmem>> -> memref<1x32xf32, #tpu.memory_space<vmem>>
      %dma_start3A_273 = arith.constant 0 : i32
      %dma_start3A_274 = tpu.memref_slice %arg5[%squeeze3A_266, %dma_start3A_273] : memref<1000000x32xf32, #tpu.memory_space<hbm>> -> memref<1x32xf32, #tpu.memory_space<hbm>>
      tpu.enqueue_dma source(%dma_start3A_274 : memref<1x32xf32, #tpu.memory_space<hbm>>) target(%dma_start3A_272 : memref<1x32xf32, #tpu.memory_space<vmem>>) target_semaphore(%arg13 : memref<!tpu.dma_semaphore, #tpu.memory_space<semaphore_mem>>)
      %mul3A_275 = arith.constant 16 : i32
      %mul3A_276 = arith.muli %add3A_30, %mul3A_275 : i32
      %add3A_277 = arith.constant 10 : i32
      %add3A_278 = arith.addi %mul3A_276, %add3A_277 : i32
      %slice3A_279 = vector.extract_strided_slice %get3A_35 {offsets = [10], sizes = [1], strides = [1]} : vector<16xi32> to vector<1xi32>
      %squeeze3A_280 = vector.extract %slice3A_279[0] : i32 from vector<1xi32>
      %dma_start3A_281 = arith.constant 0 : i32
      %dma_start3A_282 = tpu.memref_slice %arg10[%add3A_278, %dma_start3A_281] : memref<256x32xf32, #tpu.memory_space<vmem>> -> memref<1x32xf32, #tpu.memory_space<vmem>>
      %dma_start3A_283 = arith.constant 0 : i32
      %dma_start3A_284 = tpu.memref_slice %arg4[%squeeze3A_280, %dma_start3A_283] : memref<1000000x32xf32, #tpu.memory_space<hbm>> -> memref<1x32xf32, #tpu.memory_space<hbm>>
      %dma_start3A_285 = arith.constant 0 : i32
      %dma_start3A_286 = tpu.memref_slice %arg10[%add3A_278, %dma_start3A_285] : memref<256x32xf32, #tpu.memory_space<vmem>> -> memref<1x32xf32, #tpu.memory_space<vmem>>
      %dma_start3A_287 = arith.constant 0 : i32
      %dma_start3A_288 = tpu.memref_slice %arg4[%squeeze3A_280, %dma_start3A_287] : memref<1000000x32xf32, #tpu.memory_space<hbm>> -> memref<1x32xf32, #tpu.memory_space<hbm>>
      tpu.enqueue_dma source(%dma_start3A_288 : memref<1x32xf32, #tpu.memory_space<hbm>>) target(%dma_start3A_286 : memref<1x32xf32, #tpu.memory_space<vmem>>) target_semaphore(%arg13 : memref<!tpu.dma_semaphore, #tpu.memory_space<semaphore_mem>>)
      %slice3A_289 = vector.extract_strided_slice %get3A_37 {offsets = [10], sizes = [1], strides = [1]} : vector<16xi32> to vector<1xi32>
      %squeeze3A_290 = vector.extract %slice3A_289[0] : i32 from vector<1xi32>
      %dma_start3A_291 = arith.constant 0 : i32
      %dma_start3A_292 = tpu.memref_slice %arg11[%add3A_278, %dma_start3A_291] : memref<256x32xf32, #tpu.memory_space<vmem>> -> memref<1x32xf32, #tpu.memory_space<vmem>>
      %dma_start3A_293 = arith.constant 0 : i32
      %dma_start3A_294 = tpu.memref_slice %arg5[%squeeze3A_290, %dma_start3A_293] : memref<1000000x32xf32, #tpu.memory_space<hbm>> -> memref<1x32xf32, #tpu.memory_space<hbm>>
      %dma_start3A_295 = arith.constant 0 : i32
      %dma_start3A_296 = tpu.memref_slice %arg11[%add3A_278, %dma_start3A_295] : memref<256x32xf32, #tpu.memory_space<vmem>> -> memref<1x32xf32, #tpu.memory_space<vmem>>
      %dma_start3A_297 = arith.constant 0 : i32
      %dma_start3A_298 = tpu.memref_slice %arg5[%squeeze3A_290, %dma_start3A_297] : memref<1000000x32xf32, #tpu.memory_space<hbm>> -> memref<1x32xf32, #tpu.memory_space<hbm>>
      tpu.enqueue_dma source(%dma_start3A_298 : memref<1x32xf32, #tpu.memory_space<hbm>>) target(%dma_start3A_296 : memref<1x32xf32, #tpu.memory_space<vmem>>) target_semaphore(%arg13 : memref<!tpu.dma_semaphore, #tpu.memory_space<semaphore_mem>>)
      %mul3A_299 = arith.constant 16 : i32
      %mul3A_300 = arith.muli %add3A_30, %mul3A_299 : i32
      %add3A_301 = arith.constant 11 : i32
      %add3A_302 = arith.addi %mul3A_300, %add3A_301 : i32
      %slice3A_303 = vector.extract_strided_slice %get3A_35 {offsets = [11], sizes = [1], strides = [1]} : vector<16xi32> to vector<1xi32>
      %squeeze3A_304 = vector.extract %slice3A_303[0] : i32 from vector<1xi32>
      %dma_start3A_305 = arith.constant 0 : i32
      %dma_start3A_306 = tpu.memref_slice %arg10[%add3A_302, %dma_start3A_305] : memref<256x32xf32, #tpu.memory_space<vmem>> -> memref<1x32xf32, #tpu.memory_space<vmem>>
      %dma_start3A_307 = arith.constant 0 : i32
      %dma_start3A_308 = tpu.memref_slice %arg4[%squeeze3A_304, %dma_start3A_307] : memref<1000000x32xf32, #tpu.memory_space<hbm>> -> memref<1x32xf32, #tpu.memory_space<hbm>>
      %dma_start3A_309 = arith.constant 0 : i32
      %dma_start3A_310 = tpu.memref_slice %arg10[%add3A_302, %dma_start3A_309] : memref<256x32xf32, #tpu.memory_space<vmem>> -> memref<1x32xf32, #tpu.memory_space<vmem>>
      %dma_start3A_311 = arith.constant 0 : i32
      %dma_start3A_312 = tpu.memref_slice %arg4[%squeeze3A_304, %dma_start3A_311] : memref<1000000x32xf32, #tpu.memory_space<hbm>> -> memref<1x32xf32, #tpu.memory_space<hbm>>
      tpu.enqueue_dma source(%dma_start3A_312 : memref<1x32xf32, #tpu.memory_space<hbm>>) target(%dma_start3A_310 : memref<1x32xf32, #tpu.memory_space<vmem>>) target_semaphore(%arg13 : memref<!tpu.dma_semaphore, #tpu.memory_space<semaphore_mem>>)
      %slice3A_313 = vector.extract_strided_slice %get3A_37 {offsets = [11], sizes = [1], strides = [1]} : vector<16xi32> to vector<1xi32>
      %squeeze3A_314 = vector.extract %slice3A_313[0] : i32 from vector<1xi32>
      %dma_start3A_315 = arith.constant 0 : i32
      %dma_start3A_316 = tpu.memref_slice %arg11[%add3A_302, %dma_start3A_315] : memref<256x32xf32, #tpu.memory_space<vmem>> -> memref<1x32xf32, #tpu.memory_space<vmem>>
      %dma_start3A_317 = arith.constant 0 : i32
      %dma_start3A_318 = tpu.memref_slice %arg5[%squeeze3A_314, %dma_start3A_317] : memref<1000000x32xf32, #tpu.memory_space<hbm>> -> memref<1x32xf32, #tpu.memory_space<hbm>>
      %dma_start3A_319 = arith.constant 0 : i32
      %dma_start3A_320 = tpu.memref_slice %arg11[%add3A_302, %dma_start3A_319] : memref<256x32xf32, #tpu.memory_space<vmem>> -> memref<1x32xf32, #tpu.memory_space<vmem>>
      %dma_start3A_321 = arith.constant 0 : i32
      %dma_start3A_322 = tpu.memref_slice %arg5[%squeeze3A_314, %dma_start3A_321] : memref<1000000x32xf32, #tpu.memory_space<hbm>> -> memref<1x32xf32, #tpu.memory_space<hbm>>
      tpu.enqueue_dma source(%dma_start3A_322 : memref<1x32xf32, #tpu.memory_space<hbm>>) target(%dma_start3A_320 : memref<1x32xf32, #tpu.memory_space<vmem>>) target_semaphore(%arg13 : memref<!tpu.dma_semaphore, #tpu.memory_space<semaphore_mem>>)
      %mul3A_323 = arith.constant 16 : i32
      %mul3A_324 = arith.muli %add3A_30, %mul3A_323 : i32
      %add3A_325 = arith.constant 12 : i32
      %add3A_326 = arith.addi %mul3A_324, %add3A_325 : i32
      %slice3A_327 = vector.extract_strided_slice %get3A_35 {offsets = [12], sizes = [1], strides = [1]} : vector<16xi32> to vector<1xi32>
      %squeeze3A_328 = vector.extract %slice3A_327[0] : i32 from vector<1xi32>
      %dma_start3A_329 = arith.constant 0 : i32
      %dma_start3A_330 = tpu.memref_slice %arg10[%add3A_326, %dma_start3A_329] : memref<256x32xf32, #tpu.memory_space<vmem>> -> memref<1x32xf32, #tpu.memory_space<vmem>>
      %dma_start3A_331 = arith.constant 0 : i32
      %dma_start3A_332 = tpu.memref_slice %arg4[%squeeze3A_328, %dma_start3A_331] : memref<1000000x32xf32, #tpu.memory_space<hbm>> -> memref<1x32xf32, #tpu.memory_space<hbm>>
      %dma_start3A_333 = arith.constant 0 : i32
      %dma_start3A_334 = tpu.memref_slice %arg10[%add3A_326, %dma_start3A_333] : memref<256x32xf32, #tpu.memory_space<vmem>> -> memref<1x32xf32, #tpu.memory_space<vmem>>
      %dma_start3A_335 = arith.constant 0 : i32
      %dma_start3A_336 = tpu.memref_slice %arg4[%squeeze3A_328, %dma_start3A_335] : memref<1000000x32xf32, #tpu.memory_space<hbm>> -> memref<1x32xf32, #tpu.memory_space<hbm>>
      tpu.enqueue_dma source(%dma_start3A_336 : memref<1x32xf32, #tpu.memory_space<hbm>>) target(%dma_start3A_334 : memref<1x32xf32, #tpu.memory_space<vmem>>) target_semaphore(%arg13 : memref<!tpu.dma_semaphore, #tpu.memory_space<semaphore_mem>>)
      %slice3A_337 = vector.extract_strided_slice %get3A_37 {offsets = [12], sizes = [1], strides = [1]} : vector<16xi32> to vector<1xi32>
      %squeeze3A_338 = vector.extract %slice3A_337[0] : i32 from vector<1xi32>
      %dma_start3A_339 = arith.constant 0 : i32
      %dma_start3A_340 = tpu.memref_slice %arg11[%add3A_326, %dma_start3A_339] : memref<256x32xf32, #tpu.memory_space<vmem>> -> memref<1x32xf32, #tpu.memory_space<vmem>>
      %dma_start3A_341 = arith.constant 0 : i32
      %dma_start3A_342 = tpu.memref_slice %arg5[%squeeze3A_338, %dma_start3A_341] : memref<1000000x32xf32, #tpu.memory_space<hbm>> -> memref<1x32xf32, #tpu.memory_space<hbm>>
      %dma_start3A_343 = arith.constant 0 : i32
      %dma_start3A_344 = tpu.memref_slice %arg11[%add3A_326, %dma_start3A_343] : memref<256x32xf32, #tpu.memory_space<vmem>> -> memref<1x32xf32, #tpu.memory_space<vmem>>
      %dma_start3A_345 = arith.constant 0 : i32
      %dma_start3A_346 = tpu.memref_slice %arg5[%squeeze3A_338, %dma_start3A_345] : memref<1000000x32xf32, #tpu.memory_space<hbm>> -> memref<1x32xf32, #tpu.memory_space<hbm>>
      tpu.enqueue_dma source(%dma_start3A_346 : memref<1x32xf32, #tpu.memory_space<hbm>>) target(%dma_start3A_344 : memref<1x32xf32, #tpu.memory_space<vmem>>) target_semaphore(%arg13 : memref<!tpu.dma_semaphore, #tpu.memory_space<semaphore_mem>>)
      %mul3A_347 = arith.constant 16 : i32
      %mul3A_348 = arith.muli %add3A_30, %mul3A_347 : i32
      %add3A_349 = arith.constant 13 : i32
      %add3A_350 = arith.addi %mul3A_348, %add3A_349 : i32
      %slice3A_351 = vector.extract_strided_slice %get3A_35 {offsets = [13], sizes = [1], strides = [1]} : vector<16xi32> to vector<1xi32>
      %squeeze3A_352 = vector.extract %slice3A_351[0] : i32 from vector<1xi32>
      %dma_start3A_353 = arith.constant 0 : i32
      %dma_start3A_354 = tpu.memref_slice %arg10[%add3A_350, %dma_start3A_353] : memref<256x32xf32, #tpu.memory_space<vmem>> -> memref<1x32xf32, #tpu.memory_space<vmem>>
      %dma_start3A_355 = arith.constant 0 : i32
      %dma_start3A_356 = tpu.memref_slice %arg4[%squeeze3A_352, %dma_start3A_355] : memref<1000000x32xf32, #tpu.memory_space<hbm>> -> memref<1x32xf32, #tpu.memory_space<hbm>>
      %dma_start3A_357 = arith.constant 0 : i32
      %dma_start3A_358 = tpu.memref_slice %arg10[%add3A_350, %dma_start3A_357] : memref<256x32xf32, #tpu.memory_space<vmem>> -> memref<1x32xf32, #tpu.memory_space<vmem>>
      %dma_start3A_359 = arith.constant 0 : i32
      %dma_start3A_360 = tpu.memref_slice %arg4[%squeeze3A_352, %dma_start3A_359] : memref<1000000x32xf32, #tpu.memory_space<hbm>> -> memref<1x32xf32, #tpu.memory_space<hbm>>
      tpu.enqueue_dma source(%dma_start3A_360 : memref<1x32xf32, #tpu.memory_space<hbm>>) target(%dma_start3A_358 : memref<1x32xf32, #tpu.memory_space<vmem>>) target_semaphore(%arg13 : memref<!tpu.dma_semaphore, #tpu.memory_space<semaphore_mem>>)
      %slice3A_361 = vector.extract_strided_slice %get3A_37 {offsets = [13], sizes = [1], strides = [1]} : vector<16xi32> to vector<1xi32>
      %squeeze3A_362 = vector.extract %slice3A_361[0] : i32 from vector<1xi32>
      %dma_start3A_363 = arith.constant 0 : i32
      %dma_start3A_364 = tpu.memref_slice %arg11[%add3A_350, %dma_start3A_363] : memref<256x32xf32, #tpu.memory_space<vmem>> -> memref<1x32xf32, #tpu.memory_space<vmem>>
      %dma_start3A_365 = arith.constant 0 : i32
      %dma_start3A_366 = tpu.memref_slice %arg5[%squeeze3A_362, %dma_start3A_365] : memref<1000000x32xf32, #tpu.memory_space<hbm>> -> memref<1x32xf32, #tpu.memory_space<hbm>>
      %dma_start3A_367 = arith.constant 0 : i32
      %dma_start3A_368 = tpu.memref_slice %arg11[%add3A_350, %dma_start3A_367] : memref<256x32xf32, #tpu.memory_space<vmem>> -> memref<1x32xf32, #tpu.memory_space<vmem>>
      %dma_start3A_369 = arith.constant 0 : i32
      %dma_start3A_370 = tpu.memref_slice %arg5[%squeeze3A_362, %dma_start3A_369] : memref<1000000x32xf32, #tpu.memory_space<hbm>> -> memref<1x32xf32, #tpu.memory_space<hbm>>
      tpu.enqueue_dma source(%dma_start3A_370 : memref<1x32xf32, #tpu.memory_space<hbm>>) target(%dma_start3A_368 : memref<1x32xf32, #tpu.memory_space<vmem>>) target_semaphore(%arg13 : memref<!tpu.dma_semaphore, #tpu.memory_space<semaphore_mem>>)
      %mul3A_371 = arith.constant 16 : i32
      %mul3A_372 = arith.muli %add3A_30, %mul3A_371 : i32
      %add3A_373 = arith.constant 14 : i32
      %add3A_374 = arith.addi %mul3A_372, %add3A_373 : i32
      %slice3A_375 = vector.extract_strided_slice %get3A_35 {offsets = [14], sizes = [1], strides = [1]} : vector<16xi32> to vector<1xi32>
      %squeeze3A_376 = vector.extract %slice3A_375[0] : i32 from vector<1xi32>
      %dma_start3A_377 = arith.constant 0 : i32
      %dma_start3A_378 = tpu.memref_slice %arg10[%add3A_374, %dma_start3A_377] : memref<256x32xf32, #tpu.memory_space<vmem>> -> memref<1x32xf32, #tpu.memory_space<vmem>>
      %dma_start3A_379 = arith.constant 0 : i32
      %dma_start3A_380 = tpu.memref_slice %arg4[%squeeze3A_376, %dma_start3A_379] : memref<1000000x32xf32, #tpu.memory_space<hbm>> -> memref<1x32xf32, #tpu.memory_space<hbm>>
      %dma_start3A_381 = arith.constant 0 : i32
      %dma_start3A_382 = tpu.memref_slice %arg10[%add3A_374, %dma_start3A_381] : memref<256x32xf32, #tpu.memory_space<vmem>> -> memref<1x32xf32, #tpu.memory_space<vmem>>
      %dma_start3A_383 = arith.constant 0 : i32
      %dma_start3A_384 = tpu.memref_slice %arg4[%squeeze3A_376, %dma_start3A_383] : memref<1000000x32xf32, #tpu.memory_space<hbm>> -> memref<1x32xf32, #tpu.memory_space<hbm>>
      tpu.enqueue_dma source(%dma_start3A_384 : memref<1x32xf32, #tpu.memory_space<hbm>>) target(%dma_start3A_382 : memref<1x32xf32, #tpu.memory_space<vmem>>) target_semaphore(%arg13 : memref<!tpu.dma_semaphore, #tpu.memory_space<semaphore_mem>>)
      %slice3A_385 = vector.extract_strided_slice %get3A_37 {offsets = [14], sizes = [1], strides = [1]} : vector<16xi32> to vector<1xi32>
      %squeeze3A_386 = vector.extract %slice3A_385[0] : i32 from vector<1xi32>
      %dma_start3A_387 = arith.constant 0 : i32
      %dma_start3A_388 = tpu.memref_slice %arg11[%add3A_374, %dma_start3A_387] : memref<256x32xf32, #tpu.memory_space<vmem>> -> memref<1x32xf32, #tpu.memory_space<vmem>>
      %dma_start3A_389 = arith.constant 0 : i32
      %dma_start3A_390 = tpu.memref_slice %arg5[%squeeze3A_386, %dma_start3A_389] : memref<1000000x32xf32, #tpu.memory_space<hbm>> -> memref<1x32xf32, #tpu.memory_space<hbm>>
      %dma_start3A_391 = arith.constant 0 : i32
      %dma_start3A_392 = tpu.memref_slice %arg11[%add3A_374, %dma_start3A_391] : memref<256x32xf32, #tpu.memory_space<vmem>> -> memref<1x32xf32, #tpu.memory_space<vmem>>
      %dma_start3A_393 = arith.constant 0 : i32
      %dma_start3A_394 = tpu.memref_slice %arg5[%squeeze3A_386, %dma_start3A_393] : memref<1000000x32xf32, #tpu.memory_space<hbm>> -> memref<1x32xf32, #tpu.memory_space<hbm>>
      tpu.enqueue_dma source(%dma_start3A_394 : memref<1x32xf32, #tpu.memory_space<hbm>>) target(%dma_start3A_392 : memref<1x32xf32, #tpu.memory_space<vmem>>) target_semaphore(%arg13 : memref<!tpu.dma_semaphore, #tpu.memory_space<semaphore_mem>>)
      %mul3A_395 = arith.constant 16 : i32
      %mul3A_396 = arith.muli %add3A_30, %mul3A_395 : i32
      %add3A_397 = arith.constant 15 : i32
      %add3A_398 = arith.addi %mul3A_396, %add3A_397 : i32
      %slice3A_399 = vector.extract_strided_slice %get3A_35 {offsets = [15], sizes = [1], strides = [1]} : vector<16xi32> to vector<1xi32>
      %squeeze3A_400 = vector.extract %slice3A_399[0] : i32 from vector<1xi32>
      %dma_start3A_401 = arith.constant 0 : i32
      %dma_start3A_402 = tpu.memref_slice %arg10[%add3A_398, %dma_start3A_401] : memref<256x32xf32, #tpu.memory_space<vmem>> -> memref<1x32xf32, #tpu.memory_space<vmem>>
      %dma_start3A_403 = arith.constant 0 : i32
      %dma_start3A_404 = tpu.memref_slice %arg4[%squeeze3A_400, %dma_start3A_403] : memref<1000000x32xf32, #tpu.memory_space<hbm>> -> memref<1x32xf32, #tpu.memory_space<hbm>>
      %dma_start3A_405 = arith.constant 0 : i32
      %dma_start3A_406 = tpu.memref_slice %arg10[%add3A_398, %dma_start3A_405] : memref<256x32xf32, #tpu.memory_space<vmem>> -> memref<1x32xf32, #tpu.memory_space<vmem>>
      %dma_start3A_407 = arith.constant 0 : i32
      %dma_start3A_408 = tpu.memref_slice %arg4[%squeeze3A_400, %dma_start3A_407] : memref<1000000x32xf32, #tpu.memory_space<hbm>> -> memref<1x32xf32, #tpu.memory_space<hbm>>
      tpu.enqueue_dma source(%dma_start3A_408 : memref<1x32xf32, #tpu.memory_space<hbm>>) target(%dma_start3A_406 : memref<1x32xf32, #tpu.memory_space<vmem>>) target_semaphore(%arg13 : memref<!tpu.dma_semaphore, #tpu.memory_space<semaphore_mem>>)
      %slice3A_409 = vector.extract_strided_slice %get3A_37 {offsets = [15], sizes = [1], strides = [1]} : vector<16xi32> to vector<1xi32>
      %squeeze3A_410 = vector.extract %slice3A_409[0] : i32 from vector<1xi32>
      %dma_start3A_411 = arith.constant 0 : i32
      %dma_start3A_412 = tpu.memref_slice %arg11[%add3A_398, %dma_start3A_411] : memref<256x32xf32, #tpu.memory_space<vmem>> -> memref<1x32xf32, #tpu.memory_space<vmem>>
      %dma_start3A_413 = arith.constant 0 : i32
      %dma_start3A_414 = tpu.memref_slice %arg5[%squeeze3A_410, %dma_start3A_413] : memref<1000000x32xf32, #tpu.memory_space<hbm>> -> memref<1x32xf32, #tpu.memory_space<hbm>>
      %dma_start3A_415 = arith.constant 0 : i32
      %dma_start3A_416 = tpu.memref_slice %arg11[%add3A_398, %dma_start3A_415] : memref<256x32xf32, #tpu.memory_space<vmem>> -> memref<1x32xf32, #tpu.memory_space<vmem>>
      %dma_start3A_417 = arith.constant 0 : i32
      %dma_start3A_418 = tpu.memref_slice %arg5[%squeeze3A_410, %dma_start3A_417] : memref<1000000x32xf32, #tpu.memory_space<hbm>> -> memref<1x32xf32, #tpu.memory_space<hbm>>
      tpu.enqueue_dma source(%dma_start3A_418 : memref<1x32xf32, #tpu.memory_space<hbm>>) target(%dma_start3A_416 : memref<1x32xf32, #tpu.memory_space<vmem>>) target_semaphore(%arg13 : memref<!tpu.dma_semaphore, #tpu.memory_space<semaphore_mem>>)
    }
    %scan3A_8 = arith.constant 16 : i32
    tpu.wait_dma2 semaphore(%arg13 : memref<!tpu.dma_semaphore, #tpu.memory_space<semaphore_mem>>) src(%arg6 : memref<256x32xf32, #tpu.memory_space<hbm>>) dst(%arg10 : memref<256x32xf32, #tpu.memory_space<vmem>>)
    tpu.wait_dma2 semaphore(%arg13 : memref<!tpu.dma_semaphore, #tpu.memory_space<semaphore_mem>>) src(%arg6 : memref<256x32xf32, #tpu.memory_space<hbm>>) dst(%arg11 : memref<256x32xf32, #tpu.memory_space<vmem>>)
    %scan3A_9 = arith.constant 0 : i32
    %scan3A_10 = arith.constant 16 : i32
    %scan3A_11 = arith.addi %scan3A_9, %scan3A_10 : i32
    %scan3A_12 = arith.constant 1 : i32
    scf.for %scan3A_26 = %scan3A_9 to %scan3A_11 step %scan3A_12  : i32 {
      %mul3A_27 = arith.constant 1 : i32
      %mul3A_28 = arith.muli %scan3A_26, %mul3A_27 : i32
      %add3A_29 = arith.constant 0 : i32
      %add3A_30 = arith.addi %add3A_29, %mul3A_28 : i32
      %mul3A_31 = arith.constant 16 : i32
      %mul3A_32 = arith.muli %add3A_30, %mul3A_31 : i32
      %add3A_33 = vector.broadcast %mul3A_32 : i32 to vector<16xi32>
      %add3A_34 = arith.addi %add3A_33, %iota3A : vector<16xi32>
      %broadcast_in_dim3A = arith.constant 0.000000e+00 : f32
      %broadcast_in_dim3A_35 = vector.broadcast %broadcast_in_dim3A : f32 to vector<16xf32>
      %broadcast_in_dim3A_36 = arith.constant 0 : i32
      %broadcast_in_dim3A_37 = vector.broadcast %broadcast_in_dim3A_36 : i32 to vector<16xi32>
      %gather3A = tpu.vector_load_idx %arg10[%add3A_34, %broadcast_in_dim3A_37] : memref<256x32xf32, #tpu.memory_space<vmem>>[vector<16xi32>, vector<16xi32>], vector<16xf32>,
      %gather3A_38 = tpu.vector_load_idx %arg11[%add3A_34, %broadcast_in_dim3A_37] : memref<256x32xf32, #tpu.memory_space<vmem>>[vector<16xi32>, vector<16xi32>], vector<16xf32>,
      %mul3A_39 = arith.mulf %gather3A, %gather3A_38 : vector<16xf32>
      %add3A_40 = arith.addf %broadcast_in_dim3A_35, %mul3A_39 : vector<16xf32>
      %broadcast_in_dim3A_41 = arith.constant 1 : i32
      %broadcast_in_dim3A_42 = vector.broadcast %broadcast_in_dim3A_41 : i32 to vector<16xi32>
      %gather3A_43 = tpu.vector_load_idx %arg10[%add3A_34, %broadcast_in_dim3A_42] : memref<256x32xf32, #tpu.memory_space<vmem>>[vector<16xi32>, vector<16xi32>], vector<16xf32>,
      %gather3A_44 = tpu.vector_load_idx %arg11[%add3A_34, %broadcast_in_dim3A_42] : memref<256x32xf32, #tpu.memory_space<vmem>>[vector<16xi32>, vector<16xi32>], vector<16xf32>,
      %mul3A_45 = arith.mulf %gather3A_43, %gather3A_44 : vector<16xf32>
      %add3A_46 = arith.addf %add3A_40, %mul3A_45 : vector<16xf32>
      %broadcast_in_dim3A_47 = arith.constant 2 : i32
      %broadcast_in_dim3A_48 = vector.broadcast %broadcast_in_dim3A_47 : i32 to vector<16xi32>
      %gather3A_49 = tpu.vector_load_idx %arg10[%add3A_34, %broadcast_in_dim3A_48] : memref<256x32xf32, #tpu.memory_space<vmem>>[vector<16xi32>, vector<16xi32>], vector<16xf32>,
      %gather3A_50 = tpu.vector_load_idx %arg11[%add3A_34, %broadcast_in_dim3A_48] : memref<256x32xf32, #tpu.memory_space<vmem>>[vector<16xi32>, vector<16xi32>], vector<16xf32>,
      %mul3A_51 = arith.mulf %gather3A_49, %gather3A_50 : vector<16xf32>
      %add3A_52 = arith.addf %add3A_46, %mul3A_51 : vector<16xf32>
      %broadcast_in_dim3A_53 = arith.constant 3 : i32
      %broadcast_in_dim3A_54 = vector.broadcast %broadcast_in_dim3A_53 : i32 to vector<16xi32>
      %gather3A_55 = tpu.vector_load_idx %arg10[%add3A_34, %broadcast_in_dim3A_54] : memref<256x32xf32, #tpu.memory_space<vmem>>[vector<16xi32>, vector<16xi32>], vector<16xf32>,
      %gather3A_56 = tpu.vector_load_idx %arg11[%add3A_34, %broadcast_in_dim3A_54] : memref<256x32xf32, #tpu.memory_space<vmem>>[vector<16xi32>, vector<16xi32>], vector<16xf32>,
      %mul3A_57 = arith.mulf %gather3A_55, %gather3A_56 : vector<16xf32>
      %add3A_58 = arith.addf %add3A_52, %mul3A_57 : vector<16xf32>
      %broadcast_in_dim3A_59 = arith.constant 4 : i32
      %broadcast_in_dim3A_60 = vector.broadcast %broadcast_in_dim3A_59 : i32 to vector<16xi32>
      %gather3A_61 = tpu.vector_load_idx %arg10[%add3A_34, %broadcast_in_dim3A_60] : memref<256x32xf32, #tpu.memory_space<vmem>>[vector<16xi32>, vector<16xi32>], vector<16xf32>,
      %gather3A_62 = tpu.vector_load_idx %arg11[%add3A_34, %broadcast_in_dim3A_60] : memref<256x32xf32, #tpu.memory_space<vmem>>[vector<16xi32>, vector<16xi32>], vector<16xf32>,
      %mul3A_63 = arith.mulf %gather3A_61, %gather3A_62 : vector<16xf32>
      %add3A_64 = arith.addf %add3A_58, %mul3A_63 : vector<16xf32>
      %broadcast_in_dim3A_65 = arith.constant 5 : i32
      %broadcast_in_dim3A_66 = vector.broadcast %broadcast_in_dim3A_65 : i32 to vector<16xi32>
      %gather3A_67 = tpu.vector_load_idx %arg10[%add3A_34, %broadcast_in_dim3A_66] : memref<256x32xf32, #tpu.memory_space<vmem>>[vector<16xi32>, vector<16xi32>], vector<16xf32>,
      %gather3A_68 = tpu.vector_load_idx %arg11[%add3A_34, %broadcast_in_dim3A_66] : memref<256x32xf32, #tpu.memory_space<vmem>>[vector<16xi32>, vector<16xi32>], vector<16xf32>,
      %mul3A_69 = arith.mulf %gather3A_67, %gather3A_68 : vector<16xf32>
      %add3A_70 = arith.addf %add3A_64, %mul3A_69 : vector<16xf32>
      %broadcast_in_dim3A_71 = arith.constant 6 : i32
      %broadcast_in_dim3A_72 = vector.broadcast %broadcast_in_dim3A_71 : i32 to vector<16xi32>
      %gather3A_73 = tpu.vector_load_idx %arg10[%add3A_34, %broadcast_in_dim3A_72] : memref<256x32xf32, #tpu.memory_space<vmem>>[vector<16xi32>, vector<16xi32>], vector<16xf32>,
      %gather3A_74 = tpu.vector_load_idx %arg11[%add3A_34, %broadcast_in_dim3A_72] : memref<256x32xf32, #tpu.memory_space<vmem>>[vector<16xi32>, vector<16xi32>], vector<16xf32>,
      %mul3A_75 = arith.mulf %gather3A_73, %gather3A_74 : vector<16xf32>
      %add3A_76 = arith.addf %add3A_70, %mul3A_75 : vector<16xf32>
      %broadcast_in_dim3A_77 = arith.constant 7 : i32
      %broadcast_in_dim3A_78 = vector.broadcast %broadcast_in_dim3A_77 : i32 to vector<16xi32>
      %gather3A_79 = tpu.vector_load_idx %arg10[%add3A_34, %broadcast_in_dim3A_78] : memref<256x32xf32, #tpu.memory_space<vmem>>[vector<16xi32>, vector<16xi32>], vector<16xf32>,
      %gather3A_80 = tpu.vector_load_idx %arg11[%add3A_34, %broadcast_in_dim3A_78] : memref<256x32xf32, #tpu.memory_space<vmem>>[vector<16xi32>, vector<16xi32>], vector<16xf32>,
      %mul3A_81 = arith.mulf %gather3A_79, %gather3A_80 : vector<16xf32>
      %add3A_82 = arith.addf %add3A_76, %mul3A_81 : vector<16xf32>
      %broadcast_in_dim3A_83 = arith.constant 8 : i32
      %broadcast_in_dim3A_84 = vector.broadcast %broadcast_in_dim3A_83 : i32 to vector<16xi32>
      %gather3A_85 = tpu.vector_load_idx %arg10[%add3A_34, %broadcast_in_dim3A_84] : memref<256x32xf32, #tpu.memory_space<vmem>>[vector<16xi32>, vector<16xi32>], vector<16xf32>,
      %gather3A_86 = tpu.vector_load_idx %arg11[%add3A_34, %broadcast_in_dim3A_84] : memref<256x32xf32, #tpu.memory_space<vmem>>[vector<16xi32>, vector<16xi32>], vector<16xf32>,
      %mul3A_87 = arith.mulf %gather3A_85, %gather3A_86 : vector<16xf32>
      %add3A_88 = arith.addf %add3A_82, %mul3A_87 : vector<16xf32>
      %broadcast_in_dim3A_89 = arith.constant 9 : i32
      %broadcast_in_dim3A_90 = vector.broadcast %broadcast_in_dim3A_89 : i32 to vector<16xi32>
      %gather3A_91 = tpu.vector_load_idx %arg10[%add3A_34, %broadcast_in_dim3A_90] : memref<256x32xf32, #tpu.memory_space<vmem>>[vector<16xi32>, vector<16xi32>], vector<16xf32>,
      %gather3A_92 = tpu.vector_load_idx %arg11[%add3A_34, %broadcast_in_dim3A_90] : memref<256x32xf32, #tpu.memory_space<vmem>>[vector<16xi32>, vector<16xi32>], vector<16xf32>,
      %mul3A_93 = arith.mulf %gather3A_91, %gather3A_92 : vector<16xf32>
      %add3A_94 = arith.addf %add3A_88, %mul3A_93 : vector<16xf32>
      %broadcast_in_dim3A_95 = arith.constant 10 : i32
      %broadcast_in_dim3A_96 = vector.broadcast %broadcast_in_dim3A_95 : i32 to vector<16xi32>
      %gather3A_97 = tpu.vector_load_idx %arg10[%add3A_34, %broadcast_in_dim3A_96] : memref<256x32xf32, #tpu.memory_space<vmem>>[vector<16xi32>, vector<16xi32>], vector<16xf32>,
      %gather3A_98 = tpu.vector_load_idx %arg11[%add3A_34, %broadcast_in_dim3A_96] : memref<256x32xf32, #tpu.memory_space<vmem>>[vector<16xi32>, vector<16xi32>], vector<16xf32>,
      %mul3A_99 = arith.mulf %gather3A_97, %gather3A_98 : vector<16xf32>
      %add3A_100 = arith.addf %add3A_94, %mul3A_99 : vector<16xf32>
      %broadcast_in_dim3A_101 = arith.constant 11 : i32
      %broadcast_in_dim3A_102 = vector.broadcast %broadcast_in_dim3A_101 : i32 to vector<16xi32>
      %gather3A_103 = tpu.vector_load_idx %arg10[%add3A_34, %broadcast_in_dim3A_102] : memref<256x32xf32, #tpu.memory_space<vmem>>[vector<16xi32>, vector<16xi32>], vector<16xf32>,
      %gather3A_104 = tpu.vector_load_idx %arg11[%add3A_34, %broadcast_in_dim3A_102] : memref<256x32xf32, #tpu.memory_space<vmem>>[vector<16xi32>, vector<16xi32>], vector<16xf32>,
      %mul3A_105 = arith.mulf %gather3A_103, %gather3A_104 : vector<16xf32>
      %add3A_106 = arith.addf %add3A_100, %mul3A_105 : vector<16xf32>
      %broadcast_in_dim3A_107 = arith.constant 12 : i32
      %broadcast_in_dim3A_108 = vector.broadcast %broadcast_in_dim3A_107 : i32 to vector<16xi32>
      %gather3A_109 = tpu.vector_load_idx %arg10[%add3A_34, %broadcast_in_dim3A_108] : memref<256x32xf32, #tpu.memory_space<vmem>>[vector<16xi32>, vector<16xi32>], vector<16xf32>,
      %gather3A_110 = tpu.vector_load_idx %arg11[%add3A_34, %broadcast_in_dim3A_108] : memref<256x32xf32, #tpu.memory_space<vmem>>[vector<16xi32>, vector<16xi32>], vector<16xf32>,
      %mul3A_111 = arith.mulf %gather3A_109, %gather3A_110 : vector<16xf32>
      %add3A_112 = arith.addf %add3A_106, %mul3A_111 : vector<16xf32>
      %broadcast_in_dim3A_113 = arith.constant 13 : i32
      %broadcast_in_dim3A_114 = vector.broadcast %broadcast_in_dim3A_113 : i32 to vector<16xi32>
      %gather3A_115 = tpu.vector_load_idx %arg10[%add3A_34, %broadcast_in_dim3A_114] : memref<256x32xf32, #tpu.memory_space<vmem>>[vector<16xi32>, vector<16xi32>], vector<16xf32>,
      %gather3A_116 = tpu.vector_load_idx %arg11[%add3A_34, %broadcast_in_dim3A_114] : memref<256x32xf32, #tpu.memory_space<vmem>>[vector<16xi32>, vector<16xi32>], vector<16xf32>,
      %mul3A_117 = arith.mulf %gather3A_115, %gather3A_116 : vector<16xf32>
      %add3A_118 = arith.addf %add3A_112, %mul3A_117 : vector<16xf32>
      %broadcast_in_dim3A_119 = arith.constant 14 : i32
      %broadcast_in_dim3A_120 = vector.broadcast %broadcast_in_dim3A_119 : i32 to vector<16xi32>
      %gather3A_121 = tpu.vector_load_idx %arg10[%add3A_34, %broadcast_in_dim3A_120] : memref<256x32xf32, #tpu.memory_space<vmem>>[vector<16xi32>, vector<16xi32>], vector<16xf32>,
      %gather3A_122 = tpu.vector_load_idx %arg11[%add3A_34, %broadcast_in_dim3A_120] : memref<256x32xf32, #tpu.memory_space<vmem>>[vector<16xi32>, vector<16xi32>], vector<16xf32>,
      %mul3A_123 = arith.mulf %gather3A_121, %gather3A_122 : vector<16xf32>
      %add3A_124 = arith.addf %add3A_118, %mul3A_123 : vector<16xf32>
      %broadcast_in_dim3A_125 = arith.constant 15 : i32
      %broadcast_in_dim3A_126 = vector.broadcast %broadcast_in_dim3A_125 : i32 to vector<16xi32>
      %gather3A_127 = tpu.vector_load_idx %arg10[%add3A_34, %broadcast_in_dim3A_126] : memref<256x32xf32, #tpu.memory_space<vmem>>[vector<16xi32>, vector<16xi32>], vector<16xf32>,
      %gather3A_128 = tpu.vector_load_idx %arg11[%add3A_34, %broadcast_in_dim3A_126] : memref<256x32xf32, #tpu.memory_space<vmem>>[vector<16xi32>, vector<16xi32>], vector<16xf32>,
      %mul3A_129 = arith.mulf %gather3A_127, %gather3A_128 : vector<16xf32>
      %add3A_130 = arith.addf %add3A_124, %mul3A_129 : vector<16xf32>
      %broadcast_in_dim3A_131 = arith.constant 16 : i32
      %broadcast_in_dim3A_132 = vector.broadcast %broadcast_in_dim3A_131 : i32 to vector<16xi32>
      %gather3A_133 = tpu.vector_load_idx %arg10[%add3A_34, %broadcast_in_dim3A_132] : memref<256x32xf32, #tpu.memory_space<vmem>>[vector<16xi32>, vector<16xi32>], vector<16xf32>,
      %gather3A_134 = tpu.vector_load_idx %arg11[%add3A_34, %broadcast_in_dim3A_132] : memref<256x32xf32, #tpu.memory_space<vmem>>[vector<16xi32>, vector<16xi32>], vector<16xf32>,
      %mul3A_135 = arith.mulf %gather3A_133, %gather3A_134 : vector<16xf32>
      %add3A_136 = arith.addf %add3A_130, %mul3A_135 : vector<16xf32>
      %broadcast_in_dim3A_137 = arith.constant 17 : i32
      %broadcast_in_dim3A_138 = vector.broadcast %broadcast_in_dim3A_137 : i32 to vector<16xi32>
      %gather3A_139 = tpu.vector_load_idx %arg10[%add3A_34, %broadcast_in_dim3A_138] : memref<256x32xf32, #tpu.memory_space<vmem>>[vector<16xi32>, vector<16xi32>], vector<16xf32>,
      %gather3A_140 = tpu.vector_load_idx %arg11[%add3A_34, %broadcast_in_dim3A_138] : memref<256x32xf32, #tpu.memory_space<vmem>>[vector<16xi32>, vector<16xi32>], vector<16xf32>,
      %mul3A_141 = arith.mulf %gather3A_139, %gather3A_140 : vector<16xf32>
      %add3A_142 = arith.addf %add3A_136, %mul3A_141 : vector<16xf32>
      %broadcast_in_dim3A_143 = arith.constant 18 : i32
      %broadcast_in_dim3A_144 = vector.broadcast %broadcast_in_dim3A_143 : i32 to vector<16xi32>
      %gather3A_145 = tpu.vector_load_idx %arg10[%add3A_34, %broadcast_in_dim3A_144] : memref<256x32xf32, #tpu.memory_space<vmem>>[vector<16xi32>, vector<16xi32>], vector<16xf32>,
      %gather3A_146 = tpu.vector_load_idx %arg11[%add3A_34, %broadcast_in_dim3A_144] : memref<256x32xf32, #tpu.memory_space<vmem>>[vector<16xi32>, vector<16xi32>], vector<16xf32>,
      %mul3A_147 = arith.mulf %gather3A_145, %gather3A_146 : vector<16xf32>
      %add3A_148 = arith.addf %add3A_142, %mul3A_147 : vector<16xf32>
      %broadcast_in_dim3A_149 = arith.constant 19 : i32
      %broadcast_in_dim3A_150 = vector.broadcast %broadcast_in_dim3A_149 : i32 to vector<16xi32>
      %gather3A_151 = tpu.vector_load_idx %arg10[%add3A_34, %broadcast_in_dim3A_150] : memref<256x32xf32, #tpu.memory_space<vmem>>[vector<16xi32>, vector<16xi32>], vector<16xf32>,
      %gather3A_152 = tpu.vector_load_idx %arg11[%add3A_34, %broadcast_in_dim3A_150] : memref<256x32xf32, #tpu.memory_space<vmem>>[vector<16xi32>, vector<16xi32>], vector<16xf32>,
      %mul3A_153 = arith.mulf %gather3A_151, %gather3A_152 : vector<16xf32>
      %add3A_154 = arith.addf %add3A_148, %mul3A_153 : vector<16xf32>
      %broadcast_in_dim3A_155 = arith.constant 20 : i32
      %broadcast_in_dim3A_156 = vector.broadcast %broadcast_in_dim3A_155 : i32 to vector<16xi32>
      %gather3A_157 = tpu.vector_load_idx %arg10[%add3A_34, %broadcast_in_dim3A_156] : memref<256x32xf32, #tpu.memory_space<vmem>>[vector<16xi32>, vector<16xi32>], vector<16xf32>,
      %gather3A_158 = tpu.vector_load_idx %arg11[%add3A_34, %broadcast_in_dim3A_156] : memref<256x32xf32, #tpu.memory_space<vmem>>[vector<16xi32>, vector<16xi32>], vector<16xf32>,
      %mul3A_159 = arith.mulf %gather3A_157, %gather3A_158 : vector<16xf32>
      %add3A_160 = arith.addf %add3A_154, %mul3A_159 : vector<16xf32>
      %broadcast_in_dim3A_161 = arith.constant 21 : i32
      %broadcast_in_dim3A_162 = vector.broadcast %broadcast_in_dim3A_161 : i32 to vector<16xi32>
      %gather3A_163 = tpu.vector_load_idx %arg10[%add3A_34, %broadcast_in_dim3A_162] : memref<256x32xf32, #tpu.memory_space<vmem>>[vector<16xi32>, vector<16xi32>], vector<16xf32>,
      %gather3A_164 = tpu.vector_load_idx %arg11[%add3A_34, %broadcast_in_dim3A_162] : memref<256x32xf32, #tpu.memory_space<vmem>>[vector<16xi32>, vector<16xi32>], vector<16xf32>,
      %mul3A_165 = arith.mulf %gather3A_163, %gather3A_164 : vector<16xf32>
      %add3A_166 = arith.addf %add3A_160, %mul3A_165 : vector<16xf32>
      %broadcast_in_dim3A_167 = arith.constant 22 : i32
      %broadcast_in_dim3A_168 = vector.broadcast %broadcast_in_dim3A_167 : i32 to vector<16xi32>
      %gather3A_169 = tpu.vector_load_idx %arg10[%add3A_34, %broadcast_in_dim3A_168] : memref<256x32xf32, #tpu.memory_space<vmem>>[vector<16xi32>, vector<16xi32>], vector<16xf32>,
      %gather3A_170 = tpu.vector_load_idx %arg11[%add3A_34, %broadcast_in_dim3A_168] : memref<256x32xf32, #tpu.memory_space<vmem>>[vector<16xi32>, vector<16xi32>], vector<16xf32>,
      %mul3A_171 = arith.mulf %gather3A_169, %gather3A_170 : vector<16xf32>
      %add3A_172 = arith.addf %add3A_166, %mul3A_171 : vector<16xf32>
      %broadcast_in_dim3A_173 = arith.constant 23 : i32
      %broadcast_in_dim3A_174 = vector.broadcast %broadcast_in_dim3A_173 : i32 to vector<16xi32>
      %gather3A_175 = tpu.vector_load_idx %arg10[%add3A_34, %broadcast_in_dim3A_174] : memref<256x32xf32, #tpu.memory_space<vmem>>[vector<16xi32>, vector<16xi32>], vector<16xf32>,
      %gather3A_176 = tpu.vector_load_idx %arg11[%add3A_34, %broadcast_in_dim3A_174] : memref<256x32xf32, #tpu.memory_space<vmem>>[vector<16xi32>, vector<16xi32>], vector<16xf32>,
      %mul3A_177 = arith.mulf %gather3A_175, %gather3A_176 : vector<16xf32>
      %add3A_178 = arith.addf %add3A_172, %mul3A_177 : vector<16xf32>
      %broadcast_in_dim3A_179 = arith.constant 24 : i32
      %broadcast_in_dim3A_180 = vector.broadcast %broadcast_in_dim3A_179 : i32 to vector<16xi32>
      %gather3A_181 = tpu.vector_load_idx %arg10[%add3A_34, %broadcast_in_dim3A_180] : memref<256x32xf32, #tpu.memory_space<vmem>>[vector<16xi32>, vector<16xi32>], vector<16xf32>,
      %gather3A_182 = tpu.vector_load_idx %arg11[%add3A_34, %broadcast_in_dim3A_180] : memref<256x32xf32, #tpu.memory_space<vmem>>[vector<16xi32>, vector<16xi32>], vector<16xf32>,
      %mul3A_183 = arith.mulf %gather3A_181, %gather3A_182 : vector<16xf32>
      %add3A_184 = arith.addf %add3A_178, %mul3A_183 : vector<16xf32>
      %broadcast_in_dim3A_185 = arith.constant 25 : i32
      %broadcast_in_dim3A_186 = vector.broadcast %broadcast_in_dim3A_185 : i32 to vector<16xi32>
      %gather3A_187 = tpu.vector_load_idx %arg10[%add3A_34, %broadcast_in_dim3A_186] : memref<256x32xf32, #tpu.memory_space<vmem>>[vector<16xi32>, vector<16xi32>], vector<16xf32>,
      %gather3A_188 = tpu.vector_load_idx %arg11[%add3A_34, %broadcast_in_dim3A_186] : memref<256x32xf32, #tpu.memory_space<vmem>>[vector<16xi32>, vector<16xi32>], vector<16xf32>,
      %mul3A_189 = arith.mulf %gather3A_187, %gather3A_188 : vector<16xf32>
      %add3A_190 = arith.addf %add3A_184, %mul3A_189 : vector<16xf32>
      %broadcast_in_dim3A_191 = arith.constant 26 : i32
      %broadcast_in_dim3A_192 = vector.broadcast %broadcast_in_dim3A_191 : i32 to vector<16xi32>
      %gather3A_193 = tpu.vector_load_idx %arg10[%add3A_34, %broadcast_in_dim3A_192] : memref<256x32xf32, #tpu.memory_space<vmem>>[vector<16xi32>, vector<16xi32>], vector<16xf32>,
      %gather3A_194 = tpu.vector_load_idx %arg11[%add3A_34, %broadcast_in_dim3A_192] : memref<256x32xf32, #tpu.memory_space<vmem>>[vector<16xi32>, vector<16xi32>], vector<16xf32>,
      %mul3A_195 = arith.mulf %gather3A_193, %gather3A_194 : vector<16xf32>
      %add3A_196 = arith.addf %add3A_190, %mul3A_195 : vector<16xf32>
      %broadcast_in_dim3A_197 = arith.constant 27 : i32
      %broadcast_in_dim3A_198 = vector.broadcast %broadcast_in_dim3A_197 : i32 to vector<16xi32>
      %gather3A_199 = tpu.vector_load_idx %arg10[%add3A_34, %broadcast_in_dim3A_198] : memref<256x32xf32, #tpu.memory_space<vmem>>[vector<16xi32>, vector<16xi32>], vector<16xf32>,
      %gather3A_200 = tpu.vector_load_idx %arg11[%add3A_34, %broadcast_in_dim3A_198] : memref<256x32xf32, #tpu.memory_space<vmem>>[vector<16xi32>, vector<16xi32>], vector<16xf32>,
      %mul3A_201 = arith.mulf %gather3A_199, %gather3A_200 : vector<16xf32>
      %add3A_202 = arith.addf %add3A_196, %mul3A_201 : vector<16xf32>
      %broadcast_in_dim3A_203 = arith.constant 28 : i32
      %broadcast_in_dim3A_204 = vector.broadcast %broadcast_in_dim3A_203 : i32 to vector<16xi32>
      %gather3A_205 = tpu.vector_load_idx %arg10[%add3A_34, %broadcast_in_dim3A_204] : memref<256x32xf32, #tpu.memory_space<vmem>>[vector<16xi32>, vector<16xi32>], vector<16xf32>,
      %gather3A_206 = tpu.vector_load_idx %arg11[%add3A_34, %broadcast_in_dim3A_204] : memref<256x32xf32, #tpu.memory_space<vmem>>[vector<16xi32>, vector<16xi32>], vector<16xf32>,
      %mul3A_207 = arith.mulf %gather3A_205, %gather3A_206 : vector<16xf32>
      %add3A_208 = arith.addf %add3A_202, %mul3A_207 : vector<16xf32>
      %broadcast_in_dim3A_209 = arith.constant 29 : i32
      %broadcast_in_dim3A_210 = vector.broadcast %broadcast_in_dim3A_209 : i32 to vector<16xi32>
      %gather3A_211 = tpu.vector_load_idx %arg10[%add3A_34, %broadcast_in_dim3A_210] : memref<256x32xf32, #tpu.memory_space<vmem>>[vector<16xi32>, vector<16xi32>], vector<16xf32>,
      %gather3A_212 = tpu.vector_load_idx %arg11[%add3A_34, %broadcast_in_dim3A_210] : memref<256x32xf32, #tpu.memory_space<vmem>>[vector<16xi32>, vector<16xi32>], vector<16xf32>,
      %mul3A_213 = arith.mulf %gather3A_211, %gather3A_212 : vector<16xf32>
      %add3A_214 = arith.addf %add3A_208, %mul3A_213 : vector<16xf32>
      %broadcast_in_dim3A_215 = arith.constant 30 : i32
      %broadcast_in_dim3A_216 = vector.broadcast %broadcast_in_dim3A_215 : i32 to vector<16xi32>
      %gather3A_217 = tpu.vector_load_idx %arg10[%add3A_34, %broadcast_in_dim3A_216] : memref<256x32xf32, #tpu.memory_space<vmem>>[vector<16xi32>, vector<16xi32>], vector<16xf32>,
      %gather3A_218 = tpu.vector_load_idx %arg11[%add3A_34, %broadcast_in_dim3A_216] : memref<256x32xf32, #tpu.memory_space<vmem>>[vector<16xi32>, vector<16xi32>], vector<16xf32>,
      %mul3A_219 = arith.mulf %gather3A_217, %gather3A_218 : vector<16xf32>
      %add3A_220 = arith.addf %add3A_214, %mul3A_219 : vector<16xf32>
      %broadcast_in_dim3A_221 = arith.constant 31 : i32
      %broadcast_in_dim3A_222 = vector.broadcast %broadcast_in_dim3A_221 : i32 to vector<16xi32>
      %gather3A_223 = tpu.vector_load_idx %arg10[%add3A_34, %broadcast_in_dim3A_222] : memref<256x32xf32, #tpu.memory_space<vmem>>[vector<16xi32>, vector<16xi32>], vector<16xf32>,
      %gather3A_224 = tpu.vector_load_idx %arg11[%add3A_34, %broadcast_in_dim3A_222] : memref<256x32xf32, #tpu.memory_space<vmem>>[vector<16xi32>, vector<16xi32>], vector<16xf32>,
      %mul3A_225 = arith.mulf %gather3A_223, %gather3A_224 : vector<16xf32>
      %add3A_226 = arith.addf %add3A_220, %mul3A_225 : vector<16xf32>
      %mul3A_227 = arith.constant 16 : i32
      %mul3A_228 = arith.muli %add3A_30, %mul3A_227 : i32
      %add3A_229 = arith.constant 0 : i32
      %add3A_230 = arith.addi %add3A_229, %mul3A_228 : i32
      %swap3A = arith.index_cast %add3A_230 : i32 to index
      %swap3A_231 = tpu.vector_load %arg12[%swap3A] {strides = array<i32>} : memref<512xf32, #tpu.memory_space<vmem>>, vector<16xf32>,
      tpu.vector_store %arg12[%swap3A], %add3A_226 {strides = array<i32>} : memref<512xf32, #tpu.memory_space<vmem>>, vector<16xf32>,
    }
    %scan3A_13 = arith.constant 16 : i32
    %scan3A_14 = arith.constant 0 : i32
    %scan3A_15 = arith.constant 16 : i32
    %scan3A_16 = arith.addi %scan3A_14, %scan3A_15 : i32
    %scan3A_17 = arith.constant 1 : i32
    scf.for %scan3A_26 = %scan3A_14 to %scan3A_16 step %scan3A_17  : i32 {
      %mul3A_27 = arith.constant 1 : i32
      %mul3A_28 = arith.muli %scan3A_26, %mul3A_27 : i32
      %add3A_29 = arith.constant 0 : i32
      %add3A_30 = arith.addi %add3A_29, %mul3A_28 : i32
      %mul3A_31 = arith.constant 16 : i32
      %mul3A_32 = arith.muli %add3A_30, %mul3A_31 : i32
      %add3A_33 = arith.constant 256 : i32
      %add3A_34 = arith.addi %add3A_33, %mul3A_32 : i32
      %get3A = arith.index_cast %add3A_34 : i32 to index
      %get3A_35 = tpu.vector_load %arg8[%get3A] {strides = array<i32>} : memref<512xi32, #tpu.memory_space<vmem>>, vector<16xi32>,
      %get3A_36 = arith.index_cast %add3A_34 : i32 to index
      %get3A_37 = tpu.vector_load %arg9[%get3A_36] {strides = array<i32>} : memref<512xi32, #tpu.memory_space<vmem>>, vector<16xi32>,
      %mul3A_38 = arith.constant 16 : i32
      %mul3A_39 = arith.muli %add3A_30, %mul3A_38 : i32
      %add3A_40 = arith.constant 0 : i32
      %add3A_41 = arith.addi %mul3A_39, %add3A_40 : i32
      %slice3A = vector.extract_strided_slice %get3A_35 {offsets = [0], sizes = [1], strides = [1]} : vector<16xi32> to vector<1xi32>
      %squeeze3A = vector.extract %slice3A[0] : i32 from vector<1xi32>
      %dma_start3A = arith.constant 0 : i32
      %dma_start3A_42 = tpu.memref_slice %arg10[%add3A_41, %dma_start3A] : memref<256x32xf32, #tpu.memory_space<vmem>> -> memref<1x32xf32, #tpu.memory_space<vmem>>
      %dma_start3A_43 = arith.constant 0 : i32
      %dma_start3A_44 = tpu.memref_slice %arg4[%squeeze3A, %dma_start3A_43] : memref<1000000x32xf32, #tpu.memory_space<hbm>> -> memref<1x32xf32, #tpu.memory_space<hbm>>
      %dma_start3A_45 = arith.constant 0 : i32
      %dma_start3A_46 = tpu.memref_slice %arg10[%add3A_41, %dma_start3A_45] : memref<256x32xf32, #tpu.memory_space<vmem>> -> memref<1x32xf32, #tpu.memory_space<vmem>>
      %dma_start3A_47 = arith.constant 0 : i32
      %dma_start3A_48 = tpu.memref_slice %arg4[%squeeze3A, %dma_start3A_47] : memref<1000000x32xf32, #tpu.memory_space<hbm>> -> memref<1x32xf32, #tpu.memory_space<hbm>>
      tpu.enqueue_dma source(%dma_start3A_48 : memref<1x32xf32, #tpu.memory_space<hbm>>) target(%dma_start3A_46 : memref<1x32xf32, #tpu.memory_space<vmem>>) target_semaphore(%arg13 : memref<!tpu.dma_semaphore, #tpu.memory_space<semaphore_mem>>)
      %slice3A_49 = vector.extract_strided_slice %get3A_37 {offsets = [0], sizes = [1], strides = [1]} : vector<16xi32> to vector<1xi32>
      %squeeze3A_50 = vector.extract %slice3A_49[0] : i32 from vector<1xi32>
      %dma_start3A_51 = arith.constant 0 : i32
      %dma_start3A_52 = tpu.memref_slice %arg11[%add3A_41, %dma_start3A_51] : memref<256x32xf32, #tpu.memory_space<vmem>> -> memref<1x32xf32, #tpu.memory_space<vmem>>
      %dma_start3A_53 = arith.constant 0 : i32
      %dma_start3A_54 = tpu.memref_slice %arg5[%squeeze3A_50, %dma_start3A_53] : memref<1000000x32xf32, #tpu.memory_space<hbm>> -> memref<1x32xf32, #tpu.memory_space<hbm>>
      %dma_start3A_55 = arith.constant 0 : i32
      %dma_start3A_56 = tpu.memref_slice %arg11[%add3A_41, %dma_start3A_55] : memref<256x32xf32, #tpu.memory_space<vmem>> -> memref<1x32xf32, #tpu.memory_space<vmem>>
      %dma_start3A_57 = arith.constant 0 : i32
      %dma_start3A_58 = tpu.memref_slice %arg5[%squeeze3A_50, %dma_start3A_57] : memref<1000000x32xf32, #tpu.memory_space<hbm>> -> memref<1x32xf32, #tpu.memory_space<hbm>>
      tpu.enqueue_dma source(%dma_start3A_58 : memref<1x32xf32, #tpu.memory_space<hbm>>) target(%dma_start3A_56 : memref<1x32xf32, #tpu.memory_space<vmem>>) target_semaphore(%arg13 : memref<!tpu.dma_semaphore, #tpu.memory_space<semaphore_mem>>)
      %mul3A_59 = arith.constant 16 : i32
      %mul3A_60 = arith.muli %add3A_30, %mul3A_59 : i32
      %add3A_61 = arith.constant 1 : i32
      %add3A_62 = arith.addi %mul3A_60, %add3A_61 : i32
      %slice3A_63 = vector.extract_strided_slice %get3A_35 {offsets = [1], sizes = [1], strides = [1]} : vector<16xi32> to vector<1xi32>
      %squeeze3A_64 = vector.extract %slice3A_63[0] : i32 from vector<1xi32>
      %dma_start3A_65 = arith.constant 0 : i32
      %dma_start3A_66 = tpu.memref_slice %arg10[%add3A_62, %dma_start3A_65] : memref<256x32xf32, #tpu.memory_space<vmem>> -> memref<1x32xf32, #tpu.memory_space<vmem>>
      %dma_start3A_67 = arith.constant 0 : i32
      %dma_start3A_68 = tpu.memref_slice %arg4[%squeeze3A_64, %dma_start3A_67] : memref<1000000x32xf32, #tpu.memory_space<hbm>> -> memref<1x32xf32, #tpu.memory_space<hbm>>
      %dma_start3A_69 = arith.constant 0 : i32
      %dma_start3A_70 = tpu.memref_slice %arg10[%add3A_62, %dma_start3A_69] : memref<256x32xf32, #tpu.memory_space<vmem>> -> memref<1x32xf32, #tpu.memory_space<vmem>>
      %dma_start3A_71 = arith.constant 0 : i32
      %dma_start3A_72 = tpu.memref_slice %arg4[%squeeze3A_64, %dma_start3A_71] : memref<1000000x32xf32, #tpu.memory_space<hbm>> -> memref<1x32xf32, #tpu.memory_space<hbm>>
      tpu.enqueue_dma source(%dma_start3A_72 : memref<1x32xf32, #tpu.memory_space<hbm>>) target(%dma_start3A_70 : memref<1x32xf32, #tpu.memory_space<vmem>>) target_semaphore(%arg13 : memref<!tpu.dma_semaphore, #tpu.memory_space<semaphore_mem>>)
      %slice3A_73 = vector.extract_strided_slice %get3A_37 {offsets = [1], sizes = [1], strides = [1]} : vector<16xi32> to vector<1xi32>
      %squeeze3A_74 = vector.extract %slice3A_73[0] : i32 from vector<1xi32>
      %dma_start3A_75 = arith.constant 0 : i32
      %dma_start3A_76 = tpu.memref_slice %arg11[%add3A_62, %dma_start3A_75] : memref<256x32xf32, #tpu.memory_space<vmem>> -> memref<1x32xf32, #tpu.memory_space<vmem>>
      %dma_start3A_77 = arith.constant 0 : i32
      %dma_start3A_78 = tpu.memref_slice %arg5[%squeeze3A_74, %dma_start3A_77] : memref<1000000x32xf32, #tpu.memory_space<hbm>> -> memref<1x32xf32, #tpu.memory_space<hbm>>
      %dma_start3A_79 = arith.constant 0 : i32
      %dma_start3A_80 = tpu.memref_slice %arg11[%add3A_62, %dma_start3A_79] : memref<256x32xf32, #tpu.memory_space<vmem>> -> memref<1x32xf32, #tpu.memory_space<vmem>>
      %dma_start3A_81 = arith.constant 0 : i32
      %dma_start3A_82 = tpu.memref_slice %arg5[%squeeze3A_74, %dma_start3A_81] : memref<1000000x32xf32, #tpu.memory_space<hbm>> -> memref<1x32xf32, #tpu.memory_space<hbm>>
      tpu.enqueue_dma source(%dma_start3A_82 : memref<1x32xf32, #tpu.memory_space<hbm>>) target(%dma_start3A_80 : memref<1x32xf32, #tpu.memory_space<vmem>>) target_semaphore(%arg13 : memref<!tpu.dma_semaphore, #tpu.memory_space<semaphore_mem>>)
      %mul3A_83 = arith.constant 16 : i32
      %mul3A_84 = arith.muli %add3A_30, %mul3A_83 : i32
      %add3A_85 = arith.constant 2 : i32
      %add3A_86 = arith.addi %mul3A_84, %add3A_85 : i32
      %slice3A_87 = vector.extract_strided_slice %get3A_35 {offsets = [2], sizes = [1], strides = [1]} : vector<16xi32> to vector<1xi32>
      %squeeze3A_88 = vector.extract %slice3A_87[0] : i32 from vector<1xi32>
      %dma_start3A_89 = arith.constant 0 : i32
      %dma_start3A_90 = tpu.memref_slice %arg10[%add3A_86, %dma_start3A_89] : memref<256x32xf32, #tpu.memory_space<vmem>> -> memref<1x32xf32, #tpu.memory_space<vmem>>
      %dma_start3A_91 = arith.constant 0 : i32
      %dma_start3A_92 = tpu.memref_slice %arg4[%squeeze3A_88, %dma_start3A_91] : memref<1000000x32xf32, #tpu.memory_space<hbm>> -> memref<1x32xf32, #tpu.memory_space<hbm>>
      %dma_start3A_93 = arith.constant 0 : i32
      %dma_start3A_94 = tpu.memref_slice %arg10[%add3A_86, %dma_start3A_93] : memref<256x32xf32, #tpu.memory_space<vmem>> -> memref<1x32xf32, #tpu.memory_space<vmem>>
      %dma_start3A_95 = arith.constant 0 : i32
      %dma_start3A_96 = tpu.memref_slice %arg4[%squeeze3A_88, %dma_start3A_95] : memref<1000000x32xf32, #tpu.memory_space<hbm>> -> memref<1x32xf32, #tpu.memory_space<hbm>>
      tpu.enqueue_dma source(%dma_start3A_96 : memref<1x32xf32, #tpu.memory_space<hbm>>) target(%dma_start3A_94 : memref<1x32xf32, #tpu.memory_space<vmem>>) target_semaphore(%arg13 : memref<!tpu.dma_semaphore, #tpu.memory_space<semaphore_mem>>)
      %slice3A_97 = vector.extract_strided_slice %get3A_37 {offsets = [2], sizes = [1], strides = [1]} : vector<16xi32> to vector<1xi32>
      %squeeze3A_98 = vector.extract %slice3A_97[0] : i32 from vector<1xi32>
      %dma_start3A_99 = arith.constant 0 : i32
      %dma_start3A_100 = tpu.memref_slice %arg11[%add3A_86, %dma_start3A_99] : memref<256x32xf32, #tpu.memory_space<vmem>> -> memref<1x32xf32, #tpu.memory_space<vmem>>
      %dma_start3A_101 = arith.constant 0 : i32
      %dma_start3A_102 = tpu.memref_slice %arg5[%squeeze3A_98, %dma_start3A_101] : memref<1000000x32xf32, #tpu.memory_space<hbm>> -> memref<1x32xf32, #tpu.memory_space<hbm>>
      %dma_start3A_103 = arith.constant 0 : i32
      %dma_start3A_104 = tpu.memref_slice %arg11[%add3A_86, %dma_start3A_103] : memref<256x32xf32, #tpu.memory_space<vmem>> -> memref<1x32xf32, #tpu.memory_space<vmem>>
      %dma_start3A_105 = arith.constant 0 : i32
      %dma_start3A_106 = tpu.memref_slice %arg5[%squeeze3A_98, %dma_start3A_105] : memref<1000000x32xf32, #tpu.memory_space<hbm>> -> memref<1x32xf32, #tpu.memory_space<hbm>>
      tpu.enqueue_dma source(%dma_start3A_106 : memref<1x32xf32, #tpu.memory_space<hbm>>) target(%dma_start3A_104 : memref<1x32xf32, #tpu.memory_space<vmem>>) target_semaphore(%arg13 : memref<!tpu.dma_semaphore, #tpu.memory_space<semaphore_mem>>)
      %mul3A_107 = arith.constant 16 : i32
      %mul3A_108 = arith.muli %add3A_30, %mul3A_107 : i32
      %add3A_109 = arith.constant 3 : i32
      %add3A_110 = arith.addi %mul3A_108, %add3A_109 : i32
      %slice3A_111 = vector.extract_strided_slice %get3A_35 {offsets = [3], sizes = [1], strides = [1]} : vector<16xi32> to vector<1xi32>
      %squeeze3A_112 = vector.extract %slice3A_111[0] : i32 from vector<1xi32>
      %dma_start3A_113 = arith.constant 0 : i32
      %dma_start3A_114 = tpu.memref_slice %arg10[%add3A_110, %dma_start3A_113] : memref<256x32xf32, #tpu.memory_space<vmem>> -> memref<1x32xf32, #tpu.memory_space<vmem>>
      %dma_start3A_115 = arith.constant 0 : i32
      %dma_start3A_116 = tpu.memref_slice %arg4[%squeeze3A_112, %dma_start3A_115] : memref<1000000x32xf32, #tpu.memory_space<hbm>> -> memref<1x32xf32, #tpu.memory_space<hbm>>
      %dma_start3A_117 = arith.constant 0 : i32
      %dma_start3A_118 = tpu.memref_slice %arg10[%add3A_110, %dma_start3A_117] : memref<256x32xf32, #tpu.memory_space<vmem>> -> memref<1x32xf32, #tpu.memory_space<vmem>>
      %dma_start3A_119 = arith.constant 0 : i32
      %dma_start3A_120 = tpu.memref_slice %arg4[%squeeze3A_112, %dma_start3A_119] : memref<1000000x32xf32, #tpu.memory_space<hbm>> -> memref<1x32xf32, #tpu.memory_space<hbm>>
      tpu.enqueue_dma source(%dma_start3A_120 : memref<1x32xf32, #tpu.memory_space<hbm>>) target(%dma_start3A_118 : memref<1x32xf32, #tpu.memory_space<vmem>>) target_semaphore(%arg13 : memref<!tpu.dma_semaphore, #tpu.memory_space<semaphore_mem>>)
      %slice3A_121 = vector.extract_strided_slice %get3A_37 {offsets = [3], sizes = [1], strides = [1]} : vector<16xi32> to vector<1xi32>
      %squeeze3A_122 = vector.extract %slice3A_121[0] : i32 from vector<1xi32>
      %dma_start3A_123 = arith.constant 0 : i32
      %dma_start3A_124 = tpu.memref_slice %arg11[%add3A_110, %dma_start3A_123] : memref<256x32xf32, #tpu.memory_space<vmem>> -> memref<1x32xf32, #tpu.memory_space<vmem>>
      %dma_start3A_125 = arith.constant 0 : i32
      %dma_start3A_126 = tpu.memref_slice %arg5[%squeeze3A_122, %dma_start3A_125] : memref<1000000x32xf32, #tpu.memory_space<hbm>> -> memref<1x32xf32, #tpu.memory_space<hbm>>
      %dma_start3A_127 = arith.constant 0 : i32
      %dma_start3A_128 = tpu.memref_slice %arg11[%add3A_110, %dma_start3A_127] : memref<256x32xf32, #tpu.memory_space<vmem>> -> memref<1x32xf32, #tpu.memory_space<vmem>>
      %dma_start3A_129 = arith.constant 0 : i32
      %dma_start3A_130 = tpu.memref_slice %arg5[%squeeze3A_122, %dma_start3A_129] : memref<1000000x32xf32, #tpu.memory_space<hbm>> -> memref<1x32xf32, #tpu.memory_space<hbm>>
      tpu.enqueue_dma source(%dma_start3A_130 : memref<1x32xf32, #tpu.memory_space<hbm>>) target(%dma_start3A_128 : memref<1x32xf32, #tpu.memory_space<vmem>>) target_semaphore(%arg13 : memref<!tpu.dma_semaphore, #tpu.memory_space<semaphore_mem>>)
      %mul3A_131 = arith.constant 16 : i32
      %mul3A_132 = arith.muli %add3A_30, %mul3A_131 : i32
      %add3A_133 = arith.constant 4 : i32
      %add3A_134 = arith.addi %mul3A_132, %add3A_133 : i32
      %slice3A_135 = vector.extract_strided_slice %get3A_35 {offsets = [4], sizes = [1], strides = [1]} : vector<16xi32> to vector<1xi32>
      %squeeze3A_136 = vector.extract %slice3A_135[0] : i32 from vector<1xi32>
      %dma_start3A_137 = arith.constant 0 : i32
      %dma_start3A_138 = tpu.memref_slice %arg10[%add3A_134, %dma_start3A_137] : memref<256x32xf32, #tpu.memory_space<vmem>> -> memref<1x32xf32, #tpu.memory_space<vmem>>
      %dma_start3A_139 = arith.constant 0 : i32
      %dma_start3A_140 = tpu.memref_slice %arg4[%squeeze3A_136, %dma_start3A_139] : memref<1000000x32xf32, #tpu.memory_space<hbm>> -> memref<1x32xf32, #tpu.memory_space<hbm>>
      %dma_start3A_141 = arith.constant 0 : i32
      %dma_start3A_142 = tpu.memref_slice %arg10[%add3A_134, %dma_start3A_141] : memref<256x32xf32, #tpu.memory_space<vmem>> -> memref<1x32xf32, #tpu.memory_space<vmem>>
      %dma_start3A_143 = arith.constant 0 : i32
      %dma_start3A_144 = tpu.memref_slice %arg4[%squeeze3A_136, %dma_start3A_143] : memref<1000000x32xf32, #tpu.memory_space<hbm>> -> memref<1x32xf32, #tpu.memory_space<hbm>>
      tpu.enqueue_dma source(%dma_start3A_144 : memref<1x32xf32, #tpu.memory_space<hbm>>) target(%dma_start3A_142 : memref<1x32xf32, #tpu.memory_space<vmem>>) target_semaphore(%arg13 : memref<!tpu.dma_semaphore, #tpu.memory_space<semaphore_mem>>)
      %slice3A_145 = vector.extract_strided_slice %get3A_37 {offsets = [4], sizes = [1], strides = [1]} : vector<16xi32> to vector<1xi32>
      %squeeze3A_146 = vector.extract %slice3A_145[0] : i32 from vector<1xi32>
      %dma_start3A_147 = arith.constant 0 : i32
      %dma_start3A_148 = tpu.memref_slice %arg11[%add3A_134, %dma_start3A_147] : memref<256x32xf32, #tpu.memory_space<vmem>> -> memref<1x32xf32, #tpu.memory_space<vmem>>
      %dma_start3A_149 = arith.constant 0 : i32
      %dma_start3A_150 = tpu.memref_slice %arg5[%squeeze3A_146, %dma_start3A_149] : memref<1000000x32xf32, #tpu.memory_space<hbm>> -> memref<1x32xf32, #tpu.memory_space<hbm>>
      %dma_start3A_151 = arith.constant 0 : i32
      %dma_start3A_152 = tpu.memref_slice %arg11[%add3A_134, %dma_start3A_151] : memref<256x32xf32, #tpu.memory_space<vmem>> -> memref<1x32xf32, #tpu.memory_space<vmem>>
      %dma_start3A_153 = arith.constant 0 : i32
      %dma_start3A_154 = tpu.memref_slice %arg5[%squeeze3A_146, %dma_start3A_153] : memref<1000000x32xf32, #tpu.memory_space<hbm>> -> memref<1x32xf32, #tpu.memory_space<hbm>>
      tpu.enqueue_dma source(%dma_start3A_154 : memref<1x32xf32, #tpu.memory_space<hbm>>) target(%dma_start3A_152 : memref<1x32xf32, #tpu.memory_space<vmem>>) target_semaphore(%arg13 : memref<!tpu.dma_semaphore, #tpu.memory_space<semaphore_mem>>)
      %mul3A_155 = arith.constant 16 : i32
      %mul3A_156 = arith.muli %add3A_30, %mul3A_155 : i32
      %add3A_157 = arith.constant 5 : i32
      %add3A_158 = arith.addi %mul3A_156, %add3A_157 : i32
      %slice3A_159 = vector.extract_strided_slice %get3A_35 {offsets = [5], sizes = [1], strides = [1]} : vector<16xi32> to vector<1xi32>
      %squeeze3A_160 = vector.extract %slice3A_159[0] : i32 from vector<1xi32>
      %dma_start3A_161 = arith.constant 0 : i32
      %dma_start3A_162 = tpu.memref_slice %arg10[%add3A_158, %dma_start3A_161] : memref<256x32xf32, #tpu.memory_space<vmem>> -> memref<1x32xf32, #tpu.memory_space<vmem>>
      %dma_start3A_163 = arith.constant 0 : i32
      %dma_start3A_164 = tpu.memref_slice %arg4[%squeeze3A_160, %dma_start3A_163] : memref<1000000x32xf32, #tpu.memory_space<hbm>> -> memref<1x32xf32, #tpu.memory_space<hbm>>
      %dma_start3A_165 = arith.constant 0 : i32
      %dma_start3A_166 = tpu.memref_slice %arg10[%add3A_158, %dma_start3A_165] : memref<256x32xf32, #tpu.memory_space<vmem>> -> memref<1x32xf32, #tpu.memory_space<vmem>>
      %dma_start3A_167 = arith.constant 0 : i32
      %dma_start3A_168 = tpu.memref_slice %arg4[%squeeze3A_160, %dma_start3A_167] : memref<1000000x32xf32, #tpu.memory_space<hbm>> -> memref<1x32xf32, #tpu.memory_space<hbm>>
      tpu.enqueue_dma source(%dma_start3A_168 : memref<1x32xf32, #tpu.memory_space<hbm>>) target(%dma_start3A_166 : memref<1x32xf32, #tpu.memory_space<vmem>>) target_semaphore(%arg13 : memref<!tpu.dma_semaphore, #tpu.memory_space<semaphore_mem>>)
      %slice3A_169 = vector.extract_strided_slice %get3A_37 {offsets = [5], sizes = [1], strides = [1]} : vector<16xi32> to vector<1xi32>
      %squeeze3A_170 = vector.extract %slice3A_169[0] : i32 from vector<1xi32>
      %dma_start3A_171 = arith.constant 0 : i32
      %dma_start3A_172 = tpu.memref_slice %arg11[%add3A_158, %dma_start3A_171] : memref<256x32xf32, #tpu.memory_space<vmem>> -> memref<1x32xf32, #tpu.memory_space<vmem>>
      %dma_start3A_173 = arith.constant 0 : i32
      %dma_start3A_174 = tpu.memref_slice %arg5[%squeeze3A_170, %dma_start3A_173] : memref<1000000x32xf32, #tpu.memory_space<hbm>> -> memref<1x32xf32, #tpu.memory_space<hbm>>
      %dma_start3A_175 = arith.constant 0 : i32
      %dma_start3A_176 = tpu.memref_slice %arg11[%add3A_158, %dma_start3A_175] : memref<256x32xf32, #tpu.memory_space<vmem>> -> memref<1x32xf32, #tpu.memory_space<vmem>>
      %dma_start3A_177 = arith.constant 0 : i32
      %dma_start3A_178 = tpu.memref_slice %arg5[%squeeze3A_170, %dma_start3A_177] : memref<1000000x32xf32, #tpu.memory_space<hbm>> -> memref<1x32xf32, #tpu.memory_space<hbm>>
      tpu.enqueue_dma source(%dma_start3A_178 : memref<1x32xf32, #tpu.memory_space<hbm>>) target(%dma_start3A_176 : memref<1x32xf32, #tpu.memory_space<vmem>>) target_semaphore(%arg13 : memref<!tpu.dma_semaphore, #tpu.memory_space<semaphore_mem>>)
      %mul3A_179 = arith.constant 16 : i32
      %mul3A_180 = arith.muli %add3A_30, %mul3A_179 : i32
      %add3A_181 = arith.constant 6 : i32
      %add3A_182 = arith.addi %mul3A_180, %add3A_181 : i32
      %slice3A_183 = vector.extract_strided_slice %get3A_35 {offsets = [6], sizes = [1], strides = [1]} : vector<16xi32> to vector<1xi32>
      %squeeze3A_184 = vector.extract %slice3A_183[0] : i32 from vector<1xi32>
      %dma_start3A_185 = arith.constant 0 : i32
      %dma_start3A_186 = tpu.memref_slice %arg10[%add3A_182, %dma_start3A_185] : memref<256x32xf32, #tpu.memory_space<vmem>> -> memref<1x32xf32, #tpu.memory_space<vmem>>
      %dma_start3A_187 = arith.constant 0 : i32
      %dma_start3A_188 = tpu.memref_slice %arg4[%squeeze3A_184, %dma_start3A_187] : memref<1000000x32xf32, #tpu.memory_space<hbm>> -> memref<1x32xf32, #tpu.memory_space<hbm>>
      %dma_start3A_189 = arith.constant 0 : i32
      %dma_start3A_190 = tpu.memref_slice %arg10[%add3A_182, %dma_start3A_189] : memref<256x32xf32, #tpu.memory_space<vmem>> -> memref<1x32xf32, #tpu.memory_space<vmem>>
      %dma_start3A_191 = arith.constant 0 : i32
      %dma_start3A_192 = tpu.memref_slice %arg4[%squeeze3A_184, %dma_start3A_191] : memref<1000000x32xf32, #tpu.memory_space<hbm>> -> memref<1x32xf32, #tpu.memory_space<hbm>>
      tpu.enqueue_dma source(%dma_start3A_192 : memref<1x32xf32, #tpu.memory_space<hbm>>) target(%dma_start3A_190 : memref<1x32xf32, #tpu.memory_space<vmem>>) target_semaphore(%arg13 : memref<!tpu.dma_semaphore, #tpu.memory_space<semaphore_mem>>)
      %slice3A_193 = vector.extract_strided_slice %get3A_37 {offsets = [6], sizes = [1], strides = [1]} : vector<16xi32> to vector<1xi32>
      %squeeze3A_194 = vector.extract %slice3A_193[0] : i32 from vector<1xi32>
      %dma_start3A_195 = arith.constant 0 : i32
      %dma_start3A_196 = tpu.memref_slice %arg11[%add3A_182, %dma_start3A_195] : memref<256x32xf32, #tpu.memory_space<vmem>> -> memref<1x32xf32, #tpu.memory_space<vmem>>
      %dma_start3A_197 = arith.constant 0 : i32
      %dma_start3A_198 = tpu.memref_slice %arg5[%squeeze3A_194, %dma_start3A_197] : memref<1000000x32xf32, #tpu.memory_space<hbm>> -> memref<1x32xf32, #tpu.memory_space<hbm>>
      %dma_start3A_199 = arith.constant 0 : i32
      %dma_start3A_200 = tpu.memref_slice %arg11[%add3A_182, %dma_start3A_199] : memref<256x32xf32, #tpu.memory_space<vmem>> -> memref<1x32xf32, #tpu.memory_space<vmem>>
      %dma_start3A_201 = arith.constant 0 : i32
      %dma_start3A_202 = tpu.memref_slice %arg5[%squeeze3A_194, %dma_start3A_201] : memref<1000000x32xf32, #tpu.memory_space<hbm>> -> memref<1x32xf32, #tpu.memory_space<hbm>>
      tpu.enqueue_dma source(%dma_start3A_202 : memref<1x32xf32, #tpu.memory_space<hbm>>) target(%dma_start3A_200 : memref<1x32xf32, #tpu.memory_space<vmem>>) target_semaphore(%arg13 : memref<!tpu.dma_semaphore, #tpu.memory_space<semaphore_mem>>)
      %mul3A_203 = arith.constant 16 : i32
      %mul3A_204 = arith.muli %add3A_30, %mul3A_203 : i32
      %add3A_205 = arith.constant 7 : i32
      %add3A_206 = arith.addi %mul3A_204, %add3A_205 : i32
      %slice3A_207 = vector.extract_strided_slice %get3A_35 {offsets = [7], sizes = [1], strides = [1]} : vector<16xi32> to vector<1xi32>
      %squeeze3A_208 = vector.extract %slice3A_207[0] : i32 from vector<1xi32>
      %dma_start3A_209 = arith.constant 0 : i32
      %dma_start3A_210 = tpu.memref_slice %arg10[%add3A_206, %dma_start3A_209] : memref<256x32xf32, #tpu.memory_space<vmem>> -> memref<1x32xf32, #tpu.memory_space<vmem>>
      %dma_start3A_211 = arith.constant 0 : i32
      %dma_start3A_212 = tpu.memref_slice %arg4[%squeeze3A_208, %dma_start3A_211] : memref<1000000x32xf32, #tpu.memory_space<hbm>> -> memref<1x32xf32, #tpu.memory_space<hbm>>
      %dma_start3A_213 = arith.constant 0 : i32
      %dma_start3A_214 = tpu.memref_slice %arg10[%add3A_206, %dma_start3A_213] : memref<256x32xf32, #tpu.memory_space<vmem>> -> memref<1x32xf32, #tpu.memory_space<vmem>>
      %dma_start3A_215 = arith.constant 0 : i32
      %dma_start3A_216 = tpu.memref_slice %arg4[%squeeze3A_208, %dma_start3A_215] : memref<1000000x32xf32, #tpu.memory_space<hbm>> -> memref<1x32xf32, #tpu.memory_space<hbm>>
      tpu.enqueue_dma source(%dma_start3A_216 : memref<1x32xf32, #tpu.memory_space<hbm>>) target(%dma_start3A_214 : memref<1x32xf32, #tpu.memory_space<vmem>>) target_semaphore(%arg13 : memref<!tpu.dma_semaphore, #tpu.memory_space<semaphore_mem>>)
      %slice3A_217 = vector.extract_strided_slice %get3A_37 {offsets = [7], sizes = [1], strides = [1]} : vector<16xi32> to vector<1xi32>
      %squeeze3A_218 = vector.extract %slice3A_217[0] : i32 from vector<1xi32>
      %dma_start3A_219 = arith.constant 0 : i32
      %dma_start3A_220 = tpu.memref_slice %arg11[%add3A_206, %dma_start3A_219] : memref<256x32xf32, #tpu.memory_space<vmem>> -> memref<1x32xf32, #tpu.memory_space<vmem>>
      %dma_start3A_221 = arith.constant 0 : i32
      %dma_start3A_222 = tpu.memref_slice %arg5[%squeeze3A_218, %dma_start3A_221] : memref<1000000x32xf32, #tpu.memory_space<hbm>> -> memref<1x32xf32, #tpu.memory_space<hbm>>
      %dma_start3A_223 = arith.constant 0 : i32
      %dma_start3A_224 = tpu.memref_slice %arg11[%add3A_206, %dma_start3A_223] : memref<256x32xf32, #tpu.memory_space<vmem>> -> memref<1x32xf32, #tpu.memory_space<vmem>>
      %dma_start3A_225 = arith.constant 0 : i32
      %dma_start3A_226 = tpu.memref_slice %arg5[%squeeze3A_218, %dma_start3A_225] : memref<1000000x32xf32, #tpu.memory_space<hbm>> -> memref<1x32xf32, #tpu.memory_space<hbm>>
      tpu.enqueue_dma source(%dma_start3A_226 : memref<1x32xf32, #tpu.memory_space<hbm>>) target(%dma_start3A_224 : memref<1x32xf32, #tpu.memory_space<vmem>>) target_semaphore(%arg13 : memref<!tpu.dma_semaphore, #tpu.memory_space<semaphore_mem>>)
      %mul3A_227 = arith.constant 16 : i32
      %mul3A_228 = arith.muli %add3A_30, %mul3A_227 : i32
      %add3A_229 = arith.constant 8 : i32
      %add3A_230 = arith.addi %mul3A_228, %add3A_229 : i32
      %slice3A_231 = vector.extract_strided_slice %get3A_35 {offsets = [8], sizes = [1], strides = [1]} : vector<16xi32> to vector<1xi32>
      %squeeze3A_232 = vector.extract %slice3A_231[0] : i32 from vector<1xi32>
      %dma_start3A_233 = arith.constant 0 : i32
      %dma_start3A_234 = tpu.memref_slice %arg10[%add3A_230, %dma_start3A_233] : memref<256x32xf32, #tpu.memory_space<vmem>> -> memref<1x32xf32, #tpu.memory_space<vmem>>
      %dma_start3A_235 = arith.constant 0 : i32
      %dma_start3A_236 = tpu.memref_slice %arg4[%squeeze3A_232, %dma_start3A_235] : memref<1000000x32xf32, #tpu.memory_space<hbm>> -> memref<1x32xf32, #tpu.memory_space<hbm>>
      %dma_start3A_237 = arith.constant 0 : i32
      %dma_start3A_238 = tpu.memref_slice %arg10[%add3A_230, %dma_start3A_237] : memref<256x32xf32, #tpu.memory_space<vmem>> -> memref<1x32xf32, #tpu.memory_space<vmem>>
      %dma_start3A_239 = arith.constant 0 : i32
      %dma_start3A_240 = tpu.memref_slice %arg4[%squeeze3A_232, %dma_start3A_239] : memref<1000000x32xf32, #tpu.memory_space<hbm>> -> memref<1x32xf32, #tpu.memory_space<hbm>>
      tpu.enqueue_dma source(%dma_start3A_240 : memref<1x32xf32, #tpu.memory_space<hbm>>) target(%dma_start3A_238 : memref<1x32xf32, #tpu.memory_space<vmem>>) target_semaphore(%arg13 : memref<!tpu.dma_semaphore, #tpu.memory_space<semaphore_mem>>)
      %slice3A_241 = vector.extract_strided_slice %get3A_37 {offsets = [8], sizes = [1], strides = [1]} : vector<16xi32> to vector<1xi32>
      %squeeze3A_242 = vector.extract %slice3A_241[0] : i32 from vector<1xi32>
      %dma_start3A_243 = arith.constant 0 : i32
      %dma_start3A_244 = tpu.memref_slice %arg11[%add3A_230, %dma_start3A_243] : memref<256x32xf32, #tpu.memory_space<vmem>> -> memref<1x32xf32, #tpu.memory_space<vmem>>
      %dma_start3A_245 = arith.constant 0 : i32
      %dma_start3A_246 = tpu.memref_slice %arg5[%squeeze3A_242, %dma_start3A_245] : memref<1000000x32xf32, #tpu.memory_space<hbm>> -> memref<1x32xf32, #tpu.memory_space<hbm>>
      %dma_start3A_247 = arith.constant 0 : i32
      %dma_start3A_248 = tpu.memref_slice %arg11[%add3A_230, %dma_start3A_247] : memref<256x32xf32, #tpu.memory_space<vmem>> -> memref<1x32xf32, #tpu.memory_space<vmem>>
      %dma_start3A_249 = arith.constant 0 : i32
      %dma_start3A_250 = tpu.memref_slice %arg5[%squeeze3A_242, %dma_start3A_249] : memref<1000000x32xf32, #tpu.memory_space<hbm>> -> memref<1x32xf32, #tpu.memory_space<hbm>>
      tpu.enqueue_dma source(%dma_start3A_250 : memref<1x32xf32, #tpu.memory_space<hbm>>) target(%dma_start3A_248 : memref<1x32xf32, #tpu.memory_space<vmem>>) target_semaphore(%arg13 : memref<!tpu.dma_semaphore, #tpu.memory_space<semaphore_mem>>)
      %mul3A_251 = arith.constant 16 : i32
      %mul3A_252 = arith.muli %add3A_30, %mul3A_251 : i32
      %add3A_253 = arith.constant 9 : i32
      %add3A_254 = arith.addi %mul3A_252, %add3A_253 : i32
      %slice3A_255 = vector.extract_strided_slice %get3A_35 {offsets = [9], sizes = [1], strides = [1]} : vector<16xi32> to vector<1xi32>
      %squeeze3A_256 = vector.extract %slice3A_255[0] : i32 from vector<1xi32>
      %dma_start3A_257 = arith.constant 0 : i32
      %dma_start3A_258 = tpu.memref_slice %arg10[%add3A_254, %dma_start3A_257] : memref<256x32xf32, #tpu.memory_space<vmem>> -> memref<1x32xf32, #tpu.memory_space<vmem>>
      %dma_start3A_259 = arith.constant 0 : i32
      %dma_start3A_260 = tpu.memref_slice %arg4[%squeeze3A_256, %dma_start3A_259] : memref<1000000x32xf32, #tpu.memory_space<hbm>> -> memref<1x32xf32, #tpu.memory_space<hbm>>
      %dma_start3A_261 = arith.constant 0 : i32
      %dma_start3A_262 = tpu.memref_slice %arg10[%add3A_254, %dma_start3A_261] : memref<256x32xf32, #tpu.memory_space<vmem>> -> memref<1x32xf32, #tpu.memory_space<vmem>>
      %dma_start3A_263 = arith.constant 0 : i32
      %dma_start3A_264 = tpu.memref_slice %arg4[%squeeze3A_256, %dma_start3A_263] : memref<1000000x32xf32, #tpu.memory_space<hbm>> -> memref<1x32xf32, #tpu.memory_space<hbm>>
      tpu.enqueue_dma source(%dma_start3A_264 : memref<1x32xf32, #tpu.memory_space<hbm>>) target(%dma_start3A_262 : memref<1x32xf32, #tpu.memory_space<vmem>>) target_semaphore(%arg13 : memref<!tpu.dma_semaphore, #tpu.memory_space<semaphore_mem>>)
      %slice3A_265 = vector.extract_strided_slice %get3A_37 {offsets = [9], sizes = [1], strides = [1]} : vector<16xi32> to vector<1xi32>
      %squeeze3A_266 = vector.extract %slice3A_265[0] : i32 from vector<1xi32>
      %dma_start3A_267 = arith.constant 0 : i32
      %dma_start3A_268 = tpu.memref_slice %arg11[%add3A_254, %dma_start3A_267] : memref<256x32xf32, #tpu.memory_space<vmem>> -> memref<1x32xf32, #tpu.memory_space<vmem>>
      %dma_start3A_269 = arith.constant 0 : i32
      %dma_start3A_270 = tpu.memref_slice %arg5[%squeeze3A_266, %dma_start3A_269] : memref<1000000x32xf32, #tpu.memory_space<hbm>> -> memref<1x32xf32, #tpu.memory_space<hbm>>
      %dma_start3A_271 = arith.constant 0 : i32
      %dma_start3A_272 = tpu.memref_slice %arg11[%add3A_254, %dma_start3A_271] : memref<256x32xf32, #tpu.memory_space<vmem>> -> memref<1x32xf32, #tpu.memory_space<vmem>>
      %dma_start3A_273 = arith.constant 0 : i32
      %dma_start3A_274 = tpu.memref_slice %arg5[%squeeze3A_266, %dma_start3A_273] : memref<1000000x32xf32, #tpu.memory_space<hbm>> -> memref<1x32xf32, #tpu.memory_space<hbm>>
      tpu.enqueue_dma source(%dma_start3A_274 : memref<1x32xf32, #tpu.memory_space<hbm>>) target(%dma_start3A_272 : memref<1x32xf32, #tpu.memory_space<vmem>>) target_semaphore(%arg13 : memref<!tpu.dma_semaphore, #tpu.memory_space<semaphore_mem>>)
      %mul3A_275 = arith.constant 16 : i32
      %mul3A_276 = arith.muli %add3A_30, %mul3A_275 : i32
      %add3A_277 = arith.constant 10 : i32
      %add3A_278 = arith.addi %mul3A_276, %add3A_277 : i32
      %slice3A_279 = vector.extract_strided_slice %get3A_35 {offsets = [10], sizes = [1], strides = [1]} : vector<16xi32> to vector<1xi32>
      %squeeze3A_280 = vector.extract %slice3A_279[0] : i32 from vector<1xi32>
      %dma_start3A_281 = arith.constant 0 : i32
      %dma_start3A_282 = tpu.memref_slice %arg10[%add3A_278, %dma_start3A_281] : memref<256x32xf32, #tpu.memory_space<vmem>> -> memref<1x32xf32, #tpu.memory_space<vmem>>
      %dma_start3A_283 = arith.constant 0 : i32
      %dma_start3A_284 = tpu.memref_slice %arg4[%squeeze3A_280, %dma_start3A_283] : memref<1000000x32xf32, #tpu.memory_space<hbm>> -> memref<1x32xf32, #tpu.memory_space<hbm>>
      %dma_start3A_285 = arith.constant 0 : i32
      %dma_start3A_286 = tpu.memref_slice %arg10[%add3A_278, %dma_start3A_285] : memref<256x32xf32, #tpu.memory_space<vmem>> -> memref<1x32xf32, #tpu.memory_space<vmem>>
      %dma_start3A_287 = arith.constant 0 : i32
      %dma_start3A_288 = tpu.memref_slice %arg4[%squeeze3A_280, %dma_start3A_287] : memref<1000000x32xf32, #tpu.memory_space<hbm>> -> memref<1x32xf32, #tpu.memory_space<hbm>>
      tpu.enqueue_dma source(%dma_start3A_288 : memref<1x32xf32, #tpu.memory_space<hbm>>) target(%dma_start3A_286 : memref<1x32xf32, #tpu.memory_space<vmem>>) target_semaphore(%arg13 : memref<!tpu.dma_semaphore, #tpu.memory_space<semaphore_mem>>)
      %slice3A_289 = vector.extract_strided_slice %get3A_37 {offsets = [10], sizes = [1], strides = [1]} : vector<16xi32> to vector<1xi32>
      %squeeze3A_290 = vector.extract %slice3A_289[0] : i32 from vector<1xi32>
      %dma_start3A_291 = arith.constant 0 : i32
      %dma_start3A_292 = tpu.memref_slice %arg11[%add3A_278, %dma_start3A_291] : memref<256x32xf32, #tpu.memory_space<vmem>> -> memref<1x32xf32, #tpu.memory_space<vmem>>
      %dma_start3A_293 = arith.constant 0 : i32
      %dma_start3A_294 = tpu.memref_slice %arg5[%squeeze3A_290, %dma_start3A_293] : memref<1000000x32xf32, #tpu.memory_space<hbm>> -> memref<1x32xf32, #tpu.memory_space<hbm>>
      %dma_start3A_295 = arith.constant 0 : i32
      %dma_start3A_296 = tpu.memref_slice %arg11[%add3A_278, %dma_start3A_295] : memref<256x32xf32, #tpu.memory_space<vmem>> -> memref<1x32xf32, #tpu.memory_space<vmem>>
      %dma_start3A_297 = arith.constant 0 : i32
      %dma_start3A_298 = tpu.memref_slice %arg5[%squeeze3A_290, %dma_start3A_297] : memref<1000000x32xf32, #tpu.memory_space<hbm>> -> memref<1x32xf32, #tpu.memory_space<hbm>>
      tpu.enqueue_dma source(%dma_start3A_298 : memref<1x32xf32, #tpu.memory_space<hbm>>) target(%dma_start3A_296 : memref<1x32xf32, #tpu.memory_space<vmem>>) target_semaphore(%arg13 : memref<!tpu.dma_semaphore, #tpu.memory_space<semaphore_mem>>)
      %mul3A_299 = arith.constant 16 : i32
      %mul3A_300 = arith.muli %add3A_30, %mul3A_299 : i32
      %add3A_301 = arith.constant 11 : i32
      %add3A_302 = arith.addi %mul3A_300, %add3A_301 : i32
      %slice3A_303 = vector.extract_strided_slice %get3A_35 {offsets = [11], sizes = [1], strides = [1]} : vector<16xi32> to vector<1xi32>
      %squeeze3A_304 = vector.extract %slice3A_303[0] : i32 from vector<1xi32>
      %dma_start3A_305 = arith.constant 0 : i32
      %dma_start3A_306 = tpu.memref_slice %arg10[%add3A_302, %dma_start3A_305] : memref<256x32xf32, #tpu.memory_space<vmem>> -> memref<1x32xf32, #tpu.memory_space<vmem>>
      %dma_start3A_307 = arith.constant 0 : i32
      %dma_start3A_308 = tpu.memref_slice %arg4[%squeeze3A_304, %dma_start3A_307] : memref<1000000x32xf32, #tpu.memory_space<hbm>> -> memref<1x32xf32, #tpu.memory_space<hbm>>
      %dma_start3A_309 = arith.constant 0 : i32
      %dma_start3A_310 = tpu.memref_slice %arg10[%add3A_302, %dma_start3A_309] : memref<256x32xf32, #tpu.memory_space<vmem>> -> memref<1x32xf32, #tpu.memory_space<vmem>>
      %dma_start3A_311 = arith.constant 0 : i32
      %dma_start3A_312 = tpu.memref_slice %arg4[%squeeze3A_304, %dma_start3A_311] : memref<1000000x32xf32, #tpu.memory_space<hbm>> -> memref<1x32xf32, #tpu.memory_space<hbm>>
      tpu.enqueue_dma source(%dma_start3A_312 : memref<1x32xf32, #tpu.memory_space<hbm>>) target(%dma_start3A_310 : memref<1x32xf32, #tpu.memory_space<vmem>>) target_semaphore(%arg13 : memref<!tpu.dma_semaphore, #tpu.memory_space<semaphore_mem>>)
      %slice3A_313 = vector.extract_strided_slice %get3A_37 {offsets = [11], sizes = [1], strides = [1]} : vector<16xi32> to vector<1xi32>
      %squeeze3A_314 = vector.extract %slice3A_313[0] : i32 from vector<1xi32>
      %dma_start3A_315 = arith.constant 0 : i32
      %dma_start3A_316 = tpu.memref_slice %arg11[%add3A_302, %dma_start3A_315] : memref<256x32xf32, #tpu.memory_space<vmem>> -> memref<1x32xf32, #tpu.memory_space<vmem>>
      %dma_start3A_317 = arith.constant 0 : i32
      %dma_start3A_318 = tpu.memref_slice %arg5[%squeeze3A_314, %dma_start3A_317] : memref<1000000x32xf32, #tpu.memory_space<hbm>> -> memref<1x32xf32, #tpu.memory_space<hbm>>
      %dma_start3A_319 = arith.constant 0 : i32
      %dma_start3A_320 = tpu.memref_slice %arg11[%add3A_302, %dma_start3A_319] : memref<256x32xf32, #tpu.memory_space<vmem>> -> memref<1x32xf32, #tpu.memory_space<vmem>>
      %dma_start3A_321 = arith.constant 0 : i32
      %dma_start3A_322 = tpu.memref_slice %arg5[%squeeze3A_314, %dma_start3A_321] : memref<1000000x32xf32, #tpu.memory_space<hbm>> -> memref<1x32xf32, #tpu.memory_space<hbm>>
      tpu.enqueue_dma source(%dma_start3A_322 : memref<1x32xf32, #tpu.memory_space<hbm>>) target(%dma_start3A_320 : memref<1x32xf32, #tpu.memory_space<vmem>>) target_semaphore(%arg13 : memref<!tpu.dma_semaphore, #tpu.memory_space<semaphore_mem>>)
      %mul3A_323 = arith.constant 16 : i32
      %mul3A_324 = arith.muli %add3A_30, %mul3A_323 : i32
      %add3A_325 = arith.constant 12 : i32
      %add3A_326 = arith.addi %mul3A_324, %add3A_325 : i32
      %slice3A_327 = vector.extract_strided_slice %get3A_35 {offsets = [12], sizes = [1], strides = [1]} : vector<16xi32> to vector<1xi32>
      %squeeze3A_328 = vector.extract %slice3A_327[0] : i32 from vector<1xi32>
      %dma_start3A_329 = arith.constant 0 : i32
      %dma_start3A_330 = tpu.memref_slice %arg10[%add3A_326, %dma_start3A_329] : memref<256x32xf32, #tpu.memory_space<vmem>> -> memref<1x32xf32, #tpu.memory_space<vmem>>
      %dma_start3A_331 = arith.constant 0 : i32
      %dma_start3A_332 = tpu.memref_slice %arg4[%squeeze3A_328, %dma_start3A_331] : memref<1000000x32xf32, #tpu.memory_space<hbm>> -> memref<1x32xf32, #tpu.memory_space<hbm>>
      %dma_start3A_333 = arith.constant 0 : i32
      %dma_start3A_334 = tpu.memref_slice %arg10[%add3A_326, %dma_start3A_333] : memref<256x32xf32, #tpu.memory_space<vmem>> -> memref<1x32xf32, #tpu.memory_space<vmem>>
      %dma_start3A_335 = arith.constant 0 : i32
      %dma_start3A_336 = tpu.memref_slice %arg4[%squeeze3A_328, %dma_start3A_335] : memref<1000000x32xf32, #tpu.memory_space<hbm>> -> memref<1x32xf32, #tpu.memory_space<hbm>>
      tpu.enqueue_dma source(%dma_start3A_336 : memref<1x32xf32, #tpu.memory_space<hbm>>) target(%dma_start3A_334 : memref<1x32xf32, #tpu.memory_space<vmem>>) target_semaphore(%arg13 : memref<!tpu.dma_semaphore, #tpu.memory_space<semaphore_mem>>)
      %slice3A_337 = vector.extract_strided_slice %get3A_37 {offsets = [12], sizes = [1], strides = [1]} : vector<16xi32> to vector<1xi32>
      %squeeze3A_338 = vector.extract %slice3A_337[0] : i32 from vector<1xi32>
      %dma_start3A_339 = arith.constant 0 : i32
      %dma_start3A_340 = tpu.memref_slice %arg11[%add3A_326, %dma_start3A_339] : memref<256x32xf32, #tpu.memory_space<vmem>> -> memref<1x32xf32, #tpu.memory_space<vmem>>
      %dma_start3A_341 = arith.constant 0 : i32
      %dma_start3A_342 = tpu.memref_slice %arg5[%squeeze3A_338, %dma_start3A_341] : memref<1000000x32xf32, #tpu.memory_space<hbm>> -> memref<1x32xf32, #tpu.memory_space<hbm>>
      %dma_start3A_343 = arith.constant 0 : i32
      %dma_start3A_344 = tpu.memref_slice %arg11[%add3A_326, %dma_start3A_343] : memref<256x32xf32, #tpu.memory_space<vmem>> -> memref<1x32xf32, #tpu.memory_space<vmem>>
      %dma_start3A_345 = arith.constant 0 : i32
      %dma_start3A_346 = tpu.memref_slice %arg5[%squeeze3A_338, %dma_start3A_345] : memref<1000000x32xf32, #tpu.memory_space<hbm>> -> memref<1x32xf32, #tpu.memory_space<hbm>>
      tpu.enqueue_dma source(%dma_start3A_346 : memref<1x32xf32, #tpu.memory_space<hbm>>) target(%dma_start3A_344 : memref<1x32xf32, #tpu.memory_space<vmem>>) target_semaphore(%arg13 : memref<!tpu.dma_semaphore, #tpu.memory_space<semaphore_mem>>)
      %mul3A_347 = arith.constant 16 : i32
      %mul3A_348 = arith.muli %add3A_30, %mul3A_347 : i32
      %add3A_349 = arith.constant 13 : i32
      %add3A_350 = arith.addi %mul3A_348, %add3A_349 : i32
      %slice3A_351 = vector.extract_strided_slice %get3A_35 {offsets = [13], sizes = [1], strides = [1]} : vector<16xi32> to vector<1xi32>
      %squeeze3A_352 = vector.extract %slice3A_351[0] : i32 from vector<1xi32>
      %dma_start3A_353 = arith.constant 0 : i32
      %dma_start3A_354 = tpu.memref_slice %arg10[%add3A_350, %dma_start3A_353] : memref<256x32xf32, #tpu.memory_space<vmem>> -> memref<1x32xf32, #tpu.memory_space<vmem>>
      %dma_start3A_355 = arith.constant 0 : i32
      %dma_start3A_356 = tpu.memref_slice %arg4[%squeeze3A_352, %dma_start3A_355] : memref<1000000x32xf32, #tpu.memory_space<hbm>> -> memref<1x32xf32, #tpu.memory_space<hbm>>
      %dma_start3A_357 = arith.constant 0 : i32
      %dma_start3A_358 = tpu.memref_slice %arg10[%add3A_350, %dma_start3A_357] : memref<256x32xf32, #tpu.memory_space<vmem>> -> memref<1x32xf32, #tpu.memory_space<vmem>>
      %dma_start3A_359 = arith.constant 0 : i32
      %dma_start3A_360 = tpu.memref_slice %arg4[%squeeze3A_352, %dma_start3A_359] : memref<1000000x32xf32, #tpu.memory_space<hbm>> -> memref<1x32xf32, #tpu.memory_space<hbm>>
      tpu.enqueue_dma source(%dma_start3A_360 : memref<1x32xf32, #tpu.memory_space<hbm>>) target(%dma_start3A_358 : memref<1x32xf32, #tpu.memory_space<vmem>>) target_semaphore(%arg13 : memref<!tpu.dma_semaphore, #tpu.memory_space<semaphore_mem>>)
      %slice3A_361 = vector.extract_strided_slice %get3A_37 {offsets = [13], sizes = [1], strides = [1]} : vector<16xi32> to vector<1xi32>
      %squeeze3A_362 = vector.extract %slice3A_361[0] : i32 from vector<1xi32>
      %dma_start3A_363 = arith.constant 0 : i32
      %dma_start3A_364 = tpu.memref_slice %arg11[%add3A_350, %dma_start3A_363] : memref<256x32xf32, #tpu.memory_space<vmem>> -> memref<1x32xf32, #tpu.memory_space<vmem>>
      %dma_start3A_365 = arith.constant 0 : i32
      %dma_start3A_366 = tpu.memref_slice %arg5[%squeeze3A_362, %dma_start3A_365] : memref<1000000x32xf32, #tpu.memory_space<hbm>> -> memref<1x32xf32, #tpu.memory_space<hbm>>
      %dma_start3A_367 = arith.constant 0 : i32
      %dma_start3A_368 = tpu.memref_slice %arg11[%add3A_350, %dma_start3A_367] : memref<256x32xf32, #tpu.memory_space<vmem>> -> memref<1x32xf32, #tpu.memory_space<vmem>>
      %dma_start3A_369 = arith.constant 0 : i32
      %dma_start3A_370 = tpu.memref_slice %arg5[%squeeze3A_362, %dma_start3A_369] : memref<1000000x32xf32, #tpu.memory_space<hbm>> -> memref<1x32xf32, #tpu.memory_space<hbm>>
      tpu.enqueue_dma source(%dma_start3A_370 : memref<1x32xf32, #tpu.memory_space<hbm>>) target(%dma_start3A_368 : memref<1x32xf32, #tpu.memory_space<vmem>>) target_semaphore(%arg13 : memref<!tpu.dma_semaphore, #tpu.memory_space<semaphore_mem>>)
      %mul3A_371 = arith.constant 16 : i32
      %mul3A_372 = arith.muli %add3A_30, %mul3A_371 : i32
      %add3A_373 = arith.constant 14 : i32
      %add3A_374 = arith.addi %mul3A_372, %add3A_373 : i32
      %slice3A_375 = vector.extract_strided_slice %get3A_35 {offsets = [14], sizes = [1], strides = [1]} : vector<16xi32> to vector<1xi32>
      %squeeze3A_376 = vector.extract %slice3A_375[0] : i32 from vector<1xi32>
      %dma_start3A_377 = arith.constant 0 : i32
      %dma_start3A_378 = tpu.memref_slice %arg10[%add3A_374, %dma_start3A_377] : memref<256x32xf32, #tpu.memory_space<vmem>> -> memref<1x32xf32, #tpu.memory_space<vmem>>
      %dma_start3A_379 = arith.constant 0 : i32
      %dma_start3A_380 = tpu.memref_slice %arg4[%squeeze3A_376, %dma_start3A_379] : memref<1000000x32xf32, #tpu.memory_space<hbm>> -> memref<1x32xf32, #tpu.memory_space<hbm>>
      %dma_start3A_381 = arith.constant 0 : i32
      %dma_start3A_382 = tpu.memref_slice %arg10[%add3A_374, %dma_start3A_381] : memref<256x32xf32, #tpu.memory_space<vmem>> -> memref<1x32xf32, #tpu.memory_space<vmem>>
      %dma_start3A_383 = arith.constant 0 : i32
      %dma_start3A_384 = tpu.memref_slice %arg4[%squeeze3A_376, %dma_start3A_383] : memref<1000000x32xf32, #tpu.memory_space<hbm>> -> memref<1x32xf32, #tpu.memory_space<hbm>>
      tpu.enqueue_dma source(%dma_start3A_384 : memref<1x32xf32, #tpu.memory_space<hbm>>) target(%dma_start3A_382 : memref<1x32xf32, #tpu.memory_space<vmem>>) target_semaphore(%arg13 : memref<!tpu.dma_semaphore, #tpu.memory_space<semaphore_mem>>)
      %slice3A_385 = vector.extract_strided_slice %get3A_37 {offsets = [14], sizes = [1], strides = [1]} : vector<16xi32> to vector<1xi32>
      %squeeze3A_386 = vector.extract %slice3A_385[0] : i32 from vector<1xi32>
      %dma_start3A_387 = arith.constant 0 : i32
      %dma_start3A_388 = tpu.memref_slice %arg11[%add3A_374, %dma_start3A_387] : memref<256x32xf32, #tpu.memory_space<vmem>> -> memref<1x32xf32, #tpu.memory_space<vmem>>
      %dma_start3A_389 = arith.constant 0 : i32
      %dma_start3A_390 = tpu.memref_slice %arg5[%squeeze3A_386, %dma_start3A_389] : memref<1000000x32xf32, #tpu.memory_space<hbm>> -> memref<1x32xf32, #tpu.memory_space<hbm>>
      %dma_start3A_391 = arith.constant 0 : i32
      %dma_start3A_392 = tpu.memref_slice %arg11[%add3A_374, %dma_start3A_391] : memref<256x32xf32, #tpu.memory_space<vmem>> -> memref<1x32xf32, #tpu.memory_space<vmem>>
      %dma_start3A_393 = arith.constant 0 : i32
      %dma_start3A_394 = tpu.memref_slice %arg5[%squeeze3A_386, %dma_start3A_393] : memref<1000000x32xf32, #tpu.memory_space<hbm>> -> memref<1x32xf32, #tpu.memory_space<hbm>>
      tpu.enqueue_dma source(%dma_start3A_394 : memref<1x32xf32, #tpu.memory_space<hbm>>) target(%dma_start3A_392 : memref<1x32xf32, #tpu.memory_space<vmem>>) target_semaphore(%arg13 : memref<!tpu.dma_semaphore, #tpu.memory_space<semaphore_mem>>)
      %mul3A_395 = arith.constant 16 : i32
      %mul3A_396 = arith.muli %add3A_30, %mul3A_395 : i32
      %add3A_397 = arith.constant 15 : i32
      %add3A_398 = arith.addi %mul3A_396, %add3A_397 : i32
      %slice3A_399 = vector.extract_strided_slice %get3A_35 {offsets = [15], sizes = [1], strides = [1]} : vector<16xi32> to vector<1xi32>
      %squeeze3A_400 = vector.extract %slice3A_399[0] : i32 from vector<1xi32>
      %dma_start3A_401 = arith.constant 0 : i32
      %dma_start3A_402 = tpu.memref_slice %arg10[%add3A_398, %dma_start3A_401] : memref<256x32xf32, #tpu.memory_space<vmem>> -> memref<1x32xf32, #tpu.memory_space<vmem>>
      %dma_start3A_403 = arith.constant 0 : i32
      %dma_start3A_404 = tpu.memref_slice %arg4[%squeeze3A_400, %dma_start3A_403] : memref<1000000x32xf32, #tpu.memory_space<hbm>> -> memref<1x32xf32, #tpu.memory_space<hbm>>
      %dma_start3A_405 = arith.constant 0 : i32
      %dma_start3A_406 = tpu.memref_slice %arg10[%add3A_398, %dma_start3A_405] : memref<256x32xf32, #tpu.memory_space<vmem>> -> memref<1x32xf32, #tpu.memory_space<vmem>>
      %dma_start3A_407 = arith.constant 0 : i32
      %dma_start3A_408 = tpu.memref_slice %arg4[%squeeze3A_400, %dma_start3A_407] : memref<1000000x32xf32, #tpu.memory_space<hbm>> -> memref<1x32xf32, #tpu.memory_space<hbm>>
      tpu.enqueue_dma source(%dma_start3A_408 : memref<1x32xf32, #tpu.memory_space<hbm>>) target(%dma_start3A_406 : memref<1x32xf32, #tpu.memory_space<vmem>>) target_semaphore(%arg13 : memref<!tpu.dma_semaphore, #tpu.memory_space<semaphore_mem>>)
      %slice3A_409 = vector.extract_strided_slice %get3A_37 {offsets = [15], sizes = [1], strides = [1]} : vector<16xi32> to vector<1xi32>
      %squeeze3A_410 = vector.extract %slice3A_409[0] : i32 from vector<1xi32>
      %dma_start3A_411 = arith.constant 0 : i32
      %dma_start3A_412 = tpu.memref_slice %arg11[%add3A_398, %dma_start3A_411] : memref<256x32xf32, #tpu.memory_space<vmem>> -> memref<1x32xf32, #tpu.memory_space<vmem>>
      %dma_start3A_413 = arith.constant 0 : i32
      %dma_start3A_414 = tpu.memref_slice %arg5[%squeeze3A_410, %dma_start3A_413] : memref<1000000x32xf32, #tpu.memory_space<hbm>> -> memref<1x32xf32, #tpu.memory_space<hbm>>
      %dma_start3A_415 = arith.constant 0 : i32
      %dma_start3A_416 = tpu.memref_slice %arg11[%add3A_398, %dma_start3A_415] : memref<256x32xf32, #tpu.memory_space<vmem>> -> memref<1x32xf32, #tpu.memory_space<vmem>>
      %dma_start3A_417 = arith.constant 0 : i32
      %dma_start3A_418 = tpu.memref_slice %arg5[%squeeze3A_410, %dma_start3A_417] : memref<1000000x32xf32, #tpu.memory_space<hbm>> -> memref<1x32xf32, #tpu.memory_space<hbm>>
      tpu.enqueue_dma source(%dma_start3A_418 : memref<1x32xf32, #tpu.memory_space<hbm>>) target(%dma_start3A_416 : memref<1x32xf32, #tpu.memory_space<vmem>>) target_semaphore(%arg13 : memref<!tpu.dma_semaphore, #tpu.memory_space<semaphore_mem>>)
    }
    %scan3A_18 = arith.constant 16 : i32
    tpu.wait_dma2 semaphore(%arg13 : memref<!tpu.dma_semaphore, #tpu.memory_space<semaphore_mem>>) src(%arg6 : memref<256x32xf32, #tpu.memory_space<hbm>>) dst(%arg10 : memref<256x32xf32, #tpu.memory_space<vmem>>)
    tpu.wait_dma2 semaphore(%arg13 : memref<!tpu.dma_semaphore, #tpu.memory_space<semaphore_mem>>) src(%arg6 : memref<256x32xf32, #tpu.memory_space<hbm>>) dst(%arg11 : memref<256x32xf32, #tpu.memory_space<vmem>>)
    %scan3A_19 = arith.constant 0 : i32
    %scan3A_20 = arith.constant 16 : i32
    %scan3A_21 = arith.addi %scan3A_19, %scan3A_20 : i32
    %scan3A_22 = arith.constant 1 : i32
    scf.for %scan3A_26 = %scan3A_19 to %scan3A_21 step %scan3A_22  : i32 {
      %mul3A_27 = arith.constant 1 : i32
      %mul3A_28 = arith.muli %scan3A_26, %mul3A_27 : i32
      %add3A_29 = arith.constant 0 : i32
      %add3A_30 = arith.addi %add3A_29, %mul3A_28 : i32
      %mul3A_31 = arith.constant 16 : i32
      %mul3A_32 = arith.muli %add3A_30, %mul3A_31 : i32
      %add3A_33 = vector.broadcast %mul3A_32 : i32 to vector<16xi32>
      %add3A_34 = arith.addi %add3A_33, %iota3A : vector<16xi32>
      %broadcast_in_dim3A = arith.constant 0.000000e+00 : f32
      %broadcast_in_dim3A_35 = vector.broadcast %broadcast_in_dim3A : f32 to vector<16xf32>
      %broadcast_in_dim3A_36 = arith.constant 0 : i32
      %broadcast_in_dim3A_37 = vector.broadcast %broadcast_in_dim3A_36 : i32 to vector<16xi32>
      %gather3A = tpu.vector_load_idx %arg10[%add3A_34, %broadcast_in_dim3A_37] : memref<256x32xf32, #tpu.memory_space<vmem>>[vector<16xi32>, vector<16xi32>], vector<16xf32>,
      %gather3A_38 = tpu.vector_load_idx %arg11[%add3A_34, %broadcast_in_dim3A_37] : memref<256x32xf32, #tpu.memory_space<vmem>>[vector<16xi32>, vector<16xi32>], vector<16xf32>,
      %mul3A_39 = arith.mulf %gather3A, %gather3A_38 : vector<16xf32>
      %add3A_40 = arith.addf %broadcast_in_dim3A_35, %mul3A_39 : vector<16xf32>
      %broadcast_in_dim3A_41 = arith.constant 1 : i32
      %broadcast_in_dim3A_42 = vector.broadcast %broadcast_in_dim3A_41 : i32 to vector<16xi32>
      %gather3A_43 = tpu.vector_load_idx %arg10[%add3A_34, %broadcast_in_dim3A_42] : memref<256x32xf32, #tpu.memory_space<vmem>>[vector<16xi32>, vector<16xi32>], vector<16xf32>,
      %gather3A_44 = tpu.vector_load_idx %arg11[%add3A_34, %broadcast_in_dim3A_42] : memref<256x32xf32, #tpu.memory_space<vmem>>[vector<16xi32>, vector<16xi32>], vector<16xf32>,
      %mul3A_45 = arith.mulf %gather3A_43, %gather3A_44 : vector<16xf32>
      %add3A_46 = arith.addf %add3A_40, %mul3A_45 : vector<16xf32>
      %broadcast_in_dim3A_47 = arith.constant 2 : i32
      %broadcast_in_dim3A_48 = vector.broadcast %broadcast_in_dim3A_47 : i32 to vector<16xi32>
      %gather3A_49 = tpu.vector_load_idx %arg10[%add3A_34, %broadcast_in_dim3A_48] : memref<256x32xf32, #tpu.memory_space<vmem>>[vector<16xi32>, vector<16xi32>], vector<16xf32>,
      %gather3A_50 = tpu.vector_load_idx %arg11[%add3A_34, %broadcast_in_dim3A_48] : memref<256x32xf32, #tpu.memory_space<vmem>>[vector<16xi32>, vector<16xi32>], vector<16xf32>,
      %mul3A_51 = arith.mulf %gather3A_49, %gather3A_50 : vector<16xf32>
      %add3A_52 = arith.addf %add3A_46, %mul3A_51 : vector<16xf32>
      %broadcast_in_dim3A_53 = arith.constant 3 : i32
      %broadcast_in_dim3A_54 = vector.broadcast %broadcast_in_dim3A_53 : i32 to vector<16xi32>
      %gather3A_55 = tpu.vector_load_idx %arg10[%add3A_34, %broadcast_in_dim3A_54] : memref<256x32xf32, #tpu.memory_space<vmem>>[vector<16xi32>, vector<16xi32>], vector<16xf32>,
      %gather3A_56 = tpu.vector_load_idx %arg11[%add3A_34, %broadcast_in_dim3A_54] : memref<256x32xf32, #tpu.memory_space<vmem>>[vector<16xi32>, vector<16xi32>], vector<16xf32>,
      %mul3A_57 = arith.mulf %gather3A_55, %gather3A_56 : vector<16xf32>
      %add3A_58 = arith.addf %add3A_52, %mul3A_57 : vector<16xf32>
      %broadcast_in_dim3A_59 = arith.constant 4 : i32
      %broadcast_in_dim3A_60 = vector.broadcast %broadcast_in_dim3A_59 : i32 to vector<16xi32>
      %gather3A_61 = tpu.vector_load_idx %arg10[%add3A_34, %broadcast_in_dim3A_60] : memref<256x32xf32, #tpu.memory_space<vmem>>[vector<16xi32>, vector<16xi32>], vector<16xf32>,
      %gather3A_62 = tpu.vector_load_idx %arg11[%add3A_34, %broadcast_in_dim3A_60] : memref<256x32xf32, #tpu.memory_space<vmem>>[vector<16xi32>, vector<16xi32>], vector<16xf32>,
      %mul3A_63 = arith.mulf %gather3A_61, %gather3A_62 : vector<16xf32>
      %add3A_64 = arith.addf %add3A_58, %mul3A_63 : vector<16xf32>
      %broadcast_in_dim3A_65 = arith.constant 5 : i32
      %broadcast_in_dim3A_66 = vector.broadcast %broadcast_in_dim3A_65 : i32 to vector<16xi32>
      %gather3A_67 = tpu.vector_load_idx %arg10[%add3A_34, %broadcast_in_dim3A_66] : memref<256x32xf32, #tpu.memory_space<vmem>>[vector<16xi32>, vector<16xi32>], vector<16xf32>,
      %gather3A_68 = tpu.vector_load_idx %arg11[%add3A_34, %broadcast_in_dim3A_66] : memref<256x32xf32, #tpu.memory_space<vmem>>[vector<16xi32>, vector<16xi32>], vector<16xf32>,
      %mul3A_69 = arith.mulf %gather3A_67, %gather3A_68 : vector<16xf32>
      %add3A_70 = arith.addf %add3A_64, %mul3A_69 : vector<16xf32>
      %broadcast_in_dim3A_71 = arith.constant 6 : i32
      %broadcast_in_dim3A_72 = vector.broadcast %broadcast_in_dim3A_71 : i32 to vector<16xi32>
      %gather3A_73 = tpu.vector_load_idx %arg10[%add3A_34, %broadcast_in_dim3A_72] : memref<256x32xf32, #tpu.memory_space<vmem>>[vector<16xi32>, vector<16xi32>], vector<16xf32>,
      %gather3A_74 = tpu.vector_load_idx %arg11[%add3A_34, %broadcast_in_dim3A_72] : memref<256x32xf32, #tpu.memory_space<vmem>>[vector<16xi32>, vector<16xi32>], vector<16xf32>,
      %mul3A_75 = arith.mulf %gather3A_73, %gather3A_74 : vector<16xf32>
      %add3A_76 = arith.addf %add3A_70, %mul3A_75 : vector<16xf32>
      %broadcast_in_dim3A_77 = arith.constant 7 : i32
      %broadcast_in_dim3A_78 = vector.broadcast %broadcast_in_dim3A_77 : i32 to vector<16xi32>
      %gather3A_79 = tpu.vector_load_idx %arg10[%add3A_34, %broadcast_in_dim3A_78] : memref<256x32xf32, #tpu.memory_space<vmem>>[vector<16xi32>, vector<16xi32>], vector<16xf32>,
      %gather3A_80 = tpu.vector_load_idx %arg11[%add3A_34, %broadcast_in_dim3A_78] : memref<256x32xf32, #tpu.memory_space<vmem>>[vector<16xi32>, vector<16xi32>], vector<16xf32>,
      %mul3A_81 = arith.mulf %gather3A_79, %gather3A_80 : vector<16xf32>
      %add3A_82 = arith.addf %add3A_76, %mul3A_81 : vector<16xf32>
      %broadcast_in_dim3A_83 = arith.constant 8 : i32
      %broadcast_in_dim3A_84 = vector.broadcast %broadcast_in_dim3A_83 : i32 to vector<16xi32>
      %gather3A_85 = tpu.vector_load_idx %arg10[%add3A_34, %broadcast_in_dim3A_84] : memref<256x32xf32, #tpu.memory_space<vmem>>[vector<16xi32>, vector<16xi32>], vector<16xf32>,
      %gather3A_86 = tpu.vector_load_idx %arg11[%add3A_34, %broadcast_in_dim3A_84] : memref<256x32xf32, #tpu.memory_space<vmem>>[vector<16xi32>, vector<16xi32>], vector<16xf32>,
      %mul3A_87 = arith.mulf %gather3A_85, %gather3A_86 : vector<16xf32>
      %add3A_88 = arith.addf %add3A_82, %mul3A_87 : vector<16xf32>
      %broadcast_in_dim3A_89 = arith.constant 9 : i32
      %broadcast_in_dim3A_90 = vector.broadcast %broadcast_in_dim3A_89 : i32 to vector<16xi32>
      %gather3A_91 = tpu.vector_load_idx %arg10[%add3A_34, %broadcast_in_dim3A_90] : memref<256x32xf32, #tpu.memory_space<vmem>>[vector<16xi32>, vector<16xi32>], vector<16xf32>,
      %gather3A_92 = tpu.vector_load_idx %arg11[%add3A_34, %broadcast_in_dim3A_90] : memref<256x32xf32, #tpu.memory_space<vmem>>[vector<16xi32>, vector<16xi32>], vector<16xf32>,
      %mul3A_93 = arith.mulf %gather3A_91, %gather3A_92 : vector<16xf32>
      %add3A_94 = arith.addf %add3A_88, %mul3A_93 : vector<16xf32>
      %broadcast_in_dim3A_95 = arith.constant 10 : i32
      %broadcast_in_dim3A_96 = vector.broadcast %broadcast_in_dim3A_95 : i32 to vector<16xi32>
      %gather3A_97 = tpu.vector_load_idx %arg10[%add3A_34, %broadcast_in_dim3A_96] : memref<256x32xf32, #tpu.memory_space<vmem>>[vector<16xi32>, vector<16xi32>], vector<16xf32>,
      %gather3A_98 = tpu.vector_load_idx %arg11[%add3A_34, %broadcast_in_dim3A_96] : memref<256x32xf32, #tpu.memory_space<vmem>>[vector<16xi32>, vector<16xi32>], vector<16xf32>,
      %mul3A_99 = arith.mulf %gather3A_97, %gather3A_98 : vector<16xf32>
      %add3A_100 = arith.addf %add3A_94, %mul3A_99 : vector<16xf32>
      %broadcast_in_dim3A_101 = arith.constant 11 : i32
      %broadcast_in_dim3A_102 = vector.broadcast %broadcast_in_dim3A_101 : i32 to vector<16xi32>
      %gather3A_103 = tpu.vector_load_idx %arg10[%add3A_34, %broadcast_in_dim3A_102] : memref<256x32xf32, #tpu.memory_space<vmem>>[vector<16xi32>, vector<16xi32>], vector<16xf32>,
      %gather3A_104 = tpu.vector_load_idx %arg11[%add3A_34, %broadcast_in_dim3A_102] : memref<256x32xf32, #tpu.memory_space<vmem>>[vector<16xi32>, vector<16xi32>], vector<16xf32>,
      %mul3A_105 = arith.mulf %gather3A_103, %gather3A_104 : vector<16xf32>
      %add3A_106 = arith.addf %add3A_100, %mul3A_105 : vector<16xf32>
      %broadcast_in_dim3A_107 = arith.constant 12 : i32
      %broadcast_in_dim3A_108 = vector.broadcast %broadcast_in_dim3A_107 : i32 to vector<16xi32>
      %gather3A_109 = tpu.vector_load_idx %arg10[%add3A_34, %broadcast_in_dim3A_108] : memref<256x32xf32, #tpu.memory_space<vmem>>[vector<16xi32>, vector<16xi32>], vector<16xf32>,
      %gather3A_110 = tpu.vector_load_idx %arg11[%add3A_34, %broadcast_in_dim3A_108] : memref<256x32xf32, #tpu.memory_space<vmem>>[vector<16xi32>, vector<16xi32>], vector<16xf32>,
      %mul3A_111 = arith.mulf %gather3A_109, %gather3A_110 : vector<16xf32>
      %add3A_112 = arith.addf %add3A_106, %mul3A_111 : vector<16xf32>
      %broadcast_in_dim3A_113 = arith.constant 13 : i32
      %broadcast_in_dim3A_114 = vector.broadcast %broadcast_in_dim3A_113 : i32 to vector<16xi32>
      %gather3A_115 = tpu.vector_load_idx %arg10[%add3A_34, %broadcast_in_dim3A_114] : memref<256x32xf32, #tpu.memory_space<vmem>>[vector<16xi32>, vector<16xi32>], vector<16xf32>,
      %gather3A_116 = tpu.vector_load_idx %arg11[%add3A_34, %broadcast_in_dim3A_114] : memref<256x32xf32, #tpu.memory_space<vmem>>[vector<16xi32>, vector<16xi32>], vector<16xf32>,
      %mul3A_117 = arith.mulf %gather3A_115, %gather3A_116 : vector<16xf32>
      %add3A_118 = arith.addf %add3A_112, %mul3A_117 : vector<16xf32>
      %broadcast_in_dim3A_119 = arith.constant 14 : i32
      %broadcast_in_dim3A_120 = vector.broadcast %broadcast_in_dim3A_119 : i32 to vector<16xi32>
      %gather3A_121 = tpu.vector_load_idx %arg10[%add3A_34, %broadcast_in_dim3A_120] : memref<256x32xf32, #tpu.memory_space<vmem>>[vector<16xi32>, vector<16xi32>], vector<16xf32>,
      %gather3A_122 = tpu.vector_load_idx %arg11[%add3A_34, %broadcast_in_dim3A_120] : memref<256x32xf32, #tpu.memory_space<vmem>>[vector<16xi32>, vector<16xi32>], vector<16xf32>,
      %mul3A_123 = arith.mulf %gather3A_121, %gather3A_122 : vector<16xf32>
      %add3A_124 = arith.addf %add3A_118, %mul3A_123 : vector<16xf32>
      %broadcast_in_dim3A_125 = arith.constant 15 : i32
      %broadcast_in_dim3A_126 = vector.broadcast %broadcast_in_dim3A_125 : i32 to vector<16xi32>
      %gather3A_127 = tpu.vector_load_idx %arg10[%add3A_34, %broadcast_in_dim3A_126] : memref<256x32xf32, #tpu.memory_space<vmem>>[vector<16xi32>, vector<16xi32>], vector<16xf32>,
      %gather3A_128 = tpu.vector_load_idx %arg11[%add3A_34, %broadcast_in_dim3A_126] : memref<256x32xf32, #tpu.memory_space<vmem>>[vector<16xi32>, vector<16xi32>], vector<16xf32>,
      %mul3A_129 = arith.mulf %gather3A_127, %gather3A_128 : vector<16xf32>
      %add3A_130 = arith.addf %add3A_124, %mul3A_129 : vector<16xf32>
      %broadcast_in_dim3A_131 = arith.constant 16 : i32
      %broadcast_in_dim3A_132 = vector.broadcast %broadcast_in_dim3A_131 : i32 to vector<16xi32>
      %gather3A_133 = tpu.vector_load_idx %arg10[%add3A_34, %broadcast_in_dim3A_132] : memref<256x32xf32, #tpu.memory_space<vmem>>[vector<16xi32>, vector<16xi32>], vector<16xf32>,
      %gather3A_134 = tpu.vector_load_idx %arg11[%add3A_34, %broadcast_in_dim3A_132] : memref<256x32xf32, #tpu.memory_space<vmem>>[vector<16xi32>, vector<16xi32>], vector<16xf32>,
      %mul3A_135 = arith.mulf %gather3A_133, %gather3A_134 : vector<16xf32>
      %add3A_136 = arith.addf %add3A_130, %mul3A_135 : vector<16xf32>
      %broadcast_in_dim3A_137 = arith.constant 17 : i32
      %broadcast_in_dim3A_138 = vector.broadcast %broadcast_in_dim3A_137 : i32 to vector<16xi32>
      %gather3A_139 = tpu.vector_load_idx %arg10[%add3A_34, %broadcast_in_dim3A_138] : memref<256x32xf32, #tpu.memory_space<vmem>>[vector<16xi32>, vector<16xi32>], vector<16xf32>,
      %gather3A_140 = tpu.vector_load_idx %arg11[%add3A_34, %broadcast_in_dim3A_138] : memref<256x32xf32, #tpu.memory_space<vmem>>[vector<16xi32>, vector<16xi32>], vector<16xf32>,
      %mul3A_141 = arith.mulf %gather3A_139, %gather3A_140 : vector<16xf32>
      %add3A_142 = arith.addf %add3A_136, %mul3A_141 : vector<16xf32>
      %broadcast_in_dim3A_143 = arith.constant 18 : i32
      %broadcast_in_dim3A_144 = vector.broadcast %broadcast_in_dim3A_143 : i32 to vector<16xi32>
      %gather3A_145 = tpu.vector_load_idx %arg10[%add3A_34, %broadcast_in_dim3A_144] : memref<256x32xf32, #tpu.memory_space<vmem>>[vector<16xi32>, vector<16xi32>], vector<16xf32>,
      %gather3A_146 = tpu.vector_load_idx %arg11[%add3A_34, %broadcast_in_dim3A_144] : memref<256x32xf32, #tpu.memory_space<vmem>>[vector<16xi32>, vector<16xi32>], vector<16xf32>,
      %mul3A_147 = arith.mulf %gather3A_145, %gather3A_146 : vector<16xf32>
      %add3A_148 = arith.addf %add3A_142, %mul3A_147 : vector<16xf32>
      %broadcast_in_dim3A_149 = arith.constant 19 : i32
      %broadcast_in_dim3A_150 = vector.broadcast %broadcast_in_dim3A_149 : i32 to vector<16xi32>
      %gather3A_151 = tpu.vector_load_idx %arg10[%add3A_34, %broadcast_in_dim3A_150] : memref<256x32xf32, #tpu.memory_space<vmem>>[vector<16xi32>, vector<16xi32>], vector<16xf32>,
      %gather3A_152 = tpu.vector_load_idx %arg11[%add3A_34, %broadcast_in_dim3A_150] : memref<256x32xf32, #tpu.memory_space<vmem>>[vector<16xi32>, vector<16xi32>], vector<16xf32>,
      %mul3A_153 = arith.mulf %gather3A_151, %gather3A_152 : vector<16xf32>
      %add3A_154 = arith.addf %add3A_148, %mul3A_153 : vector<16xf32>
      %broadcast_in_dim3A_155 = arith.constant 20 : i32
      %broadcast_in_dim3A_156 = vector.broadcast %broadcast_in_dim3A_155 : i32 to vector<16xi32>
      %gather3A_157 = tpu.vector_load_idx %arg10[%add3A_34, %broadcast_in_dim3A_156] : memref<256x32xf32, #tpu.memory_space<vmem>>[vector<16xi32>, vector<16xi32>], vector<16xf32>,
      %gather3A_158 = tpu.vector_load_idx %arg11[%add3A_34, %broadcast_in_dim3A_156] : memref<256x32xf32, #tpu.memory_space<vmem>>[vector<16xi32>, vector<16xi32>], vector<16xf32>,
      %mul3A_159 = arith.mulf %gather3A_157, %gather3A_158 : vector<16xf32>
      %add3A_160 = arith.addf %add3A_154, %mul3A_159 : vector<16xf32>
      %broadcast_in_dim3A_161 = arith.constant 21 : i32
      %broadcast_in_dim3A_162 = vector.broadcast %broadcast_in_dim3A_161 : i32 to vector<16xi32>
      %gather3A_163 = tpu.vector_load_idx %arg10[%add3A_34, %broadcast_in_dim3A_162] : memref<256x32xf32, #tpu.memory_space<vmem>>[vector<16xi32>, vector<16xi32>], vector<16xf32>,
      %gather3A_164 = tpu.vector_load_idx %arg11[%add3A_34, %broadcast_in_dim3A_162] : memref<256x32xf32, #tpu.memory_space<vmem>>[vector<16xi32>, vector<16xi32>], vector<16xf32>,
      %mul3A_165 = arith.mulf %gather3A_163, %gather3A_164 : vector<16xf32>
      %add3A_166 = arith.addf %add3A_160, %mul3A_165 : vector<16xf32>
      %broadcast_in_dim3A_167 = arith.constant 22 : i32
      %broadcast_in_dim3A_168 = vector.broadcast %broadcast_in_dim3A_167 : i32 to vector<16xi32>
      %gather3A_169 = tpu.vector_load_idx %arg10[%add3A_34, %broadcast_in_dim3A_168] : memref<256x32xf32, #tpu.memory_space<vmem>>[vector<16xi32>, vector<16xi32>], vector<16xf32>,
      %gather3A_170 = tpu.vector_load_idx %arg11[%add3A_34, %broadcast_in_dim3A_168] : memref<256x32xf32, #tpu.memory_space<vmem>>[vector<16xi32>, vector<16xi32>], vector<16xf32>,
      %mul3A_171 = arith.mulf %gather3A_169, %gather3A_170 : vector<16xf32>
      %add3A_172 = arith.addf %add3A_166, %mul3A_171 : vector<16xf32>
      %broadcast_in_dim3A_173 = arith.constant 23 : i32
      %broadcast_in_dim3A_174 = vector.broadcast %broadcast_in_dim3A_173 : i32 to vector<16xi32>
      %gather3A_175 = tpu.vector_load_idx %arg10[%add3A_34, %broadcast_in_dim3A_174] : memref<256x32xf32, #tpu.memory_space<vmem>>[vector<16xi32>, vector<16xi32>], vector<16xf32>,
      %gather3A_176 = tpu.vector_load_idx %arg11[%add3A_34, %broadcast_in_dim3A_174] : memref<256x32xf32, #tpu.memory_space<vmem>>[vector<16xi32>, vector<16xi32>], vector<16xf32>,
      %mul3A_177 = arith.mulf %gather3A_175, %gather3A_176 : vector<16xf32>
      %add3A_178 = arith.addf %add3A_172, %mul3A_177 : vector<16xf32>
      %broadcast_in_dim3A_179 = arith.constant 24 : i32
      %broadcast_in_dim3A_180 = vector.broadcast %broadcast_in_dim3A_179 : i32 to vector<16xi32>
      %gather3A_181 = tpu.vector_load_idx %arg10[%add3A_34, %broadcast_in_dim3A_180] : memref<256x32xf32, #tpu.memory_space<vmem>>[vector<16xi32>, vector<16xi32>], vector<16xf32>,
      %gather3A_182 = tpu.vector_load_idx %arg11[%add3A_34, %broadcast_in_dim3A_180] : memref<256x32xf32, #tpu.memory_space<vmem>>[vector<16xi32>, vector<16xi32>], vector<16xf32>,
      %mul3A_183 = arith.mulf %gather3A_181, %gather3A_182 : vector<16xf32>
      %add3A_184 = arith.addf %add3A_178, %mul3A_183 : vector<16xf32>
      %broadcast_in_dim3A_185 = arith.constant 25 : i32
      %broadcast_in_dim3A_186 = vector.broadcast %broadcast_in_dim3A_185 : i32 to vector<16xi32>
      %gather3A_187 = tpu.vector_load_idx %arg10[%add3A_34, %broadcast_in_dim3A_186] : memref<256x32xf32, #tpu.memory_space<vmem>>[vector<16xi32>, vector<16xi32>], vector<16xf32>,
      %gather3A_188 = tpu.vector_load_idx %arg11[%add3A_34, %broadcast_in_dim3A_186] : memref<256x32xf32, #tpu.memory_space<vmem>>[vector<16xi32>, vector<16xi32>], vector<16xf32>,
      %mul3A_189 = arith.mulf %gather3A_187, %gather3A_188 : vector<16xf32>
      %add3A_190 = arith.addf %add3A_184, %mul3A_189 : vector<16xf32>
      %broadcast_in_dim3A_191 = arith.constant 26 : i32
      %broadcast_in_dim3A_192 = vector.broadcast %broadcast_in_dim3A_191 : i32 to vector<16xi32>
      %gather3A_193 = tpu.vector_load_idx %arg10[%add3A_34, %broadcast_in_dim3A_192] : memref<256x32xf32, #tpu.memory_space<vmem>>[vector<16xi32>, vector<16xi32>], vector<16xf32>,
      %gather3A_194 = tpu.vector_load_idx %arg11[%add3A_34, %broadcast_in_dim3A_192] : memref<256x32xf32, #tpu.memory_space<vmem>>[vector<16xi32>, vector<16xi32>], vector<16xf32>,
      %mul3A_195 = arith.mulf %gather3A_193, %gather3A_194 : vector<16xf32>
      %add3A_196 = arith.addf %add3A_190, %mul3A_195 : vector<16xf32>
      %broadcast_in_dim3A_197 = arith.constant 27 : i32
      %broadcast_in_dim3A_198 = vector.broadcast %broadcast_in_dim3A_197 : i32 to vector<16xi32>
      %gather3A_199 = tpu.vector_load_idx %arg10[%add3A_34, %broadcast_in_dim3A_198] : memref<256x32xf32, #tpu.memory_space<vmem>>[vector<16xi32>, vector<16xi32>], vector<16xf32>,
      %gather3A_200 = tpu.vector_load_idx %arg11[%add3A_34, %broadcast_in_dim3A_198] : memref<256x32xf32, #tpu.memory_space<vmem>>[vector<16xi32>, vector<16xi32>], vector<16xf32>,
      %mul3A_201 = arith.mulf %gather3A_199, %gather3A_200 : vector<16xf32>
      %add3A_202 = arith.addf %add3A_196, %mul3A_201 : vector<16xf32>
      %broadcast_in_dim3A_203 = arith.constant 28 : i32
      %broadcast_in_dim3A_204 = vector.broadcast %broadcast_in_dim3A_203 : i32 to vector<16xi32>
      %gather3A_205 = tpu.vector_load_idx %arg10[%add3A_34, %broadcast_in_dim3A_204] : memref<256x32xf32, #tpu.memory_space<vmem>>[vector<16xi32>, vector<16xi32>], vector<16xf32>,
      %gather3A_206 = tpu.vector_load_idx %arg11[%add3A_34, %broadcast_in_dim3A_204] : memref<256x32xf32, #tpu.memory_space<vmem>>[vector<16xi32>, vector<16xi32>], vector<16xf32>,
      %mul3A_207 = arith.mulf %gather3A_205, %gather3A_206 : vector<16xf32>
      %add3A_208 = arith.addf %add3A_202, %mul3A_207 : vector<16xf32>
      %broadcast_in_dim3A_209 = arith.constant 29 : i32
      %broadcast_in_dim3A_210 = vector.broadcast %broadcast_in_dim3A_209 : i32 to vector<16xi32>
      %gather3A_211 = tpu.vector_load_idx %arg10[%add3A_34, %broadcast_in_dim3A_210] : memref<256x32xf32, #tpu.memory_space<vmem>>[vector<16xi32>, vector<16xi32>], vector<16xf32>,
      %gather3A_212 = tpu.vector_load_idx %arg11[%add3A_34, %broadcast_in_dim3A_210] : memref<256x32xf32, #tpu.memory_space<vmem>>[vector<16xi32>, vector<16xi32>], vector<16xf32>,
      %mul3A_213 = arith.mulf %gather3A_211, %gather3A_212 : vector<16xf32>
      %add3A_214 = arith.addf %add3A_208, %mul3A_213 : vector<16xf32>
      %broadcast_in_dim3A_215 = arith.constant 30 : i32
      %broadcast_in_dim3A_216 = vector.broadcast %broadcast_in_dim3A_215 : i32 to vector<16xi32>
      %gather3A_217 = tpu.vector_load_idx %arg10[%add3A_34, %broadcast_in_dim3A_216] : memref<256x32xf32, #tpu.memory_space<vmem>>[vector<16xi32>, vector<16xi32>], vector<16xf32>,
      %gather3A_218 = tpu.vector_load_idx %arg11[%add3A_34, %broadcast_in_dim3A_216] : memref<256x32xf32, #tpu.memory_space<vmem>>[vector<16xi32>, vector<16xi32>], vector<16xf32>,
      %mul3A_219 = arith.mulf %gather3A_217, %gather3A_218 : vector<16xf32>
      %add3A_220 = arith.addf %add3A_214, %mul3A_219 : vector<16xf32>
      %broadcast_in_dim3A_221 = arith.constant 31 : i32
      %broadcast_in_dim3A_222 = vector.broadcast %broadcast_in_dim3A_221 : i32 to vector<16xi32>
      %gather3A_223 = tpu.vector_load_idx %arg10[%add3A_34, %broadcast_in_dim3A_222] : memref<256x32xf32, #tpu.memory_space<vmem>>[vector<16xi32>, vector<16xi32>], vector<16xf32>,
      %gather3A_224 = tpu.vector_load_idx %arg11[%add3A_34, %broadcast_in_dim3A_222] : memref<256x32xf32, #tpu.memory_space<vmem>>[vector<16xi32>, vector<16xi32>], vector<16xf32>,
      %mul3A_225 = arith.mulf %gather3A_223, %gather3A_224 : vector<16xf32>
      %add3A_226 = arith.addf %add3A_220, %mul3A_225 : vector<16xf32>
      %mul3A_227 = arith.constant 16 : i32
      %mul3A_228 = arith.muli %add3A_30, %mul3A_227 : i32
      %add3A_229 = arith.constant 256 : i32
      %add3A_230 = arith.addi %add3A_229, %mul3A_228 : i32
      %swap3A = arith.index_cast %add3A_230 : i32 to index
      %swap3A_231 = tpu.vector_load %arg12[%swap3A] {strides = array<i32>} : memref<512xf32, #tpu.memory_space<vmem>>, vector<16xf32>,
      tpu.vector_store %arg12[%swap3A], %add3A_226 {strides = array<i32>} : memref<512xf32, #tpu.memory_space<vmem>>, vector<16xf32>,
    }
    %scan3A_23 = arith.constant 16 : i32
    %mul3A_24 = arith.constant 512 : i32
    %mul3A_25 = arith.muli %add3A, %mul3A_24 : i32
    "tpu.region"() ({
      %run_scoped3A = tpu.sem_alloc : memref<!tpu.dma_semaphore, #tpu.memory_space<semaphore_mem>>
      %dma_start3A = tpu.memref_slice %arg7[%mul3A_25] : memref<16384xf32, #tpu.memory_space<hbm>> -> memref<512xf32, #tpu.memory_space<hbm>>
      %dma_start3A_26 = tpu.memref_slice %arg7[%mul3A_25] : memref<16384xf32, #tpu.memory_space<hbm>> -> memref<512xf32, #tpu.memory_space<hbm>>
      tpu.enqueue_dma source(%arg12 : memref<512xf32, #tpu.memory_space<vmem>>) target(%dma_start3A_26 : memref<512xf32, #tpu.memory_space<hbm>>) target_semaphore(%run_scoped3A : memref<!tpu.dma_semaphore, #tpu.memory_space<semaphore_mem>>)
      %dma_wait3A = tpu.memref_slice %arg7[%mul3A_25] : memref<16384xf32, #tpu.memory_space<hbm>> -> memref<512xf32, #tpu.memory_space<hbm>>
      %dma_wait3A_27 = tpu.memref_slice %arg7[%mul3A_25] : memref<16384xf32, #tpu.memory_space<hbm>> -> memref<512xf32, #tpu.memory_space<hbm>>
      tpu.wait_dma2 semaphore(%run_scoped3A : memref<!tpu.dma_semaphore, #tpu.memory_space<semaphore_mem>>) src(%arg12 : memref<512xf32, #tpu.memory_space<vmem>>) dst(%dma_wait3A_27 : memref<512xf32, #tpu.memory_space<hbm>>)
      tpu.yield
    }) : () -> ()
    return
  }
}

</mosaic_0001>

<sc_bundles>
// kernel: kernel.3.cloned.1.call-start
scs
__scs_entry_jumppad:
0x0: {  	(pc) =	sbr.rel $0x88, $3  }
0x1: {  	(tag) =	ssettag $0x0;
	lr =	simm.s32 $0x1  }
0x2: {  	[smem:$0x3F9D] =	sst lr;
	_ =	strace $0xD0000000  }
0x3: {  	_ = 	snop  }
0x4: {  	_ = 	snop  }
0x5: {  	_ = 	snop  }
0x6: {  	_ = 	snop  }
0x7: {  	_ = 	snop  }
__scs_overlays_trampoline_lowered:
0x8: {  	[smem:$0x3FAC] =	sst s0  }
0x9: {  	[smem:$0x3FAD] =	sst s1  }
0xa: {  	[smem:$0x3FAE] =	sst s2  }
0xb: {  	[smem:$0x3FAF] =	sst s3  }
0xc: {  	[smem:$0x3FB0] =	sst s4  }
0xd: {  	[smem:$0x3FB1] =	sst s5  }
0xe: {  	[smem:$0x3FB2] =	sst s6  }
0xf: {  	[smem:$0x3FB3] =	sst s7  }
0x10: {  	[smem:$0x3FB4] =	sst s8  }
0x11: {  	[smem:$0x3FB5] =	sst s9;
	s0 =	simm.s32 @!p0 $0x0  }
0x12: {  	s1 =	sld [smem:$0x3F9B];
	s0 =	simm.s32 @p0 $0x1  }
0x13: {  	[smem:$0x3FB6] =	sst s0;
	s0 =	simm.s32 @!p1 $0x0  }
0x14: {  	s2 =	sld [smem:$0x3F9A];
	s0 =	simm.s32 @p1 $0x1  }
0x15: {  	[smem:$0x3FB7] =	sst s0;
	s0 =	simm.s32 @!p2 $0x0  }
0x16: {  	s3 =	sld [smem:$0x3FDB];
	s0 =	simm.s32 @p2 $0x1  }
0x17: {  	s4 =	simm.s32 $0x1BF5;
	[smem:$0x3FB9] =	sst s0  }
0x18: {  	s0 =	sld [smem:$0x3F9C];
	_ =	swait.ge [sflag:s4], $0x0  }
0x19: {  	s7 =	sld [smem:$0x3F9D]  }
0x1a: {  	s8 =	sadd.s32 $0xFFFFE003, lr  }
0x1b: {  	s9 =	sadd.s32 $0xFFFFFEF7, lr;
	s5 =	simm.s32 $0xFFFFFFFF;
	p2 =	slt.u32 s8, $0xFFFFF086  }
0x1c: {  	p1 =	slt.u32 s9, $0xF7A;
	s5 =	simm.s32 @!p2 $0x0  }
0x1d: {  	s5 =	simm.s32 @p1 $0x1;
	p0 =	seq.s32 s7, s2  }
0x1e: {  	s7 =	smul.u32 @!p0 $0xF7A, s2;
	p2 =	seq.s32 @!p0 s5, $0x0  }
0x1f: {  	s9 =	smul.u32 $0xF7A, s1;
	s8 =	simm.s32 @!p0 $0x1BF5;
	p2 =	por !p2, p0  }
0x20: {  	[sflag:s8] =	ssyncset.s32 @!p0 $0xFFFFF086;
	s6 =	sadd.s32 @!p0 s3, s7;
	s7 =	simm.s32 @!p0 $0x108  }
0x21: {  	s3 =	sadd.s32 s3, s9;
	s6 =	sadd.s32 @!p0 $0x88, s6;
	s7 =	simm.s32 @p2 $0x1082  }
0x22: {  	[simem:s7], [sflag:s8] =	dma.local @!p0 [hbm:s6], $0xF7A  }
0x23: {  	s9 =	sor.u32 $0xD0000000, s2;
	s6 =	simm.s32 $0x108;
	_ =	swait.ge @!p0 [sflag:s8], $0x0  }
0x24: {  	s3 =	sadd.s32 $0x88, s3;
	s6 =	simm.s32 @!p1 $0x1082;
	[sflag:s4] =	ssyncset.s32 $0xFFFFF086  }
0x25: {  	[simem:s6], [sflag:s4] =	dma.local [hbm:s3], $0xF7A  }
0x26: {  	[smem:$0x3F9D] =	sst s1;
	(tag) =	ssettag s2;
	_ =	strace s9  }
0x27: {  	s1 =	sld [smem:$0x3FAD]  }
0x28: {  	s2 =	sld [smem:$0x3FAE]  }
0x29: {  	s4 =	sld [smem:$0x3FB0]  }
0x2a: {  	p0 =	seq.s32 s5, $0x0;
	s5 =	sld [smem:$0x3FB1]  }
0x2b: {  	s6 =	sld [smem:$0x3FB2]  }
0x2c: {  	s7 =	sld [smem:$0x3FB3]  }
0x2d: {  	s3 =	simm.s32 $0x108;
	s8 =	sld [smem:$0x3FB4]  }
0x2e: {  	s3 =	simm.s32 @!p0 $0x1082;
	s9 =	sld [smem:$0x3FB5]  }
0x2f: {  	lr =	sadd.s32 s0, s3;
	s0 =	sld [smem:$0x3FAC]  }
0x30: {  	s3 =	sld [smem:$0x3FAF]  }
0x31: {  	[smem:$0x3FB8] =	sst s10  }
0x32: {  	s10 =	sld [smem:$0x3FB6];
	_ =	sdelay $0x3  }
0x33: {  	p0 =	seq.s32 s10, $0x1;
	s10 =	sld [smem:$0x3FB8];
	_ =	sdelay $0x3  }
0x34: {  	[smem:$0x3FB8] =	sst s10  }
0x35: {  	s10 =	sld [smem:$0x3FB7];
	_ =	sdelay $0x3  }
0x36: {  	p1 =	seq.s32 s10, $0x1;
	s10 =	sld [smem:$0x3FB8];
	_ =	sdelay $0x3  }
0x37: {  	[smem:$0x3FB8] =	sst s10  }
0x38: {  	s10 =	sld [smem:$0x3FB9]  }
0x39: {  	_ = 	snop;
	(pc) =	sbr.ind lr, $3  }
0x3a: {  	_ = 	snop  }
0x3b: {  	_ = 	snop  }
0x3c: {  	p2 =	seq.s32 s10, $0x1;
	s10 =	sld [smem:$0x3FB8]  }
0x3d: {  	_ =	shalt  }
0x3e: {  	_ =	shalt  }
0x3f: {  	_ =	shalt  }
0x40: {  	_ =	shalt  }
0x41: {  	_ =	shalt  }
0x42: {  	_ =	shalt  }
0x43: {  	_ =	shalt  }
0x44: {  	_ =	shalt  }
0x45: {  	_ =	shalt  }
0x46: {  	_ =	shalt  }
0x47: {  	_ =	shalt  }
0x48: {  	_ =	shalt  }
0x49: {  	_ =	shalt  }
0x4a: {  	_ =	shalt  }
0x4b: {  	_ =	shalt  }
0x4c: {  	_ =	shalt  }
0x4d: {  	_ =	shalt  }
0x4e: {  	_ =	shalt  }
0x4f: {  	_ =	shalt  }
0x50: {  	_ =	shalt  }
0x51: {  	_ =	shalt  }
0x52: {  	_ =	shalt  }
0x53: {  	_ =	shalt  }
0x54: {  	_ =	shalt  }
0x55: {  	_ =	shalt  }
0x56: {  	_ =	shalt  }
0x57: {  	_ =	shalt  }
0x58: {  	_ =	shalt  }
0x59: {  	_ =	shalt  }
0x5a: {  	_ =	shalt  }
0x5b: {  	_ =	shalt  }
0x5c: {  	_ =	shalt  }
0x5d: {  	_ =	shalt  }
0x5e: {  	_ =	shalt  }
0x5f: {  	_ =	shalt  }
0x60: {  	_ =	shalt  }
0x61: {  	_ =	shalt  }
0x62: {  	_ =	shalt  }
0x63: {  	_ =	shalt  }
0x64: {  	_ =	shalt  }
0x65: {  	_ =	shalt  }
0x66: {  	_ =	shalt  }
0x67: {  	_ =	shalt  }
0x68: {  	_ =	shalt  }
0x69: {  	_ =	shalt  }
0x6a: {  	_ =	shalt  }
0x6b: {  	_ =	shalt  }
0x6c: {  	_ =	shalt  }
0x6d: {  	_ =	shalt  }
0x6e: {  	_ =	shalt  }
0x6f: {  	_ =	shalt  }
0x70: {  	_ =	shalt  }
0x71: {  	_ =	shalt  }
0x72: {  	_ =	shalt  }
0x73: {  	_ =	shalt  }
0x74: {  	_ =	shalt  }
0x75: {  	_ =	shalt  }
0x76: {  	_ =	shalt  }
0x77: {  	_ =	shalt  }
0x78: {  	_ =	shalt  }
0x79: {  	_ =	shalt  }
0x7a: {  	_ =	shalt  }
0x7b: {  	_ =	shalt  }
0x7c: {  	_ =	shalt  }
0x7d: {  	_ =	shalt  }
0x7e: {  	_ =	shalt  }
0x7f: {  	_ =	shalt  }
0x80: {  	_ =	shalt  }
0x81: {  	_ =	shalt  }
0x82: {  	_ =	shalt  }
0x83: {  	_ =	shalt  }
0x84: {  	_ =	shalt  }
0x85: {  	_ =	shalt  }
0x86: {  	_ =	shalt  }
0x87: {  	_ =	shalt  }
.Lfunc_end0:
.L_simem_size_0:
called_computation_lowered:
.L_overlay_start_0:
0x88: {  	s2 =	sld [smem:$0x3FD9]  }
0x89: {  	s3 =	sld [smem:$0x3FFE];
	_ =	sdelay $0x1  }
0x8a: {  	s1 =	srdreg.scid  }
0x8b: {  	s0 =	sand.u32 $0x1, s1  }
0x8c: {  	s17 =	sshll.u32 s0, $0xA;
	s2 =	sadd.s32 s3, s2  }
0x8d: {  	s2 =	sadd.s32 s2, s17  }
0x8e: {  	[smem:$0x3FC4] =	sst s2  }
0x8f: {  	_ = 	snop  }
0x90: {  	s2 =	sld [smem:$0x3FC9]  }
0x91: {  	s18 =	sld [smem:$0x3FC8]  }
0x92: {  	s4 =	sld [smem:$0x3FD0];
	(tm) =	ssettm $0x1  }
0x93: {  	s5 =	sld [smem:$0x3FFB];
	_ =	sdelay $0x3  }
0x94: {  	_ =	strace s5  }
0x95: {  	s5 =	sld [smem:$0x3FFC];
	_ =	sdelay $0x3  }
0x96: {  	_ =	strace s5  }
0x97: {  	s5 =	sld [smem:$0x3FFD];
	_ =	sdelay $0x3  }
0x98: {  	_ =	strace s5  }
0x99: {  	_ =	strace $0x8FFFFFFF  }
0x9a: {  	s19 =	sld [smem:$0x3FDB];
	_ =	sdelay $0x1  }
0x9b: {  	s6 =	simm.s32 $_scs_section_size  }
0x9c: {  	s7 =	simm.s32 $_size__tile_overlayer_lowered;
	s8 =	simm.s32 $_tile_overlayer_lowered  }
0x9d: {  	s22 =	simm.s32 $0x1BFF;
	s21 =	sshll.u32 s8, $0x1;
	s5 =	sadd.s32 s6, s19  }
0x9e: {  	s9 =	simm.s32 $0x0;
	s20 =	sshll.u32 s7, $0x1;
	s7 =	sadd.s32 s21, s5  }
0x9f: {  	[timem:s9], [sflag:s22] =	dma.local [hbm:s7], s20  }
0xa0: {  	_ =	swait.ge [sflag:s22], s20  }
0xa1: {  	s6 =	ssub.s32 $0x0, s20;
	[sflag:s22] =	ssyncset.done $0x0  }
0xa2: {  	[sflag:s22] =	ssyncadd.s32 s6;
	_ =	sdelay $0x1  }
0xa3: {  	s23 =	simm.s32 $0x1B8B  }
0xa4: {  	_ =	swait.ge [sflag:s23], $0x1  }
0xa5: {  	[sflag:s23] =	ssyncset.done $0x0  }
0xa6: {  	s25 =	simm.s32 $0x1B8E;
	s24 =	sld [smem:$0x3FFE];
	[sflag:s23] =	ssyncadd.s32 $0xFFFFFFFF  }
0xa7: {  	s26 =	simm.s32 $execute0_lowered;
	[smem:$0x3FD2] =	sst s25  }
0xa8: {  	s7 =	sshll.u32 s26, $0x1;
	_ =	strace $0x80000046;
	[dreg:$0x1] =	wrdreg $0xFFFFFFFF  }
0xa9: {  	s28 =	simm.s32 $_size_execute0_lowered;
	s5 =	sadd.s32 s5, s7;
	[dreg:$0x0] =	wrdreg $0x0  }
0xaa: {  	s7 =	sshll.u32 s28, $0x1;
	[dreg:$0x2] =	wrdreg s5  }
0xab: {  	[dreg:$0x3] =	wrdreg s7  }
0xac: {  	[dreg:$0x4] =	wrdreg $0xC0  }
0xad: {  	_ =	task [dreg:s9], $0x5FFFF  }
0xae: {  	[dreg:$0x1] =	wrdreg $0xFFFFFFFF  }
0xaf: {  	[dreg:$0x0] =	wrdreg $0x60  }
0xb0: {  	[dreg:$0x2] =	wrdreg s2  }
0xb1: {  	[dreg:$0x3] =	wrdreg s18  }
0xb2: {  	[dreg:$0x4] =	wrdreg s24  }
0xb3: {  	[dreg:$0x5] =	wrdreg s4  }
0xb4: {  	[dreg:$0x6] =	wrdreg $0x9  }
0xb5: {  	_ =	task.clear_ibuf [dreg:s9], $0x7FFFF;
	_ =	strace $0x90000046  }
0xb6: {  	s29 =	simm.s32 $0x9;
	_ =	strace $0x80000048  }
0xb7: {  	_ =	swait.ge [sflag:s29], $0x1  }
0xb8: {  	[sflag:s29] =	ssyncadd.s32 $0xFFFFFFFF  }
0xb9: {  	_ =	strace $0x90000048  }
0xba: {  	_ =	sfence  }
0xbb: {  	s30 =	sld [smem:$0x0];
	_ =	sdelay $0x2  }
0xbc: {  	s31 =	sshll.u32 s1, $0xD;
	s1 =	sshrl.u32 s1, $0x2  }
0xbd: {  	s3 =	sand.u32 $0x4000, s31;
	s1 =	sadd.s32 s1, s30  }
0xbe: {  	s0 =	sor.u32 s3, s0;
	s1 =	sshll.u32 s1, $0x11  }
0xbf: {  	s0 =	sor.u32 s1, s0  }
0xc0: {  	s0 =	sadd.s32 $0x8F2B, s0  }
0xc1: {  	[sflag:s0] =	ssyncadd.remote.s32 $0x1  }
0xc2: {  	_ =	sfence.sel $0xFFFF  }
0xc3: {  	[dreg:$0x0] =	wrdreg $0xFFFFFFFF;
	(pc) =	sbr.abs _section_cstart, $3  }
0xc4: {  	[dreg:$0x1] =	wrdreg $0xFFFFFFFF  }
0xc5: {  	_ =	task.clear_ibuf [dreg:s9], $0x2FFFF;
	_ =	strace $0x9FFFFFFF  }
0xc6: {  	(tm) =	ssettm $0x7FFFFFFF  }
0xc7: {  	_ =	shalt  }
tec
execute0_lowered:
.L_overlay_start_1:
0x0: {  	(tag) =	ssettag $0x1  }
0x1: {  	s0 =	rddreg [dreg:$0x0]  }
0x2: {  	s1 =	rddreg [dreg:$0x1]  }
0x3: {  	s4 =	rddreg [dreg:$0x2]  }
0x4: {  	s5 =	rddreg [dreg:$0x3]  }
0x5: {  	s2 =	simm.s32 $0x0;
	s3 =	srdreg.scid;
	s7 =	stileid.u32  }
0x6: {  	[smem:$0x7FF] =	sst s2;
	s3 =	sand.u32 $0x1, s3;
	s7 =	sshll.u32 s7, $0x7  }
0x7: {  	s26 =	sadd.s32 $0x400, s4;
	s28 =	sadd.s32 $0xF42800, s4;
	s8 =	sshll.u32 s3, $0x6  }
0x8: {  	_ =	strace $0x80000047;
	[dreg:$0x5] =	wrdreg s26;
	s7 =	sor.u32 s8, s7  }
0x9: {  	s6 =	ssub.s32 $0x2, s3;
	[dreg:$0x6] =	wrdreg s28;
	s0 =	sadd.s32 s0, s7  }
0xa: {  	s9 =	sshrl.u32 s6, $0x1;
	s29 =	sadd.s32 s1, s7;
	[dreg:$0x1b] =	wrdreg s0  }
0xb: {  	v0 =	vlaneseq.u32;
	s6 =	ssub.s32 s6, s9;
	s30 =	sadd.s32 s5, s7;
	[dreg:$0x1c] =	wrdreg s29  }
0xc: {  	s12 =	simm.s32 $0x8400;
	v0 =	vmul.u32 $0x80, v0;
	[dreg:$0x1d] =	wrdreg s30;
	s31 =	smax.u32 s6, $0x1  }
0xd: {  	s5 =	simm.s32 $0x2;
	s1 =	simm.s32 $0x0;
	[dreg:$0x1e] =	wrdreg s31  }
.LBB2_1:
0xe: {  	[dreg:$0x1f] =	wrdreg s1  }
0xf: {  	s0 =	rddreg [dreg:$0x1b]  }
0x10: {  	[tilespmem:s2], [sflag:$0x2] =	stream.linear.gather [hbm4b:s0+s2], $0x200, $0x38;
	[tilespmem:$0x10600] =	vst v63  }
0x11: {  	_ =	swait.ge [sflag:s5], $0x200  }
0x12: {  	[sflag:s5] =	ssyncset.done $0x0  }
0x13: {  	s16 =	simm.s32 $0x200;
	s17 =	rddreg [dreg:$0x1c];
	[sflag:s5] =	ssyncadd.s32 $0xFFFFFE00  }
0x14: {  	[tilespmem:s16], [sflag:$0x2] =	stream.linear.gather [hbm4b:s17+s2], $0x200, $0x38;
	[tilespmem:$0x10600] =	vst v63  }
0x15: {  	_ =	swait.ge [sflag:s5], $0x200  }
0x16: {  	[sflag:s5] =	ssyncset.done $0x0  }
0x17: {  	[sflag:s5] =	ssyncadd.s32 $0xFFFFFE00  }
0x18: {  	v1 =	vld [tilespmem:s2+$0x0]  }
0x19: {  	v3 =	vld [tilespmem:s16+$0x0];
	_ =	sdelay $0x3  }
0x1a: {  	v2 =	vshll.u32 v1, $0x4  }
0x1b: {  	v1 =	vshll.u32 v3, $0x4;
	(v2sf) =	vpush v2, $0x0  }
0x1c: {  	(v2sf) =	vpush v1, $0x0  }
0x1d: {  	(v2sf) =	vpush v2, $0x1;
	_ =	sdelay $0x2  }
0x1e: {  	(v2sf) =	vpush v1, $0x1;
	_ =	sdelay $0x1  }
0x1f: {  	(v2sf) =	vpush v2, $0x2;
	_ =	sdelay $0x1  }
0x20: {  	(v2sf) =	vpush v1, $0x2;
	_ =	sdelay $0x1  }
0x21: {  	s15 =	simm.s32 $0x0;
	s6 =	simm.s32 $0x8400;
	s1 =	simm.s32 $0x880;
	(v2sf) =	vpush v2, $0x3  }
0x22: {  	s7 =	simm.s32 $0x400;
	s9 =	simm.s32 $0x600;
	s10 =	simm.s32 $0x580  }
0x23: {  	s20 =	simm.s32 $0x480;
	s23 =	simm.s32 $0x8480;
	s25 =	simm.s32 $0x500  }
0x24: {  	s29 =	simm.s32 $0x8500;
	s0 =	simm.s32 $0x8900;
	s3 =	rddreg [dreg:$0x5]  }
0x25: {  	s17 =	simm.s32 $0x8600;
	s4 =	rddreg [dreg:$0x6];
	s8 =	spop (v2sf);
	(v2sf) =	vpush v1, $0x3  }
0x26: {  	s5 =	simm.s32 $0x680;
	s8 =	sand.u32 $0x1FFFFFF0, s8;
	s13 =	spop (v2sf)  }
0x27: {  	s16 =	simm.s32 $0x2000;
	(v2sf) =	vpush v2, $0x4;
	s8 =	sadd.s32 s3, s8;
	s19 =	spop (v2sf)  }
0x28: {  	(v2sf) =	vpush v1, $0x4;
	[tilespmem:s7], [sflag:$0x1] =	stream.linear.gather [hbm4b:s8+s2], $0x80, $0x38;
	[tilespmem:$0x10600] =	vst v63  }
0x29: {  	s18 =	sand.u32 $0x1FFFFFF0, s13;
	s7 =	simm.s32 $0x8580;
	s13 =	sand.u32 $0x1FFFFFF0, s19  }
0x2a: {  	s8 =	sadd.s32 s4, s18;
	s14 =	spop (v2sf);
	(v2sf) =	vpush v2, $0x5;
	s21 =	sadd.s32 s3, s13  }
0x2b: {  	[tilespmem:s6], [sflag:$0x1] =	stream.linear.gather [hbm4b:s8+s2], $0x80, $0x38;
	[tilespmem:$0x10600] =	vst v63  }
0x2c: {  	s22 =	sand.u32 $0x1FFFFFF0, s14;
	s24 =	spop (v2sf);
	s14 =	simm.s32 $0x8A00  }
0x2d: {  	(v2sf) =	vpush v1, $0x5;
	[tilespmem:s20], [sflag:$0x1] =	stream.linear.gather [hbm4b:s21+s2], $0x80, $0x38;
	[tilespmem:$0x10600] =	vst v63  }
0x2e: {  	s13 =	sadd.s32 s4, s22;
	s8 =	sand.u32 $0x1FFFFFF0, s24;
	s26 =	spop (v2sf)  }
0x2f: {  	(v2sf) =	vpush v2, $0x6;
	[tilespmem:s23], [sflag:$0x1] =	stream.linear.gather [hbm4b:s13+s2], $0x80, $0x38;
	[tilespmem:$0x10600] =	vst v63  }
0x30: {  	s8 =	sadd.s32 s3, s8;
	s28 =	spop (v2sf);
	s13 =	sand.u32 $0x1FFFFFF0, s26  }
0x31: {  	(v2sf) =	vpush v1, $0x6;
	[tilespmem:s25], [sflag:$0x1] =	stream.linear.gather [hbm4b:s8+s2], $0x80, $0x38;
	[tilespmem:$0x10600] =	vst v63  }
0x32: {  	s22 =	simm.s32 $0x8680;
	s31 =	sand.u32 $0x1FFFFFF0, s28;
	s30 =	sadd.s32 s4, s13  }
0x33: {  	[tilespmem:s29], [sflag:$0x1] =	stream.linear.gather [hbm4b:s30+s2], $0x80, $0x38;
	[tilespmem:$0x10600] =	vst v63  }
0x34: {  	s24 =	simm.s32 $0x700;
	s13 =	sadd.s32 s3, s31;
	s11 =	spop (v2sf)  }
0x35: {  	(v2sf) =	vpush v2, $0x7;
	[tilespmem:s10], [sflag:$0x1] =	stream.linear.gather [hbm4b:s13+s2], $0x80, $0x38;
	[tilespmem:$0x10600] =	vst v63  }
0x36: {  	s6 =	sand.u32 $0x1FFFFFF0, s11;
	s18 =	spop (v2sf);
	s11 =	simm.s32 $0xA80  }
0x37: {  	(v2sf) =	vpush v1, $0x7;
	s6 =	sadd.s32 s4, s6;
	s10 =	sand.u32 $0x1FFFFFF0, s18;
	s19 =	spop (v2sf)  }
0x38: {  	(v2sf) =	vpush v2, $0x8;
	[tilespmem:s7], [sflag:$0x1] =	stream.linear.gather [hbm4b:s6+s2], $0x80, $0x38;
	[tilespmem:$0x10600] =	vst v63  }
0x39: {  	s20 =	sadd.s32 s3, s10;
	s21 =	sand.u32 $0x1FFFFFF0, s19;
	s23 =	spop (v2sf)  }
0x3a: {  	(v2sf) =	vpush v1, $0x8;
	s10 =	simm.s32 $0x8A80;
	s7 =	sadd.s32 s4, s21;
	s25 =	sand.u32 $0x1FFFFFF0, s23  }
0x3b: {  	(v2sf) =	vpush v2, $0x9;
	[tilespmem:s9], [sflag:$0x1] =	stream.linear.gather [hbm4b:s20+s2], $0x80, $0x38;
	[tilespmem:$0x10600] =	vst v63  }
0x3c: {  	s26 =	spop (v2sf);
	s23 =	simm.s32 $0x8780;
	s8 =	sadd.s32 s3, s25  }
0x3d: {  	(v2sf) =	vpush v1, $0x9;
	[tilespmem:s17], [sflag:$0x1] =	stream.linear.gather [hbm4b:s7+s2], $0x80, $0x38;
	[tilespmem:$0x10600] =	vst v63  }
0x3e: {  	s9 =	sand.u32 $0x1FFFFFF0, s26;
	s28 =	spop (v2sf);
	s20 =	simm.s32 $0x780;
	(v2sf) =	vpush v2, $0xA  }
0x3f: {  	[tilespmem:s5], [sflag:$0x1] =	stream.linear.gather [hbm4b:s8+s2], $0x80, $0x38;
	[tilespmem:$0x10600] =	vst v63  }
0x40: {  	s29 =	sadd.s32 s4, s9;
	s30 =	sand.u32 $0x1FFFFFF0, s28;
	s31 =	spop (v2sf);
	(v2sf) =	vpush v1, $0xA  }
0x41: {  	[tilespmem:s22], [sflag:$0x1] =	stream.linear.gather [hbm4b:s29+s2], $0x80, $0x38;
	[tilespmem:$0x10600] =	vst v63  }
0x42: {  	s25 =	simm.s32 $0x800;
	s13 =	sadd.s32 s3, s30;
	s6 =	sand.u32 $0x1FFFFFF0, s31  }
0x43: {  	[tilespmem:s24], [sflag:$0x1] =	stream.linear.gather [hbm4b:s13+s2], $0x80, $0x38;
	[tilespmem:$0x10600] =	vst v63  }
0x44: {  	s17 =	simm.s32 $0x8700;
	s6 =	sadd.s32 s4, s6;
	s18 =	spop (v2sf)  }
0x45: {  	[tilespmem:s17], [sflag:$0x1] =	stream.linear.gather [hbm4b:s6+s2], $0x80, $0x38;
	[tilespmem:$0x10600] =	vst v63  }
0x46: {  	s9 =	simm.s32 $0x8880;
	(v2sf) =	vpush v2, $0xB;
	s8 =	sand.u32 $0x1FFFFFF0, s18;
	s19 =	spop (v2sf)  }
0x47: {  	s5 =	simm.s32 $0x8980;
	s21 =	sadd.s32 s3, s8;
	s24 =	spop (v2sf)  }
0x48: {  	(v2sf) =	vpush v1, $0xB;
	[tilespmem:s20], [sflag:$0x1] =	stream.linear.gather [hbm4b:s21+s2], $0x80, $0x38;
	[tilespmem:$0x10600] =	vst v63  }
0x49: {  	s29 =	simm.s32 $0x8800;
	s22 =	sand.u32 $0x1FFFFFF0, s19;
	s26 =	spop (v2sf)  }
0x4a: {  	s8 =	sadd.s32 s4, s22;
	s7 =	sand.u32 $0x1FFFFFF0, s24;
	s28 =	spop (v2sf)  }
0x4b: {  	(v2sf) =	vpush v2, $0xC;
	[tilespmem:s23], [sflag:$0x1] =	stream.linear.gather [hbm4b:s8+s2], $0x80, $0x38;
	[tilespmem:$0x10600] =	vst v63  }
0x4c: {  	s17 =	simm.s32 $0x900;
	s7 =	sadd.s32 s3, s7;
	s13 =	spop (v2sf)  }
0x4d: {  	(v2sf) =	vpush v1, $0xC;
	s8 =	sand.u32 $0x1FFFFFF0, s26;
	s31 =	sand.u32 $0x1FFFFFF0, s28;
	s18 =	spop (v2sf)  }
0x4e: {  	[tilespmem:s25], [sflag:$0x1] =	stream.linear.gather [hbm4b:s7+s2], $0x80, $0x38;
	[tilespmem:$0x10600] =	vst v63  }
0x4f: {  	s26 =	simm.s32 $0x980;
	s30 =	sadd.s32 s4, s8;
	s19 =	spop (v2sf)  }
0x50: {  	[tilespmem:s29], [sflag:$0x1] =	stream.linear.gather [hbm4b:s30+s2], $0x80, $0x38;
	[tilespmem:$0x10600] =	vst v63  }
0x51: {  	s8 =	sadd.s32 s3, s31;
	s7 =	sand.u32 $0x1FFFFFF0, s13;
	s21 =	sand.u32 $0x1FFFFFF0, s19  }
0x52: {  	[tilespmem:s1], [sflag:$0x1] =	stream.linear.gather [hbm4b:s8+s2], $0x80, $0x38;
	[tilespmem:$0x10600] =	vst v63  }
0x53: {  	s7 =	sadd.s32 s4, s7;
	s23 =	sadd.s32 s4, s21;
	s8 =	sand.u32 $0x1FFFFFF0, s18  }
0x54: {  	[tilespmem:s9], [sflag:$0x1] =	stream.linear.gather [hbm4b:s7+s2], $0x80, $0x38;
	[tilespmem:$0x10600] =	vst v63  }
0x55: {  	s21 =	simm.s32 $0x210;
	s20 =	sadd.s32 s3, s8;
	s22 =	spop (v2sf)  }
0x56: {  	[tilespmem:s17], [sflag:$0x1] =	stream.linear.gather [hbm4b:s20+s2], $0x80, $0x38;
	[tilespmem:$0x10600] =	vst v63  }
0x57: {  	s20 =	simm.s32 $0x10;
	s24 =	sand.u32 $0x1FFFFFF0, s22;
	s25 =	spop (v2sf)  }
0x58: {  	(v2sf) =	vpush v2, $0xD;
	[tilespmem:s0], [sflag:$0x1] =	stream.linear.gather [hbm4b:s23+s2], $0x80, $0x38;
	[tilespmem:$0x10600] =	vst v63  }
0x59: {  	(v2sf) =	vpush v1, $0xD;
	s22 =	simm.s32 $0x8B00;
	s28 =	sadd.s32 s3, s24;
	s29 =	sand.u32 $0x1FFFFFF0, s25  }
0x5a: {  	s24 =	simm.s32 $0xA00;
	(v2sf) =	vpush v2, $0xE;
	s23 =	simm.s32 $0xB00;
	s31 =	spop (v2sf)  }
0x5b: {  	(v2sf) =	vpush v1, $0xE;
	[tilespmem:s26], [sflag:$0x1] =	stream.linear.gather [hbm4b:s28+s2], $0x80, $0x38;
	[tilespmem:$0x10600] =	vst v63  }
0x5c: {  	s30 =	sadd.s32 s4, s29;
	(v2sf) =	vpush v2, $0xF;
	s0 =	sand.u32 $0x1FFFFFF0, s31;
	s1 =	spop (v2sf)  }
0x5d: {  	(v2sf) =	vpush v1, $0xF;
	[tilespmem:s5], [sflag:$0x1] =	stream.linear.gather [hbm4b:s30+s2], $0x80, $0x38;
	[tilespmem:$0x10600] =	vst v63  }
.LBB2_2:
0x5e: {  	_ =	sdelay $0x3  }
0x5f: {  	s3 =	rddreg [dreg:$0x5]  }
0x60: {  	s1 =	sand.u32 $0x1FFFFFF0, s1;
	s4 =	rddreg [dreg:$0x6];
	s0 =	sadd.s32 s3, s0  }
0x61: {  	[tilespmem:s24], [sflag:$0x1] =	stream.linear.gather [hbm4b:s0+s2], $0x80, $0x38;
	[tilespmem:$0x10600] =	vst v63  }
0x62: {  	s1 =	sadd.s32 s4, s1  }
0x63: {  	[tilespmem:s14], [sflag:$0x1] =	stream.linear.gather [hbm4b:s1+s2], $0x80, $0x38;
	[tilespmem:$0x10600] =	vst v63  }
0x64: {  	s5 =	spop (v2sf)  }
0x65: {  	s5 =	sand.u32 $0x1FFFFFF0, s5;
	s6 =	spop (v2sf)  }
0x66: {  	s7 =	sadd.s32 s3, s5;
	s8 =	sand.u32 $0x1FFFFFF0, s6;
	s9 =	spop (v2sf)  }
0x67: {  	[tilespmem:s11], [sflag:$0x1] =	stream.linear.gather [hbm4b:s7+s2], $0x80, $0x38;
	[tilespmem:$0x10600] =	vst v63  }
0x68: {  	s13 =	sadd.s32 s4, s8;
	s14 =	sand.u32 $0x1FFFFFF0, s9;
	s17 =	spop (v2sf)  }
0x69: {  	[tilespmem:s10], [sflag:$0x1] =	stream.linear.gather [hbm4b:s13+s2], $0x80, $0x38;
	[tilespmem:$0x10600] =	vst v63  }
0x6a: {  	s18 =	sadd.s32 s3, s14;
	s19 =	sand.u32 $0x1FFFFFF0, s17;
	s24 =	spop (v2sf)  }
0x6b: {  	[tilespmem:s23], [sflag:$0x1] =	stream.linear.gather [hbm4b:s18+s2], $0x80, $0x38;
	[tilespmem:$0x10600] =	vst v63  }
0x6c: {  	s25 =	sadd.s32 s4, s19;
	s26 =	sand.u32 $0x1FFFFFF0, s24;
	s28 =	spop (v2sf)  }
0x6d: {  	[tilespmem:s22], [sflag:$0x1] =	stream.linear.gather [hbm4b:s25+s2], $0x80, $0x38;
	[tilespmem:$0x10600] =	vst v63  }
0x6e: {  	s29 =	sadd.s32 $0xB80, s15;
	s1 =	sadd.s32 s3, s26;
	s5 =	sand.u32 $0x1FFFFFF0, s28  }
0x6f: {  	[tilespmem:s29], [sflag:$0x1] =	stream.linear.gather [hbm4b:s1+s2], $0x80, $0x38;
	[tilespmem:$0x10600] =	vst v63  }
0x70: {  	s30 =	sadd.s32 $0x8B80, s15;
	s31 =	sadd.s32 s4, s5  }
0x71: {  	[tilespmem:s30], [sflag:$0x1] =	stream.linear.gather [hbm4b:s31+s2], $0x80, $0x38;
	[tilespmem:$0x10600] =	vst v63  }
0x72: {  	v1 =	vld [tilespmem:s20+$0x0]  }
0x73: {  	v3 =	vld [tilespmem:s21+$0x0];
	_ =	sdelay $0x3  }
0x74: {  	v2 =	vshll.u32 v1, $0x4  }
0x75: {  	p0 =	sne.s32 s16, $0x1E000;
	s2 =	smov.u32 s16;
	v1 =	vshll.u32 v3, $0x4;
	(v2sf) =	vpush v2, $0x0  }
0x76: {  	s11 =	simm.s32 $0x0;
	s16 =	sadd.s32 $0x2000, s16;
	s15 =	sshra.s32 s2, $0x2;
	(v2sf) =	vpush v1, $0x0  }
0x77: {  	s20 =	sadd.s32 $0x10, s20;
	s21 =	sadd.s32 $0x10, s21;
	s29 =	sadd.s32 $0x8400, s15;
	(v2sf) =	vpush v2, $0x1  }
0x78: {  	s0 =	sadd.s32 $0x680, s15;
	s5 =	sadd.s32 $0x880, s15;
	s31 =	sadd.s32 $0x400, s15  }
0x79: {  	s10 =	sadd.s32 $0x600, s15;
	s6 =	sadd.s32 $0x8900, s15;
	s25 =	sadd.s32 $0x580, s15;
	(v2sf) =	vpush v1, $0x1  }
0x7a: {  	s17 =	sadd.s32 $0x8580, s15;
	s28 =	sadd.s32 $0x500, s15;
	s14 =	sadd.s32 $0x8600, s15  }
0x7b: {  	s2 =	sadd.s32 $0xA80, s15;
	s30 =	sadd.s32 $0x8480, s15;
	[dreg:$0x17] =	wrdreg s0;
	(v2sf) =	vpush v2, $0x2  }
0x7c: {  	s26 =	sadd.s32 $0x8500, s15;
	s9 =	sadd.s32 $0x8680, s15;
	[dreg:$0xb] =	wrdreg s5  }
0x7d: {  	s8 =	sadd.s32 $0x700, s15;
	s7 =	sadd.s32 $0x8980, s15;
	[dreg:$0x7] =	wrdreg s6;
	(v2sf) =	vpush v1, $0x2  }
0x7e: {  	s13 =	sadd.s32 $0x8880, s15;
	s18 =	sadd.s32 $0x900, s15;
	[dreg:$0x9] =	wrdreg s7  }
0x7f: {  	s19 =	sadd.s32 $0x8800, s15;
	s24 =	sadd.s32 $0xA00, s15;
	[dreg:$0xf] =	wrdreg s13;
	(v2sf) =	vpush v2, $0x3  }
0x80: {  	s22 =	sadd.s32 $0x8780, s15;
	s23 =	sadd.s32 $0x800, s15;
	[dreg:$0xd] =	wrdreg s18  }
0x81: {  	s5 =	sadd.s32 $0x8A00, s15;
	s6 =	sadd.s32 $0x8A80, s15;
	[dreg:$0x13] =	wrdreg s19;
	(v2sf) =	vpush v1, $0x3  }
0x82: {  	s7 =	sadd.s32 $0x8700, s15;
	s13 =	sadd.s32 $0x780, s15;
	[dreg:$0x19] =	wrdreg s22  }
0x83: {  	s18 =	sadd.s32 $0x480, s15;
	[dreg:$0x15] =	wrdreg s23;
	s23 =	sadd.s32 $0xB00, s15;
	(v2sf) =	vpush v2, $0x4  }
0x84: {  	s22 =	sadd.s32 $0x8B00, s15;
	s19 =	sadd.s32 $0x980, s15;
	s1 =	spop (v2sf)  }
0x85: {  	[dreg:$0x11] =	wrdreg s19;
	s0 =	sand.u32 $0x1FFFFFF0, s1;
	s19 =	spop (v2sf);
	(v2sf) =	vpush v1, $0x4  }
0x86: {  	s0 =	sadd.s32 s3, s0;
	s19 =	sand.u32 $0x1FFFFFF0, s19;
	s1 =	spop (v2sf)  }
0x87: {  	(v2sf) =	vpush v2, $0x5;
	[tilespmem:s31], [sflag:$0x1] =	stream.linear.gather [hbm4b:s0+s11], $0x80, $0x38;
	[tilespmem:$0x10600] =	vst v63  }
0x88: {  	s19 =	sadd.s32 s4, s19;
	s1 =	sand.u32 $0x1FFFFFF0, s1;
	s31 =	spop (v2sf);
	(v2sf) =	vpush v1, $0x5  }
0x89: {  	[tilespmem:s29], [sflag:$0x1] =	stream.linear.gather [hbm4b:s19+s11], $0x80, $0x38;
	[tilespmem:$0x10600] =	vst v63  }
0x8a: {  	s1 =	sadd.s32 s3, s1;
	s29 =	sand.u32 $0x1FFFFFF0, s31;
	s31 =	spop (v2sf)  }
0x8b: {  	[tilespmem:s18], [sflag:$0x1] =	stream.linear.gather [hbm4b:s1+s11], $0x80, $0x38;
	[tilespmem:$0x10600] =	vst v63  }
0x8c: {  	(v2sf) =	vpush v2, $0x6;
	s19 =	spop (v2sf);
	s1 =	sadd.s32 s4, s29;
	s18 =	sand.u32 $0x1FFFFFF0, s31  }
0x8d: {  	[tilespmem:s30], [sflag:$0x1] =	stream.linear.gather [hbm4b:s1+s11], $0x80, $0x38;
	[tilespmem:$0x10600] =	vst v63  }
0x8e: {  	(v2sf) =	vpush v1, $0x6;
	s31 =	spop (v2sf);
	s29 =	sadd.s32 s3, s18;
	s30 =	sand.u32 $0x1FFFFFF0, s19  }
0x8f: {  	[tilespmem:s28], [sflag:$0x1] =	stream.linear.gather [hbm4b:s29+s11], $0x80, $0x38;
	[tilespmem:$0x10600] =	vst v63  }
0x90: {  	(v2sf) =	vpush v2, $0x7;
	s19 =	sand.u32 $0x1FFFFFF0, s31;
	s1 =	sadd.s32 s4, s30;
	s28 =	spop (v2sf)  }
0x91: {  	[tilespmem:s26], [sflag:$0x1] =	stream.linear.gather [hbm4b:s1+s11], $0x80, $0x38;
	[tilespmem:$0x10600] =	vst v63  }
0x92: {  	(v2sf) =	vpush v1, $0x7;
	s29 =	sadd.s32 s3, s19;
	s30 =	sand.u32 $0x1FFFFFF0, s28;
	s31 =	spop (v2sf)  }
0x93: {  	[tilespmem:s25], [sflag:$0x1] =	stream.linear.gather [hbm4b:s29+s11], $0x80, $0x38;
	[tilespmem:$0x10600] =	vst v63  }
0x94: {  	(v2sf) =	vpush v2, $0x8;
	s1 =	sadd.s32 s4, s30;
	s18 =	sand.u32 $0x1FFFFFF0, s31;
	s19 =	spop (v2sf)  }
0x95: {  	[tilespmem:s17], [sflag:$0x1] =	stream.linear.gather [hbm4b:s1+s11], $0x80, $0x38;
	[tilespmem:$0x10600] =	vst v63  }
0x96: {  	s25 =	sadd.s32 s3, s18;
	s26 =	sand.u32 $0x1FFFFFF0, s19;
	s28 =	spop (v2sf)  }
0x97: {  	s19 =	rddreg [dreg:$0x17];
	s29 =	sadd.s32 s4, s26;
	s31 =	spop (v2sf)  }
0x98: {  	(v2sf) =	vpush v1, $0x8;
	[tilespmem:s10], [sflag:$0x1] =	stream.linear.gather [hbm4b:s25+s11], $0x80, $0x38;
	[tilespmem:$0x10600] =	vst v63  }
0x99: {  	(v2sf) =	vpush v2, $0x9;
	s30 =	sand.u32 $0x1FFFFFF0, s28;
	s17 =	sand.u32 $0x1FFFFFF0, s31;
	s10 =	smov.u32 s6  }
0x9a: {  	[tilespmem:s14], [sflag:$0x1] =	stream.linear.gather [hbm4b:s29+s11], $0x80, $0x38;
	[tilespmem:$0x10600] =	vst v63  }
0x9b: {  	(v2sf) =	vpush v1, $0x9;
	s18 =	spop (v2sf);
	s25 =	sadd.s32 s4, s17;
	s11 =	smov.u32 s2  }
0x9c: {  	s14 =	smov.u32 s5;
	s2 =	simm.s32 $0x0;
	s26 =	sand.u32 $0x1FFFFFF0, s18  }
0x9d: {  	s5 =	sadd.s32 s3, s30;
	s28 =	spop (v2sf);
	s29 =	sadd.s32 s3, s26  }
0x9e: {  	[tilespmem:s19], [sflag:$0x1] =	stream.linear.gather [hbm4b:s5+s2], $0x80, $0x38;
	[tilespmem:$0x10600] =	vst v63  }
0x9f: {  	(v2sf) =	vpush v2, $0xA;
	s30 =	sand.u32 $0x1FFFFFF0, s28;
	s31 =	spop (v2sf);
	s28 =	rddreg [dreg:$0x19]  }
0xa0: {  	[tilespmem:s9], [sflag:$0x1] =	stream.linear.gather [hbm4b:s25+s2], $0x80, $0x38;
	[tilespmem:$0x10600] =	vst v63  }
0xa1: {  	(v2sf) =	vpush v1, $0xA;
	s1 =	sadd.s32 s4, s30;
	s5 =	sand.u32 $0x1FFFFFF0, s31;
	s6 =	spop (v2sf)  }
0xa2: {  	[tilespmem:s8], [sflag:$0x1] =	stream.linear.gather [hbm4b:s29+s2], $0x80, $0x38;
	[tilespmem:$0x10600] =	vst v63  }
0xa3: {  	(v2sf) =	vpush v2, $0xB;
	s9 =	sadd.s32 s3, s5;
	s17 =	sand.u32 $0x1FFFFFF0, s6;
	s18 =	spop (v2sf)  }
0xa4: {  	[tilespmem:s7], [sflag:$0x1] =	stream.linear.gather [hbm4b:s1+s2], $0x80, $0x38;
	[tilespmem:$0x10600] =	vst v63  }
0xa5: {  	s19 =	sadd.s32 s4, s17;
	s25 =	sand.u32 $0x1FFFFFF0, s18;
	s17 =	rddreg [dreg:$0x13]  }
0xa6: {  	[tilespmem:s13], [sflag:$0x1] =	stream.linear.gather [hbm4b:s9+s2], $0x80, $0x38;
	[tilespmem:$0x10600] =	vst v63  }
0xa7: {  	(v2sf) =	vpush v1, $0xB;
	s29 =	sadd.s32 s3, s25;
	s7 =	rddreg [dreg:$0x15];
	s26 =	spop (v2sf)  }
0xa8: {  	(v2sf) =	vpush v2, $0xC;
	s30 =	sand.u32 $0x1FFFFFF0, s26;
	s31 =	spop (v2sf);
	s26 =	rddreg [dreg:$0xb]  }
0xa9: {  	[tilespmem:s28], [sflag:$0x1] =	stream.linear.gather [hbm4b:s19+s2], $0x80, $0x38;
	[tilespmem:$0x10600] =	vst v63  }
0xaa: {  	(v2sf) =	vpush v1, $0xC;
	s8 =	sadd.s32 s4, s30;
	s9 =	sand.u32 $0x1FFFFFF0, s31;
	s13 =	spop (v2sf)  }
0xab: {  	[tilespmem:s7], [sflag:$0x1] =	stream.linear.gather [hbm4b:s29+s2], $0x80, $0x38;
	[tilespmem:$0x10600] =	vst v63  }
0xac: {  	s31 =	rddreg [dreg:$0xf];
	s18 =	sadd.s32 s3, s9;
	s19 =	sand.u32 $0x1FFFFFF0, s13  }
0xad: {  	[tilespmem:s17], [sflag:$0x1] =	stream.linear.gather [hbm4b:s8+s2], $0x80, $0x38;
	[tilespmem:$0x10600] =	vst v63  }
0xae: {  	s9 =	rddreg [dreg:$0xd];
	s25 =	spop (v2sf);
	s28 =	sadd.s32 s4, s19  }
0xaf: {  	[tilespmem:s26], [sflag:$0x1] =	stream.linear.gather [hbm4b:s18+s2], $0x80, $0x38;
	[tilespmem:$0x10600] =	vst v63  }
0xb0: {  	s19 =	rddreg [dreg:$0x7];
	s29 =	sand.u32 $0x1FFFFFF0, s25;
	s30 =	spop (v2sf)  }
0xb1: {  	[tilespmem:s31], [sflag:$0x1] =	stream.linear.gather [hbm4b:s28+s2], $0x80, $0x38;
	[tilespmem:$0x10600] =	vst v63  }
0xb2: {  	s6 =	sadd.s32 s3, s29;
	s7 =	sand.u32 $0x1FFFFFF0, s30;
	s8 =	spop (v2sf)  }
0xb3: {  	[tilespmem:s9], [sflag:$0x1] =	stream.linear.gather [hbm4b:s6+s2], $0x80, $0x38;
	[tilespmem:$0x10600] =	vst v63  }
0xb4: {  	s29 =	rddreg [dreg:$0x11];
	s13 =	sadd.s32 s4, s7;
	s17 =	sand.u32 $0x1FFFFFF0, s8  }
0xb5: {  	(v2sf) =	vpush v2, $0xD;
	[tilespmem:s19], [sflag:$0x1] =	stream.linear.gather [hbm4b:s13+s2], $0x80, $0x38;
	[tilespmem:$0x10600] =	vst v63  }
.Ltmp0:
0xb6: {  	(v2sf) =	vpush v1, $0xD;
	s25 =	sadd.s32 s3, s17;
	s18 =	spop (v2sf);
	(pc) =	sbr.rel @p0 .LBB2_2-.Ltmp0, $4  }
0xb7: {  	(v2sf) =	vpush v2, $0xE;
	s31 =	rddreg [dreg:$0x9];
	s26 =	sand.u32 $0x1FFFFFF0, s18;
	s28 =	spop (v2sf)  }
0xb8: {  	(v2sf) =	vpush v1, $0xE;
	[tilespmem:s29], [sflag:$0x1] =	stream.linear.gather [hbm4b:s25+s2], $0x80, $0x38;
	[tilespmem:$0x10600] =	vst v63  }
0xb9: {  	(v2sf) =	vpush v2, $0xF;
	s30 =	sadd.s32 s4, s26;
	s0 =	sand.u32 $0x1FFFFFF0, s28;
	s1 =	spop (v2sf)  }
0xba: {  	(v2sf) =	vpush v1, $0xF;
	[tilespmem:s31], [sflag:$0x1] =	stream.linear.gather [hbm4b:s30+s2], $0x80, $0x38;
	[tilespmem:$0x10600] =	vst v63  }
0xbb: {  	_ =	sdelay $0x3  }
0xbc: {  	s3 =	rddreg [dreg:$0x5]  }
0xbd: {  	s1 =	sand.u32 $0x1FFFFFF0, s1;
	s4 =	rddreg [dreg:$0x6];
	s0 =	sadd.s32 s3, s0  }
0xbe: {  	[tilespmem:s24], [sflag:$0x1] =	stream.linear.gather [hbm4b:s0+s2], $0x80, $0x38;
	[tilespmem:$0x10600] =	vst v63  }
0xbf: {  	s1 =	sadd.s32 s4, s1  }
0xc0: {  	[tilespmem:s14], [sflag:$0x1] =	stream.linear.gather [hbm4b:s1+s2], $0x80, $0x38;
	[tilespmem:$0x10600] =	vst v63  }
0xc1: {  	s5 =	spop (v2sf)  }
0xc2: {  	s25 =	sadd.s32 $0x8B80, s15;
	s5 =	sand.u32 $0x1FFFFFF0, s5;
	s6 =	spop (v2sf)  }
0xc3: {  	s7 =	sadd.s32 s3, s5;
	s8 =	sand.u32 $0x1FFFFFF0, s6;
	s9 =	spop (v2sf)  }
0xc4: {  	[tilespmem:s11], [sflag:$0x1] =	stream.linear.gather [hbm4b:s7+s2], $0x80, $0x38;
	[tilespmem:$0x10600] =	vst v63  }
0xc5: {  	s13 =	sadd.s32 s4, s8;
	s14 =	sand.u32 $0x1FFFFFF0, s9;
	s16 =	spop (v2sf)  }
0xc6: {  	[tilespmem:s10], [sflag:$0x1] =	stream.linear.gather [hbm4b:s13+s2], $0x80, $0x38;
	[tilespmem:$0x10600] =	vst v63  }
0xc7: {  	s17 =	sadd.s32 s3, s14;
	s18 =	sand.u32 $0x1FFFFFF0, s16;
	s19 =	spop (v2sf)  }
0xc8: {  	[tilespmem:s23], [sflag:$0x1] =	stream.linear.gather [hbm4b:s17+s2], $0x80, $0x38;
	[tilespmem:$0x10600] =	vst v63  }
0xc9: {  	s20 =	sadd.s32 s4, s18;
	s21 =	sand.u32 $0x1FFFFFF0, s19;
	s23 =	spop (v2sf)  }
0xca: {  	[tilespmem:s22], [sflag:$0x1] =	stream.linear.gather [hbm4b:s20+s2], $0x80, $0x38;
	[tilespmem:$0x10600] =	vst v63  }
0xcb: {  	s24 =	sadd.s32 $0xB80, s15;
	s1 =	sadd.s32 s3, s21;
	s5 =	sand.u32 $0x1FFFFFF0, s23  }
0xcc: {  	[tilespmem:s24], [sflag:$0x1] =	stream.linear.gather [hbm4b:s1+s2], $0x80, $0x38;
	[tilespmem:$0x10600] =	vst v63  }
0xcd: {  	s28 =	simm.s32 $0x0;
	s29 =	simm.s32 $0x1;
	s26 =	sadd.s32 s4, s5  }
0xce: {  	v1 =	vmov s28;
	[tilespmem:s25], [sflag:$0x1] =	stream.linear.gather [hbm4b:s26+s2], $0x80, $0x38;
	[tilespmem:$0x10600] =	vst v63  }
0xcf: {  	v1 =	vshll.u32 v1, $0x7;
	_ =	swait.ge [sflag:s29], $0x8000  }
0xd0: {  	v1 =	vor.u32 v0, v1;
	[sflag:s29] =	ssyncset.done $0x0  }
0xd1: {  	[sflag:s29] =	ssyncadd.s32 $0xFFFF8000  }
0xd2: {  	v2 =	vor.u32 $0x1, v1;
	_ =	swait.ge [sflag:s29], $0x8000  }
0xd3: {  	[sflag:s29] =	ssyncset.done $0x0  }
0xd4: {  	v3 =	vor.u32 $0x2, v1;
	[sflag:s29] =	ssyncadd.s32 $0xFFFF8000  }
0xd5: {  	s11 =	simm.s32 $0x400;
	v4 =	vld.idx.msk [tilespmem:v1+s12+$0x0], $0xffff  }
0xd6: {  	v6 =	vor.u32 $0x3, v1;
	v5 =	vld.idx.msk [tilespmem:v1+s11+$0x0], $0xffff  }
0xd7: {  	v7 =	vld.idx.msk [tilespmem:v2+s11+$0x0], $0xffff  }
0xd8: {  	v8 =	vor.u32 $0x4, v1;
	v2 =	vld.idx.msk [tilespmem:v2+s12+$0x0], $0xffff  }
0xd9: {  	v9 =	vld.idx.msk [tilespmem:v3+s11+$0x0], $0xffff  }
0xda: {  	v10 =	vor.u32 $0x5, v1;
	v3 =	vld.idx.msk [tilespmem:v3+s12+$0x0], $0xffff  }
0xdb: {  	v11 =	vld.idx.msk [tilespmem:v6+s11+$0x0], $0xffff;
	v4 =	vmul.f32 v4, v5  }
0xdc: {  	v5 =	vld.idx.msk [tilespmem:v6+s12+$0x0], $0xffff;
	v6 =	vor.u32 $0x6, v1  }
0xdd: {  	v12 =	vld.idx.msk [tilespmem:v8+s11+$0x0], $0xffff;
	v2 =	vmul.f32 v2, v7;
	v4 =	vadd.f32 $0.0e+00, v4  }
0xde: {  	v25 =	vor.u32 $0x7, v1;
	v7 =	vld.idx.msk [tilespmem:v8+s12+$0x0], $0xffff  }
0xdf: {  	v13 =	vld.idx.msk [tilespmem:v10+s11+$0x0], $0xffff;
	v3 =	vmul.f32 v3, v9;
	v2 =	vadd.f32 v2, v4  }
0xe0: {  	v26 =	vor.u32 $0x8, v1;
	v4 =	vld.idx.msk [tilespmem:v10+s12+$0x0], $0xffff  }
0xe1: {  	v27 =	vld.idx.msk [tilespmem:v6+s11+$0x0], $0xffff;
	v2 =	vadd.f32 v3, v2;
	v3 =	vmul.f32 v5, v11  }
0xe2: {  	v5 =	vld.idx.msk [tilespmem:v6+s12+$0x0], $0xffff;
	v6 =	vor.u32 $0x9, v1  }
0xe3: {  	v28 =	vld.idx.msk [tilespmem:v25+s11+$0x0], $0xffff;
	v2 =	vadd.f32 v3, v2;
	v3 =	vmul.f32 v7, v12  }
0xe4: {  	v29 =	vor.u32 $0xA, v1;
	v7 =	vld.idx.msk [tilespmem:v25+s12+$0x0], $0xffff  }
0xe5: {  	v30 =	vld.idx.msk [tilespmem:v26+s11+$0x0], $0xffff;
	v2 =	vadd.f32 v3, v2;
	v3 =	vmul.f32 v4, v13  }
0xe6: {  	v31 =	vor.u32 $0xB, v1;
	v4 =	vld.idx.msk [tilespmem:v26+s12+$0x0], $0xffff  }
0xe7: {  	v32 =	vld.idx.msk [tilespmem:v6+s11+$0x0], $0xffff;
	v2 =	vadd.f32 v3, v2;
	v3 =	vmul.f32 v5, v27  }
0xe8: {  	v5 =	vld.idx.msk [tilespmem:v6+s12+$0x0], $0xffff;
	v6 =	vor.u32 $0xC, v1  }
0xe9: {  	v33 =	vld.idx.msk [tilespmem:v29+s11+$0x0], $0xffff;
	v2 =	vadd.f32 v3, v2;
	v3 =	vmul.f32 v7, v28  }
0xea: {  	v34 =	vor.u32 $0xD, v1;
	v7 =	vld.idx.msk [tilespmem:v29+s12+$0x0], $0xffff  }
0xeb: {  	v35 =	vld.idx.msk [tilespmem:v31+s11+$0x0], $0xffff;
	v2 =	vadd.f32 v3, v2;
	v3 =	vmul.f32 v4, v30  }
0xec: {  	v36 =	vor.u32 $0xE, v1;
	v4 =	vld.idx.msk [tilespmem:v31+s12+$0x0], $0xffff  }
0xed: {  	v37 =	vld.idx.msk [tilespmem:v6+s11+$0x0], $0xffff;
	v2 =	vadd.f32 v3, v2;
	v3 =	vmul.f32 v5, v32  }
0xee: {  	v5 =	vld.idx.msk [tilespmem:v6+s12+$0x0], $0xffff;
	v6 =	vor.u32 $0xF, v1  }
0xef: {  	v38 =	vld.idx.msk [tilespmem:v34+s11+$0x0], $0xffff;
	v2 =	vadd.f32 v3, v2;
	v3 =	vmul.f32 v7, v33  }
0xf0: {  	v39 =	vor.u32 $0x10, v1;
	v7 =	vld.idx.msk [tilespmem:v34+s12+$0x0], $0xffff  }
0xf1: {  	v40 =	vld.idx.msk [tilespmem:v36+s11+$0x0], $0xffff;
	v2 =	vadd.f32 v3, v2;
	v3 =	vmul.f32 v4, v35  }
0xf2: {  	v41 =	vor.u32 $0x11, v1;
	v4 =	vld.idx.msk [tilespmem:v36+s12+$0x0], $0xffff  }
0xf3: {  	v42 =	vld.idx.msk [tilespmem:v6+s11+$0x0], $0xffff;
	v2 =	vadd.f32 v3, v2;
	v3 =	vmul.f32 v5, v37  }
0xf4: {  	v5 =	vld.idx.msk [tilespmem:v6+s12+$0x0], $0xffff;
	v6 =	vor.u32 $0x12, v1  }
0xf5: {  	v43 =	vld.idx.msk [tilespmem:v39+s11+$0x0], $0xffff;
	v2 =	vadd.f32 v3, v2;
	v3 =	vmul.f32 v7, v38  }
0xf6: {  	v44 =	vor.u32 $0x13, v1;
	v7 =	vld.idx.msk [tilespmem:v39+s12+$0x0], $0xffff  }
0xf7: {  	v45 =	vld.idx.msk [tilespmem:v41+s11+$0x0], $0xffff;
	v2 =	vadd.f32 v3, v2;
	v3 =	vmul.f32 v4, v40  }
0xf8: {  	v46 =	vor.u32 $0x14, v1;
	v4 =	vld.idx.msk [tilespmem:v41+s12+$0x0], $0xffff  }
0xf9: {  	v47 =	vld.idx.msk [tilespmem:v6+s11+$0x0], $0xffff;
	v2 =	vadd.f32 v3, v2;
	v3 =	vmul.f32 v5, v42  }
0xfa: {  	v5 =	vld.idx.msk [tilespmem:v6+s12+$0x0], $0xffff;
	v6 =	vor.u32 $0x15, v1  }
0xfb: {  	v48 =	vld.idx.msk [tilespmem:v44+s11+$0x0], $0xffff;
	v2 =	vadd.f32 v3, v2;
	v3 =	vmul.f32 v7, v43  }
0xfc: {  	v49 =	vor.u32 $0x16, v1;
	v7 =	vld.idx.msk [tilespmem:v44+s12+$0x0], $0xffff  }
0xfd: {  	v50 =	vld.idx.msk [tilespmem:v46+s11+$0x0], $0xffff;
	v2 =	vadd.f32 v3, v2;
	v3 =	vmul.f32 v4, v45  }
0xfe: {  	v51 =	vor.u32 $0x17, v1;
	v4 =	vld.idx.msk [tilespmem:v46+s12+$0x0], $0xffff  }
0xff: {  	v52 =	vld.idx.msk [tilespmem:v6+s11+$0x0], $0xffff;
	v2 =	vadd.f32 v3, v2;
	v3 =	vmul.f32 v5, v47  }
0x100: {  	v5 =	vld.idx.msk [tilespmem:v6+s12+$0x0], $0xffff;
	v6 =	vor.u32 $0x18, v1  }
0x101: {  	v53 =	vld.idx.msk [tilespmem:v49+s11+$0x0], $0xffff;
	v2 =	vadd.f32 v3, v2;
	v3 =	vmul.f32 v7, v48  }
0x102: {  	v54 =	vor.u32 $0x19, v1;
	v7 =	vld.idx.msk [tilespmem:v49+s12+$0x0], $0xffff  }
0x103: {  	v55 =	vld.idx.msk [tilespmem:v51+s11+$0x0], $0xffff;
	v2 =	vadd.f32 v3, v2;
	v3 =	vmul.f32 v4, v50  }
0x104: {  	v56 =	vor.u32 $0x1A, v1;
	v4 =	vld.idx.msk [tilespmem:v51+s12+$0x0], $0xffff  }
0x105: {  	v57 =	vld.idx.msk [tilespmem:v6+s11+$0x0], $0xffff;
	v2 =	vadd.f32 v3, v2;
	v3 =	vmul.f32 v5, v52  }
0x106: {  	v5 =	vld.idx.msk [tilespmem:v6+s12+$0x0], $0xffff;
	v6 =	vor.u32 $0x1B, v1  }
0x107: {  	v58 =	vld.idx.msk [tilespmem:v54+s11+$0x0], $0xffff;
	v2 =	vadd.f32 v3, v2;
	v3 =	vmul.f32 v7, v53  }
0x108: {  	v59 =	vor.u32 $0x1C, v1;
	v7 =	vld.idx.msk [tilespmem:v54+s12+$0x0], $0xffff  }
0x109: {  	v60 =	vld.idx.msk [tilespmem:v56+s11+$0x0], $0xffff;
	v2 =	vadd.f32 v3, v2;
	v3 =	vmul.f32 v4, v55  }
0x10a: {  	v61 =	vor.u32 $0x1D, v1;
	v4 =	vld.idx.msk [tilespmem:v56+s12+$0x0], $0xffff  }
0x10b: {  	v62 =	vld.idx.msk [tilespmem:v6+s11+$0x0], $0xffff;
	v2 =	vadd.f32 v3, v2;
	v3 =	vmul.f32 v5, v57  }
0x10c: {  	v5 =	vld.idx.msk [tilespmem:v6+s12+$0x0], $0xffff;
	v6 =	vor.u32 $0x1E, v1  }
0x10d: {  	v63 =	vld.idx.msk [tilespmem:v59+s11+$0x0], $0xffff;
	v2 =	vadd.f32 v3, v2;
	v3 =	vmul.f32 v7, v58  }
0x10e: {  	v1 =	vor.u32 $0x1F, v1;
	v7 =	vld.idx.msk [tilespmem:v59+s12+$0x0], $0xffff  }
0x10f: {  	v15 =	vld.idx.msk [tilespmem:v61+s11+$0x0], $0xffff;
	v2 =	vadd.f32 v3, v2;
	v3 =	vmul.f32 v4, v60  }
0x110: {  	v4 =	vld.idx.msk [tilespmem:v61+s12+$0x0], $0xffff  }
0x111: {  	v16 =	vld.idx.msk [tilespmem:v6+s11+$0x0], $0xffff;
	v2 =	vadd.f32 v3, v2;
	v3 =	vmul.f32 v5, v62  }
0x112: {  	v5 =	vld.idx.msk [tilespmem:v6+s12+$0x0], $0xffff  }
0x113: {  	v6 =	vld.idx.msk [tilespmem:v1+s11+$0x0], $0xffff;
	v2 =	vadd.f32 v3, v2;
	v3 =	vmul.f32 v7, v63  }
0x114: {  	v7 =	vld.idx.msk [tilespmem:v1+s12+$0x0], $0xffff  }
0x115: {  	v1 =	vadd.f32 v3, v2;
	v2 =	vmul.f32 v4, v15  }
0x116: {  	s30 =	simm.s32 $0x10  }
0x117: {  	v3 =	vmov s30;
	v4 =	vmul.f32 v5, v16;
	v2 =	vadd.f32 v2, v1  }
0x118: {  	v1 =	vshll.u32 v3, $0x7  }
0x119: {  	v1 =	vor.u32 v0, v1;
	v3 =	vmul.f32 v7, v6;
	v2 =	vadd.f32 v4, v2;
	_ =	sdelay $0x1  }
0x11a: {  	v4 =	vor.u32 $0x1, v1;
	v2 =	vadd.f32 v3, v2  }
0x11b: {  	s15 =	simm.s32 $0x10400  }
0x11c: {  	v3 =	vor.u32 $0x2, v1;
	[tilespmem:s15+$0x0] =	vst v2  }
0x11d: {  	v2 =	vld.idx.msk [tilespmem:v1+s12+$0x0], $0xffff  }
0x11e: {  	v6 =	vor.u32 $0x3, v1;
	v5 =	vld.idx.msk [tilespmem:v1+s11+$0x0], $0xffff  }
0x11f: {  	v7 =	vld.idx.msk [tilespmem:v4+s11+$0x0], $0xffff  }
0x120: {  	v17 =	vor.u32 $0x4, v1;
	v4 =	vld.idx.msk [tilespmem:v4+s12+$0x0], $0xffff  }
0x121: {  	v18 =	vld.idx.msk [tilespmem:v3+s11+$0x0], $0xffff  }
0x122: {  	v19 =	vor.u32 $0x5, v1;
	v3 =	vld.idx.msk [tilespmem:v3+s12+$0x0], $0xffff  }
0x123: {  	v20 =	vld.idx.msk [tilespmem:v6+s11+$0x0], $0xffff;
	v2 =	vmul.f32 v2, v5  }
0x124: {  	v5 =	vld.idx.msk [tilespmem:v6+s12+$0x0], $0xffff;
	v6 =	vor.u32 $0x6, v1  }
0x125: {  	v21 =	vld.idx.msk [tilespmem:v17+s11+$0x0], $0xffff;
	v4 =	vmul.f32 v4, v7;
	v2 =	vadd.f32 $0.0e+00, v2  }
0x126: {  	v22 =	vor.u32 $0x7, v1;
	v7 =	vld.idx.msk [tilespmem:v17+s12+$0x0], $0xffff  }
0x127: {  	v23 =	vld.idx.msk [tilespmem:v19+s11+$0x0], $0xffff;
	v3 =	vmul.f32 v3, v18;
	v2 =	vadd.f32 v4, v2  }
0x128: {  	v24 =	vor.u32 $0x8, v1;
	v4 =	vld.idx.msk [tilespmem:v19+s12+$0x0], $0xffff  }
0x129: {  	v25 =	vld.idx.msk [tilespmem:v6+s11+$0x0], $0xffff;
	v2 =	vadd.f32 v3, v2;
	v3 =	vmul.f32 v5, v20  }
0x12a: {  	v5 =	vld.idx.msk [tilespmem:v6+s12+$0x0], $0xffff;
	v6 =	vor.u32 $0x9, v1  }
0x12b: {  	v26 =	vld.idx.msk [tilespmem:v22+s11+$0x0], $0xffff;
	v2 =	vadd.f32 v3, v2;
	v3 =	vmul.f32 v7, v21  }
0x12c: {  	v27 =	vor.u32 $0xA, v1;
	v7 =	vld.idx.msk [tilespmem:v22+s12+$0x0], $0xffff  }
0x12d: {  	v28 =	vld.idx.msk [tilespmem:v24+s11+$0x0], $0xffff;
	v2 =	vadd.f32 v3, v2;
	v3 =	vmul.f32 v4, v23  }
0x12e: {  	v29 =	vor.u32 $0xB, v1;
	v4 =	vld.idx.msk [tilespmem:v24+s12+$0x0], $0xffff  }
0x12f: {  	v30 =	vld.idx.msk [tilespmem:v6+s11+$0x0], $0xffff;
	v2 =	vadd.f32 v3, v2;
	v3 =	vmul.f32 v5, v25  }
0x130: {  	v5 =	vld.idx.msk [tilespmem:v6+s12+$0x0], $0xffff;
	v6 =	vor.u32 $0xC, v1  }
0x131: {  	v31 =	vld.idx.msk [tilespmem:v27+s11+$0x0], $0xffff;
	v2 =	vadd.f32 v3, v2;
	v3 =	vmul.f32 v7, v26  }
0x132: {  	v32 =	vor.u32 $0xD, v1;
	v7 =	vld.idx.msk [tilespmem:v27+s12+$0x0], $0xffff  }
0x133: {  	v33 =	vld.idx.msk [tilespmem:v29+s11+$0x0], $0xffff;
	v2 =	vadd.f32 v3, v2;
	v3 =	vmul.f32 v4, v28  }
0x134: {  	v34 =	vor.u32 $0xE, v1;
	v4 =	vld.idx.msk [tilespmem:v29+s12+$0x0], $0xffff  }
0x135: {  	v35 =	vld.idx.msk [tilespmem:v6+s11+$0x0], $0xffff;
	v2 =	vadd.f32 v3, v2;
	v3 =	vmul.f32 v5, v30  }
0x136: {  	v5 =	vld.idx.msk [tilespmem:v6+s12+$0x0], $0xffff;
	v6 =	vor.u32 $0xF, v1  }
0x137: {  	v36 =	vld.idx.msk [tilespmem:v32+s11+$0x0], $0xffff;
	v2 =	vadd.f32 v3, v2;
	v3 =	vmul.f32 v7, v31  }
0x138: {  	v37 =	vor.u32 $0x10, v1;
	v7 =	vld.idx.msk [tilespmem:v32+s12+$0x0], $0xffff  }
0x139: {  	v38 =	vld.idx.msk [tilespmem:v34+s11+$0x0], $0xffff;
	v2 =	vadd.f32 v3, v2;
	v3 =	vmul.f32 v4, v33  }
0x13a: {  	v39 =	vor.u32 $0x11, v1;
	v4 =	vld.idx.msk [tilespmem:v34+s12+$0x0], $0xffff  }
0x13b: {  	v40 =	vld.idx.msk [tilespmem:v6+s11+$0x0], $0xffff;
	v2 =	vadd.f32 v3, v2;
	v3 =	vmul.f32 v5, v35  }
0x13c: {  	v5 =	vld.idx.msk [tilespmem:v6+s12+$0x0], $0xffff;
	v6 =	vor.u32 $0x12, v1  }
0x13d: {  	v41 =	vld.idx.msk [tilespmem:v37+s11+$0x0], $0xffff;
	v2 =	vadd.f32 v3, v2;
	v3 =	vmul.f32 v7, v36  }
0x13e: {  	v42 =	vor.u32 $0x13, v1;
	v7 =	vld.idx.msk [tilespmem:v37+s12+$0x0], $0xffff  }
0x13f: {  	v43 =	vld.idx.msk [tilespmem:v39+s11+$0x0], $0xffff;
	v2 =	vadd.f32 v3, v2;
	v3 =	vmul.f32 v4, v38  }
0x140: {  	v44 =	vor.u32 $0x14, v1;
	v4 =	vld.idx.msk [tilespmem:v39+s12+$0x0], $0xffff  }
0x141: {  	v45 =	vld.idx.msk [tilespmem:v6+s11+$0x0], $0xffff;
	v2 =	vadd.f32 v3, v2;
	v3 =	vmul.f32 v5, v40  }
0x142: {  	v5 =	vld.idx.msk [tilespmem:v6+s12+$0x0], $0xffff;
	v6 =	vor.u32 $0x15, v1  }
0x143: {  	v46 =	vld.idx.msk [tilespmem:v42+s11+$0x0], $0xffff;
	v2 =	vadd.f32 v3, v2;
	v3 =	vmul.f32 v7, v41  }
0x144: {  	v47 =	vor.u32 $0x16, v1;
	v7 =	vld.idx.msk [tilespmem:v42+s12+$0x0], $0xffff  }
0x145: {  	v48 =	vld.idx.msk [tilespmem:v44+s11+$0x0], $0xffff;
	v2 =	vadd.f32 v3, v2;
	v3 =	vmul.f32 v4, v43  }
0x146: {  	v49 =	vor.u32 $0x17, v1;
	v4 =	vld.idx.msk [tilespmem:v44+s12+$0x0], $0xffff  }
0x147: {  	v50 =	vld.idx.msk [tilespmem:v6+s11+$0x0], $0xffff;
	v2 =	vadd.f32 v3, v2;
	v3 =	vmul.f32 v5, v45  }
0x148: {  	v5 =	vld.idx.msk [tilespmem:v6+s12+$0x0], $0xffff;
	v6 =	vor.u32 $0x18, v1  }
0x149: {  	v51 =	vld.idx.msk [tilespmem:v47+s11+$0x0], $0xffff;
	v2 =	vadd.f32 v3, v2;
	v3 =	vmul.f32 v7, v46  }
0x14a: {  	v52 =	vor.u32 $0x19, v1;
	v7 =	vld.idx.msk [tilespmem:v47+s12+$0x0], $0xffff  }
0x14b: {  	v53 =	vld.idx.msk [tilespmem:v49+s11+$0x0], $0xffff;
	v2 =	vadd.f32 v3, v2;
	v3 =	vmul.f32 v4, v48  }
0x14c: {  	v54 =	vor.u32 $0x1A, v1;
	v4 =	vld.idx.msk [tilespmem:v49+s12+$0x0], $0xffff  }
0x14d: {  	v55 =	vld.idx.msk [tilespmem:v6+s11+$0x0], $0xffff;
	v2 =	vadd.f32 v3, v2;
	v3 =	vmul.f32 v5, v50  }
0x14e: {  	v5 =	vld.idx.msk [tilespmem:v6+s12+$0x0], $0xffff;
	v6 =	vor.u32 $0x1B, v1  }
0x14f: {  	v56 =	vld.idx.msk [tilespmem:v52+s11+$0x0], $0xffff;
	v2 =	vadd.f32 v3, v2;
	v3 =	vmul.f32 v7, v51  }
0x150: {  	v57 =	vor.u32 $0x1C, v1;
	v7 =	vld.idx.msk [tilespmem:v52+s12+$0x0], $0xffff  }
0x151: {  	v58 =	vld.idx.msk [tilespmem:v54+s11+$0x0], $0xffff;
	v2 =	vadd.f32 v3, v2;
	v3 =	vmul.f32 v4, v53  }
0x152: {  	v4 =	vld.idx.msk [tilespmem:v54+s12+$0x0], $0xffff  }
0x153: {  	v60 =	vld.idx.msk [tilespmem:v6+s11+$0x0], $0xffff;
	v2 =	vadd.f32 v3, v2;
	v3 =	vmul.f32 v5, v55  }
0x154: {  	v59 =	vor.u32 $0x1D, v1;
	v5 =	vld.idx.msk [tilespmem:v6+s12+$0x0], $0xffff  }
0x155: {  	v61 =	vld.idx.msk [tilespmem:v57+s11+$0x0], $0xffff;
	v2 =	vadd.f32 v3, v2;
	v3 =	vmul.f32 v7, v56  }
0x156: {  	v6 =	vor.u32 $0x1E, v1;
	v7 =	vld.idx.msk [tilespmem:v57+s12+$0x0], $0xffff  }
0x157: {  	v2 =	vadd.f32 v3, v2;
	v3 =	vmul.f32 v4, v58  }
0x158: {  	v1 =	vor.u32 $0x1F, v1  }
0x159: {  	v62 =	vld.idx.msk [tilespmem:v59+s11+$0x0], $0xffff;
	v2 =	vadd.f32 v3, v2;
	v3 =	vmul.f32 v5, v60  }
0x15a: {  	v4 =	vld.idx.msk [tilespmem:v59+s12+$0x0], $0xffff  }
0x15b: {  	v63 =	vld.idx.msk [tilespmem:v6+s11+$0x0], $0xffff;
	v2 =	vadd.f32 v3, v2;
	v3 =	vmul.f32 v7, v61  }
0x15c: {  	v5 =	vld.idx.msk [tilespmem:v6+s12+$0x0], $0xffff  }
0x15d: {  	v6 =	vadd.f32 v3, v2;
	v2 =	vld.idx.msk [tilespmem:v1+s11+$0x0], $0xffff  }
0x15e: {  	v3 =	vld.idx.msk [tilespmem:v1+s12+$0x0], $0xffff  }
0x15f: {  	v4 =	vmul.f32 v4, v62  }
0x160: {  	s31 =	simm.s32 $0x20  }
0x161: {  	v7 =	vmov s31;
	v5 =	vmul.f32 v5, v63;
	v4 =	vadd.f32 v4, v6  }
0x162: {  	s16 =	simm.s32 $0x30;
	v1 =	vshll.u32 v7, $0x7  }
.LBB2_4:
0x163: {  	p0 =	sne.s32 s16, $0xF0;
	v1 =	vor.u32 v0, v1;
	v4 =	vadd.f32 v5, v4;
	v2 =	vmul.f32 v3, v2;
	_ =	sdelay $0x1  }
0x164: {  	v3 =	vor.u32 $0x1, v1;
	v2 =	vadd.f32 v2, v4  }
0x165: {  	s15 =	sadd.s32 $0x10, s15  }
0x166: {  	v4 =	vor.u32 $0x2, v1;
	[tilespmem:s15+$0x0] =	vst v2  }
0x167: {  	v2 =	vld.idx.msk [tilespmem:v1+s12+$0x0], $0xffff  }
0x168: {  	v6 =	vor.u32 $0x3, v1;
	v5 =	vld.idx.msk [tilespmem:v1+s11+$0x0], $0xffff  }
0x169: {  	v7 =	vld.idx.msk [tilespmem:v3+s11+$0x0], $0xffff  }
0x16a: {  	v8 =	vor.u32 $0x4, v1;
	v3 =	vld.idx.msk [tilespmem:v3+s12+$0x0], $0xffff  }
0x16b: {  	v9 =	vld.idx.msk [tilespmem:v4+s11+$0x0], $0xffff  }
0x16c: {  	v10 =	vor.u32 $0x5, v1;
	v4 =	vld.idx.msk [tilespmem:v4+s12+$0x0], $0xffff  }
0x16d: {  	v11 =	vld.idx.msk [tilespmem:v6+s11+$0x0], $0xffff  }
0x16e: {  	v2 =	vmul.f32 v2, v5;
	v5 =	vld.idx.msk [tilespmem:v6+s12+$0x0], $0xffff;
	v6 =	vor.u32 $0x6, v1  }
0x16f: {  	v12 =	vld.idx.msk [tilespmem:v8+s11+$0x0], $0xffff  }
0x170: {  	v2 =	vadd.f32 $0.0e+00, v2;
	v3 =	vmul.f32 v3, v7;
	v7 =	vld.idx.msk [tilespmem:v8+s12+$0x0], $0xffff;
	v8 =	vor.u32 $0x7, v1  }
0x171: {  	v13 =	vld.idx.msk [tilespmem:v10+s11+$0x0], $0xffff  }
0x172: {  	v2 =	vadd.f32 v3, v2;
	v3 =	vmul.f32 v4, v9;
	v9 =	vor.u32 $0x8, v1;
	v4 =	vld.idx.msk [tilespmem:v10+s12+$0x0], $0xffff  }
0x173: {  	v10 =	vld.idx.msk [tilespmem:v6+s11+$0x0], $0xffff  }
0x174: {  	v2 =	vadd.f32 v3, v2;
	v3 =	vmul.f32 v5, v11;
	v5 =	vld.idx.msk [tilespmem:v6+s12+$0x0], $0xffff;
	v6 =	vor.u32 $0x9, v1  }
0x175: {  	v11 =	vld.idx.msk [tilespmem:v8+s11+$0x0], $0xffff  }
0x176: {  	v2 =	vadd.f32 v3, v2;
	v3 =	vmul.f32 v7, v12;
	v7 =	vld.idx.msk [tilespmem:v8+s12+$0x0], $0xffff;
	v8 =	vor.u32 $0xA, v1  }
0x177: {  	v12 =	vld.idx.msk [tilespmem:v9+s11+$0x0], $0xffff  }
0x178: {  	v2 =	vadd.f32 v3, v2;
	v3 =	vmul.f32 v4, v13;
	v4 =	vld.idx.msk [tilespmem:v9+s12+$0x0], $0xffff;
	v9 =	vor.u32 $0xB, v1  }
0x179: {  	v13 =	vld.idx.msk [tilespmem:v6+s11+$0x0], $0xffff  }
0x17a: {  	v2 =	vadd.f32 v3, v2;
	v3 =	vmul.f32 v5, v10;
	v5 =	vld.idx.msk [tilespmem:v6+s12+$0x0], $0xffff;
	v6 =	vor.u32 $0xC, v1  }
0x17b: {  	v10 =	vld.idx.msk [tilespmem:v8+s11+$0x0], $0xffff  }
0x17c: {  	v2 =	vadd.f32 v3, v2;
	v3 =	vmul.f32 v7, v11;
	v7 =	vld.idx.msk [tilespmem:v8+s12+$0x0], $0xffff;
	v8 =	vor.u32 $0xD, v1  }
0x17d: {  	v11 =	vld.idx.msk [tilespmem:v9+s11+$0x0], $0xffff  }
0x17e: {  	v2 =	vadd.f32 v3, v2;
	v3 =	vmul.f32 v4, v12;
	v4 =	vld.idx.msk [tilespmem:v9+s12+$0x0], $0xffff;
	v9 =	vor.u32 $0xE, v1  }
0x17f: {  	v12 =	vld.idx.msk [tilespmem:v6+s11+$0x0], $0xffff  }
0x180: {  	v2 =	vadd.f32 v3, v2;
	v3 =	vmul.f32 v5, v13;
	v5 =	vld.idx.msk [tilespmem:v6+s12+$0x0], $0xffff;
	v6 =	vor.u32 $0xF, v1  }
0x181: {  	v13 =	vld.idx.msk [tilespmem:v8+s11+$0x0], $0xffff  }
0x182: {  	v2 =	vadd.f32 v3, v2;
	v3 =	vmul.f32 v7, v10;
	v7 =	vld.idx.msk [tilespmem:v8+s12+$0x0], $0xffff;
	v8 =	vor.u32 $0x10, v1  }
0x183: {  	v10 =	vld.idx.msk [tilespmem:v9+s11+$0x0], $0xffff  }
0x184: {  	v2 =	vadd.f32 v3, v2;
	v3 =	vmul.f32 v4, v11;
	v4 =	vld.idx.msk [tilespmem:v9+s12+$0x0], $0xffff;
	v9 =	vor.u32 $0x11, v1  }
0x185: {  	v11 =	vld.idx.msk [tilespmem:v6+s11+$0x0], $0xffff  }
0x186: {  	v2 =	vadd.f32 v3, v2;
	v3 =	vmul.f32 v5, v12;
	v5 =	vld.idx.msk [tilespmem:v6+s12+$0x0], $0xffff;
	v6 =	vor.u32 $0x12, v1  }
0x187: {  	v12 =	vld.idx.msk [tilespmem:v8+s11+$0x0], $0xffff  }
0x188: {  	v2 =	vadd.f32 v3, v2;
	v3 =	vmul.f32 v7, v13;
	v7 =	vld.idx.msk [tilespmem:v8+s12+$0x0], $0xffff;
	v8 =	vor.u32 $0x13, v1  }
0x189: {  	v13 =	vld.idx.msk [tilespmem:v9+s11+$0x0], $0xffff  }
0x18a: {  	v2 =	vadd.f32 v3, v2;
	v3 =	vmul.f32 v4, v10;
	v4 =	vld.idx.msk [tilespmem:v9+s12+$0x0], $0xffff;
	v9 =	vor.u32 $0x14, v1  }
0x18b: {  	v10 =	vld.idx.msk [tilespmem:v6+s11+$0x0], $0xffff  }
0x18c: {  	v2 =	vadd.f32 v3, v2;
	v3 =	vmul.f32 v5, v11;
	v5 =	vld.idx.msk [tilespmem:v6+s12+$0x0], $0xffff;
	v6 =	vor.u32 $0x15, v1  }
0x18d: {  	v11 =	vld.idx.msk [tilespmem:v8+s11+$0x0], $0xffff  }
0x18e: {  	v2 =	vadd.f32 v3, v2;
	v3 =	vmul.f32 v7, v12;
	v7 =	vld.idx.msk [tilespmem:v8+s12+$0x0], $0xffff;
	v8 =	vor.u32 $0x16, v1  }
0x18f: {  	v12 =	vld.idx.msk [tilespmem:v9+s11+$0x0], $0xffff  }
0x190: {  	v2 =	vadd.f32 v3, v2;
	v3 =	vmul.f32 v4, v13;
	v4 =	vld.idx.msk [tilespmem:v9+s12+$0x0], $0xffff;
	v9 =	vor.u32 $0x17, v1  }
0x191: {  	v13 =	vld.idx.msk [tilespmem:v6+s11+$0x0], $0xffff  }
0x192: {  	v2 =	vadd.f32 v3, v2;
	v3 =	vmul.f32 v5, v10;
	v5 =	vld.idx.msk [tilespmem:v6+s12+$0x0], $0xffff;
	v6 =	vor.u32 $0x18, v1  }
0x193: {  	v10 =	vld.idx.msk [tilespmem:v8+s11+$0x0], $0xffff  }
0x194: {  	v2 =	vadd.f32 v3, v2;
	v3 =	vmul.f32 v7, v11;
	v7 =	vld.idx.msk [tilespmem:v8+s12+$0x0], $0xffff;
	v8 =	vor.u32 $0x19, v1  }
0x195: {  	v11 =	vld.idx.msk [tilespmem:v9+s11+$0x0], $0xffff  }
0x196: {  	v2 =	vadd.f32 v3, v2;
	v3 =	vmul.f32 v4, v12;
	v4 =	vld.idx.msk [tilespmem:v9+s12+$0x0], $0xffff;
	v9 =	vor.u32 $0x1A, v1  }
0x197: {  	v12 =	vld.idx.msk [tilespmem:v6+s11+$0x0], $0xffff  }
0x198: {  	v2 =	vadd.f32 v3, v2;
	v3 =	vmul.f32 v5, v13;
	v5 =	vld.idx.msk [tilespmem:v6+s12+$0x0], $0xffff;
	v6 =	vor.u32 $0x1B, v1  }
0x199: {  	v13 =	vld.idx.msk [tilespmem:v8+s11+$0x0], $0xffff  }
0x19a: {  	v2 =	vadd.f32 v3, v2;
	v3 =	vmul.f32 v7, v10;
	v7 =	vld.idx.msk [tilespmem:v8+s12+$0x0], $0xffff;
	v8 =	vor.u32 $0x1C, v1  }
0x19b: {  	v10 =	vld.idx.msk [tilespmem:v9+s11+$0x0], $0xffff  }
0x19c: {  	v2 =	vadd.f32 v3, v2;
	v3 =	vmul.f32 v4, v11;
	v4 =	vld.idx.msk [tilespmem:v9+s12+$0x0], $0xffff;
	v9 =	vor.u32 $0x1D, v1  }
0x19d: {  	v11 =	vld.idx.msk [tilespmem:v6+s11+$0x0], $0xffff  }
0x19e: {  	v2 =	vadd.f32 v3, v2;
	v3 =	vmul.f32 v5, v12;
	v5 =	vld.idx.msk [tilespmem:v6+s12+$0x0], $0xffff;
	v6 =	vor.u32 $0x1E, v1  }
0x19f: {  	v12 =	vld.idx.msk [tilespmem:v8+s11+$0x0], $0xffff  }
0x1a0: {  	v1 =	vor.u32 $0x1F, v1;
	v2 =	vadd.f32 v3, v2;
	v3 =	vmul.f32 v7, v13;
	v7 =	vld.idx.msk [tilespmem:v8+s12+$0x0], $0xffff  }
0x1a1: {  	v8 =	vld.idx.msk [tilespmem:v9+s11+$0x0], $0xffff  }
0x1a2: {  	v2 =	vadd.f32 v3, v2;
	v3 =	vmul.f32 v4, v10;
	v4 =	vld.idx.msk [tilespmem:v9+s12+$0x0], $0xffff  }
0x1a3: {  	v9 =	vld.idx.msk [tilespmem:v6+s11+$0x0], $0xffff  }
0x1a4: {  	v3 =	vadd.f32 v3, v2;
	v5 =	vmul.f32 v5, v11;
	v6 =	vld.idx.msk [tilespmem:v6+s12+$0x0], $0xffff  }
0x1a5: {  	v2 =	vld.idx.msk [tilespmem:v1+s11+$0x0], $0xffff  }
0x1a6: {  	v5 =	vadd.f32 v5, v3;
	v7 =	vmul.f32 v7, v12;
	v3 =	vld.idx.msk [tilespmem:v1+s12+$0x0], $0xffff  }
.Ltmp1:
0x1a7: {  	(pc) =	sbr.rel @p0 .LBB2_4-.Ltmp1, $3  }
0x1a8: {  	v1 =	vadd.f32 v7, v5;
	v4 =	vmul.f32 v4, v8;
	_ =	sdelay $0x1  }
0x1a9: {  	v7 =	vmov s16;
	v4 =	vadd.f32 v4, v1;
	v5 =	vmul.f32 v6, v9  }
0x1aa: {  	s16 =	sadd.s32 $0x10, s16;
	v1 =	vshll.u32 v7, $0x7  }
0x1ab: {  	v1 =	vor.u32 v0, v1;
	v4 =	vadd.f32 v5, v4;
	v2 =	vmul.f32 v3, v2;
	_ =	sdelay $0x1  }
0x1ac: {  	v3 =	vor.u32 $0x1, v1;
	v2 =	vadd.f32 v2, v4  }
0x1ad: {  	s15 =	sadd.s32 $0x10, s15  }
0x1ae: {  	v31 =	vor.u32 $0x2, v1;
	[tilespmem:s15+$0x0] =	vst v2  }
0x1af: {  	v2 =	vld.idx.msk [tilespmem:v1+s12+$0x0], $0xffff  }
0x1b0: {  	v6 =	vor.u32 $0x3, v1;
	v32 =	vld.idx.msk [tilespmem:v1+s11+$0x0], $0xffff  }
0x1b1: {  	v7 =	vld.idx.msk [tilespmem:v3+s11+$0x0], $0xffff  }
0x1b2: {  	v8 =	vor.u32 $0x4, v1;
	v3 =	vld.idx.msk [tilespmem:v3+s12+$0x0], $0xffff  }
0x1b3: {  	v9 =	vld.idx.msk [tilespmem:v31+s11+$0x0], $0xffff  }
0x1b4: {  	v10 =	vor.u32 $0x5, v1;
	v4 =	vld.idx.msk [tilespmem:v31+s12+$0x0], $0xffff  }
0x1b5: {  	v11 =	vld.idx.msk [tilespmem:v6+s11+$0x0], $0xffff;
	v2 =	vmul.f32 v2, v32  }
0x1b6: {  	v34 =	vor.u32 $0x6, v1;
	v33 =	vld.idx.msk [tilespmem:v6+s12+$0x0], $0xffff  }
0x1b7: {  	v12 =	vld.idx.msk [tilespmem:v8+s11+$0x0], $0xffff;
	v3 =	vmul.f32 v3, v7;
	v2 =	vadd.f32 $0.0e+00, v2  }
0x1b8: {  	v36 =	vor.u32 $0x7, v1;
	v35 =	vld.idx.msk [tilespmem:v8+s12+$0x0], $0xffff  }
0x1b9: {  	v13 =	vld.idx.msk [tilespmem:v10+s11+$0x0], $0xffff;
	v2 =	vadd.f32 v3, v2;
	v3 =	vmul.f32 v4, v9  }
0x1ba: {  	v38 =	vor.u32 $0x8, v1;
	v37 =	vld.idx.msk [tilespmem:v10+s12+$0x0], $0xffff  }
0x1bb: {  	v39 =	vld.idx.msk [tilespmem:v34+s11+$0x0], $0xffff;
	v2 =	vadd.f32 v3, v2;
	v3 =	vmul.f32 v33, v11  }
0x1bc: {  	v41 =	vor.u32 $0x9, v1;
	v40 =	vld.idx.msk [tilespmem:v34+s12+$0x0], $0xffff  }
0x1bd: {  	v42 =	vld.idx.msk [tilespmem:v36+s11+$0x0], $0xffff;
	v2 =	vadd.f32 v3, v2;
	v3 =	vmul.f32 v35, v12  }
0x1be: {  	v44 =	vor.u32 $0xA, v1;
	v43 =	vld.idx.msk [tilespmem:v36+s12+$0x0], $0xffff  }
0x1bf: {  	v45 =	vld.idx.msk [tilespmem:v38+s11+$0x0], $0xffff;
	v2 =	vadd.f32 v3, v2;
	v3 =	vmul.f32 v37, v13  }
0x1c0: {  	v47 =	vor.u32 $0xB, v1;
	v46 =	vld.idx.msk [tilespmem:v38+s12+$0x0], $0xffff  }
0x1c1: {  	v48 =	vld.idx.msk [tilespmem:v41+s11+$0x0], $0xffff;
	v2 =	vadd.f32 v3, v2;
	v3 =	vmul.f32 v40, v39  }
0x1c2: {  	v50 =	vor.u32 $0xC, v1;
	v49 =	vld.idx.msk [tilespmem:v41+s12+$0x0], $0xffff  }
0x1c3: {  	v51 =	vld.idx.msk [tilespmem:v44+s11+$0x0], $0xffff;
	v2 =	vadd.f32 v3, v2;
	v3 =	vmul.f32 v43, v42  }
0x1c4: {  	v53 =	vor.u32 $0xD, v1;
	v52 =	vld.idx.msk [tilespmem:v44+s12+$0x0], $0xffff  }
0x1c5: {  	v54 =	vld.idx.msk [tilespmem:v47+s11+$0x0], $0xffff;
	v2 =	vadd.f32 v3, v2;
	v3 =	vmul.f32 v46, v45  }
0x1c6: {  	v56 =	vor.u32 $0xE, v1;
	v55 =	vld.idx.msk [tilespmem:v47+s12+$0x0], $0xffff  }
0x1c7: {  	v57 =	vld.idx.msk [tilespmem:v50+s11+$0x0], $0xffff;
	v2 =	vadd.f32 v3, v2;
	v3 =	vmul.f32 v49, v48  }
0x1c8: {  	v59 =	vor.u32 $0xF, v1;
	v58 =	vld.idx.msk [tilespmem:v50+s12+$0x0], $0xffff  }
0x1c9: {  	v60 =	vld.idx.msk [tilespmem:v53+s11+$0x0], $0xffff;
	v2 =	vadd.f32 v3, v2;
	v3 =	vmul.f32 v52, v51  }
0x1ca: {  	v62 =	vor.u32 $0x10, v1;
	v61 =	vld.idx.msk [tilespmem:v53+s12+$0x0], $0xffff  }
0x1cb: {  	v63 =	vld.idx.msk [tilespmem:v56+s11+$0x0], $0xffff;
	v2 =	vadd.f32 v3, v2;
	v3 =	vmul.f32 v55, v54  }
0x1cc: {  	v17 =	vor.u32 $0x11, v1;
	v16 =	vld.idx.msk [tilespmem:v56+s12+$0x0], $0xffff  }
0x1cd: {  	v18 =	vld.idx.msk [tilespmem:v59+s11+$0x0], $0xffff;
	v2 =	vadd.f32 v3, v2;
	v3 =	vmul.f32 v58, v57  }
0x1ce: {  	v20 =	vor.u32 $0x12, v1;
	v19 =	vld.idx.msk [tilespmem:v59+s12+$0x0], $0xffff  }
0x1cf: {  	v21 =	vld.idx.msk [tilespmem:v62+s11+$0x0], $0xffff;
	v2 =	vadd.f32 v3, v2;
	v3 =	vmul.f32 v61, v60  }
0x1d0: {  	v23 =	vor.u32 $0x13, v1;
	v22 =	vld.idx.msk [tilespmem:v62+s12+$0x0], $0xffff  }
0x1d1: {  	v24 =	vld.idx.msk [tilespmem:v17+s11+$0x0], $0xffff;
	v2 =	vadd.f32 v3, v2;
	v3 =	vmul.f32 v16, v63  }
0x1d2: {  	v26 =	vor.u32 $0x14, v1;
	v25 =	vld.idx.msk [tilespmem:v17+s12+$0x0], $0xffff  }
0x1d3: {  	v27 =	vld.idx.msk [tilespmem:v20+s11+$0x0], $0xffff;
	v2 =	vadd.f32 v3, v2;
	v3 =	vmul.f32 v19, v18  }
0x1d4: {  	v29 =	vor.u32 $0x15, v1;
	v28 =	vld.idx.msk [tilespmem:v20+s12+$0x0], $0xffff  }
0x1d5: {  	v30 =	vld.idx.msk [tilespmem:v23+s11+$0x0], $0xffff;
	v2 =	vadd.f32 v3, v2;
	v3 =	vmul.f32 v22, v21  }
0x1d6: {  	v31 =	vld.idx.msk [tilespmem:v23+s12+$0x0], $0xffff;
	v32 =	vor.u32 $0x16, v1  }
0x1d7: {  	v34 =	vld.idx.msk [tilespmem:v26+s12+$0x0], $0xffff;
	v2 =	vadd.f32 v3, v2;
	v3 =	vmul.f32 v25, v24  }
0x1d8: {  	v33 =	vld.idx.msk [tilespmem:v26+s11+$0x0], $0xffff;
	v35 =	vor.u32 $0x17, v1  }
0x1d9: {  	v36 =	vld.idx.msk [tilespmem:v29+s11+$0x0], $0xffff;
	v2 =	vadd.f32 v3, v2;
	v3 =	vmul.f32 v28, v27  }
0x1da: {  	v38 =	vor.u32 $0x18, v1;
	v37 =	vld.idx.msk [tilespmem:v29+s12+$0x0], $0xffff  }
0x1db: {  	v39 =	vld.idx.msk [tilespmem:v32+s11+$0x0], $0xffff;
	v2 =	vadd.f32 v3, v2;
	v3 =	vmul.f32 v31, v30  }
0x1dc: {  	v41 =	vor.u32 $0x19, v1;
	v40 =	vld.idx.msk [tilespmem:v32+s12+$0x0], $0xffff  }
0x1dd: {  	v42 =	vld.idx.msk [tilespmem:v35+s11+$0x0], $0xffff;
	v2 =	vadd.f32 v3, v2;
	v3 =	vmul.f32 v34, v33  }
0x1de: {  	v44 =	vor.u32 $0x1A, v1;
	v43 =	vld.idx.msk [tilespmem:v35+s12+$0x0], $0xffff  }
0x1df: {  	v45 =	vld.idx.msk [tilespmem:v38+s11+$0x0], $0xffff;
	v2 =	vadd.f32 v3, v2;
	v3 =	vmul.f32 v37, v36  }
0x1e0: {  	v47 =	vor.u32 $0x1B, v1;
	v46 =	vld.idx.msk [tilespmem:v38+s12+$0x0], $0xffff  }
0x1e1: {  	v48 =	vld.idx.msk [tilespmem:v41+s11+$0x0], $0xffff;
	v2 =	vadd.f32 v3, v2;
	v3 =	vmul.f32 v40, v39  }
0x1e2: {  	v50 =	vor.u32 $0x1C, v1;
	v49 =	vld.idx.msk [tilespmem:v41+s12+$0x0], $0xffff  }
0x1e3: {  	v51 =	vld.idx.msk [tilespmem:v44+s11+$0x0], $0xffff;
	v2 =	vadd.f32 v3, v2;
	v3 =	vmul.f32 v43, v42  }
0x1e4: {  	v53 =	vor.u32 $0x1D, v1;
	v52 =	vld.idx.msk [tilespmem:v44+s12+$0x0], $0xffff  }
0x1e5: {  	v54 =	vld.idx.msk [tilespmem:v47+s11+$0x0], $0xffff;
	v2 =	vadd.f32 v3, v2;
	v3 =	vmul.f32 v46, v45  }
0x1e6: {  	v56 =	vor.u32 $0x1E, v1;
	v55 =	vld.idx.msk [tilespmem:v47+s12+$0x0], $0xffff  }
0x1e7: {  	v57 =	vld.idx.msk [tilespmem:v50+s11+$0x0], $0xffff;
	v2 =	vadd.f32 v3, v2;
	v3 =	vmul.f32 v49, v48  }
0x1e8: {  	v1 =	vor.u32 $0x1F, v1;
	v58 =	vld.idx.msk [tilespmem:v50+s12+$0x0], $0xffff  }
0x1e9: {  	v59 =	vld.idx.msk [tilespmem:v53+s11+$0x0], $0xffff;
	v2 =	vadd.f32 v3, v2;
	v3 =	vmul.f32 v52, v51  }
0x1ea: {  	v60 =	vld.idx.msk [tilespmem:v53+s12+$0x0], $0xffff  }
0x1eb: {  	v62 =	vld.idx.msk [tilespmem:v56+s12+$0x0], $0xffff;
	v2 =	vadd.f32 v3, v2;
	v3 =	vmul.f32 v55, v54  }
0x1ec: {  	v61 =	vld.idx.msk [tilespmem:v56+s11+$0x0], $0xffff  }
0x1ed: {  	v63 =	vld.idx.msk [tilespmem:v1+s11+$0x0], $0xffff;
	v2 =	vadd.f32 v3, v2;
	v3 =	vmul.f32 v58, v57  }
0x1ee: {  	v1 =	vld.idx.msk [tilespmem:v1+s12+$0x0], $0xffff  }
0x1ef: {  	v2 =	vadd.f32 v3, v2;
	v3 =	vmul.f32 v60, v59;
	_ =	sdelay $0x1  }
0x1f0: {  	v2 =	vadd.f32 v3, v2;
	v3 =	vmul.f32 v62, v61;
	_ =	sdelay $0x1  }
0x1f1: {  	v1 =	vmul.f32 v1, v63;
	v2 =	vadd.f32 v3, v2;
	_ =	sdelay $0x1  }
0x1f2: {  	v1 =	vadd.f32 v1, v2  }
0x1f3: {  	s0 =	sadd.s32 $0x10, s15  }
0x1f4: {  	s16 =	simm.s32 $0x100;
	[tilespmem:s0+$0x0] =	vst v1  }
0x1f5: {  	s17 =	simm.s32 $0x300;
	v1 =	vld [tilespmem:s16+$0x0]  }
0x1f6: {  	v3 =	vld [tilespmem:s17+$0x0];
	_ =	sdelay $0x3  }
0x1f7: {  	v2 =	vshll.u32 v1, $0x4  }
0x1f8: {  	v1 =	vshll.u32 v3, $0x4;
	(v2sf) =	vpush v2, $0x0  }
0x1f9: {  	(v2sf) =	vpush v1, $0x0  }
0x1fa: {  	(v2sf) =	vpush v2, $0x1;
	_ =	sdelay $0x2  }
0x1fb: {  	(v2sf) =	vpush v1, $0x1;
	_ =	sdelay $0x1  }
0x1fc: {  	(v2sf) =	vpush v2, $0x2;
	_ =	sdelay $0x1  }
0x1fd: {  	(v2sf) =	vpush v1, $0x2;
	_ =	sdelay $0x1  }
0x1fe: {  	s6 =	simm.s32 $0x8400;
	s5 =	simm.s32 $0x680;
	s1 =	simm.s32 $0x880;
	(v2sf) =	vpush v2, $0x3  }
0x1ff: {  	s7 =	simm.s32 $0x400;
	s9 =	simm.s32 $0x600;
	s3 =	rddreg [dreg:$0x5]  }
0x200: {  	s10 =	simm.s32 $0x580;
	s4 =	rddreg [dreg:$0x6];
	s20 =	simm.s32 $0x480  }
0x201: {  	s23 =	simm.s32 $0x8480;
	s25 =	simm.s32 $0x500;
	s29 =	simm.s32 $0x8500  }
0x202: {  	s15 =	simm.s32 $0x0;
	s0 =	simm.s32 $0x8900;
	s8 =	spop (v2sf);
	(v2sf) =	vpush v1, $0x3  }
0x203: {  	s16 =	simm.s32 $0x2000;
	s8 =	sand.u32 $0x1FFFFFF0, s8;
	s13 =	spop (v2sf)  }
0x204: {  	s17 =	simm.s32 $0x8600;
	(v2sf) =	vpush v2, $0x4;
	s8 =	sadd.s32 s3, s8;
	s19 =	spop (v2sf)  }
0x205: {  	(v2sf) =	vpush v1, $0x4;
	[tilespmem:s7], [sflag:$0x1] =	stream.linear.gather [hbm4b:s8+s2], $0x80, $0x38;
	[tilespmem:$0x10600] =	vst v63  }
0x206: {  	s18 =	sand.u32 $0x1FFFFFF0, s13;
	s7 =	simm.s32 $0x8580;
	s13 =	sand.u32 $0x1FFFFFF0, s19  }
0x207: {  	s8 =	sadd.s32 s4, s18;
	s14 =	spop (v2sf);
	(v2sf) =	vpush v2, $0x5;
	s21 =	sadd.s32 s3, s13  }
0x208: {  	[tilespmem:s6], [sflag:$0x1] =	stream.linear.gather [hbm4b:s8+s2], $0x80, $0x38;
	[tilespmem:$0x10600] =	vst v63  }
0x209: {  	s22 =	sand.u32 $0x1FFFFFF0, s14;
	s24 =	spop (v2sf);
	s14 =	simm.s32 $0x8A00  }
0x20a: {  	(v2sf) =	vpush v1, $0x5;
	[tilespmem:s20], [sflag:$0x1] =	stream.linear.gather [hbm4b:s21+s2], $0x80, $0x38;
	[tilespmem:$0x10600] =	vst v63  }
0x20b: {  	s13 =	sadd.s32 s4, s22;
	s8 =	sand.u32 $0x1FFFFFF0, s24;
	s26 =	spop (v2sf)  }
0x20c: {  	(v2sf) =	vpush v2, $0x6;
	[tilespmem:s23], [sflag:$0x1] =	stream.linear.gather [hbm4b:s13+s2], $0x80, $0x38;
	[tilespmem:$0x10600] =	vst v63  }
0x20d: {  	s8 =	sadd.s32 s3, s8;
	s28 =	spop (v2sf);
	s13 =	sand.u32 $0x1FFFFFF0, s26  }
0x20e: {  	(v2sf) =	vpush v1, $0x6;
	[tilespmem:s25], [sflag:$0x1] =	stream.linear.gather [hbm4b:s8+s2], $0x80, $0x38;
	[tilespmem:$0x10600] =	vst v63  }
0x20f: {  	s22 =	simm.s32 $0x8680;
	s31 =	sand.u32 $0x1FFFFFF0, s28;
	s30 =	sadd.s32 s4, s13  }
0x210: {  	[tilespmem:s29], [sflag:$0x1] =	stream.linear.gather [hbm4b:s30+s2], $0x80, $0x38;
	[tilespmem:$0x10600] =	vst v63  }
0x211: {  	s24 =	simm.s32 $0x700;
	s13 =	sadd.s32 s3, s31;
	s12 =	spop (v2sf)  }
0x212: {  	(v2sf) =	vpush v2, $0x7;
	[tilespmem:s10], [sflag:$0x1] =	stream.linear.gather [hbm4b:s13+s2], $0x80, $0x38;
	[tilespmem:$0x10600] =	vst v63  }
0x213: {  	s6 =	sand.u32 $0x1FFFFFF0, s12;
	s18 =	spop (v2sf);
	s12 =	simm.s32 $0xA80  }
0x214: {  	(v2sf) =	vpush v1, $0x7;
	s6 =	sadd.s32 s4, s6;
	s10 =	sand.u32 $0x1FFFFFF0, s18;
	s19 =	spop (v2sf)  }
0x215: {  	(v2sf) =	vpush v2, $0x8;
	[tilespmem:s7], [sflag:$0x1] =	stream.linear.gather [hbm4b:s6+s2], $0x80, $0x38;
	[tilespmem:$0x10600] =	vst v63  }
0x216: {  	s20 =	sadd.s32 s3, s10;
	s21 =	sand.u32 $0x1FFFFFF0, s19;
	s23 =	spop (v2sf)  }
0x217: {  	(v2sf) =	vpush v1, $0x8;
	s10 =	simm.s32 $0x8A80;
	s7 =	sadd.s32 s4, s21;
	s25 =	sand.u32 $0x1FFFFFF0, s23  }
0x218: {  	(v2sf) =	vpush v2, $0x9;
	[tilespmem:s9], [sflag:$0x1] =	stream.linear.gather [hbm4b:s20+s2], $0x80, $0x38;
	[tilespmem:$0x10600] =	vst v63  }
0x219: {  	s26 =	spop (v2sf);
	s23 =	simm.s32 $0x8780;
	s8 =	sadd.s32 s3, s25  }
0x21a: {  	(v2sf) =	vpush v1, $0x9;
	[tilespmem:s17], [sflag:$0x1] =	stream.linear.gather [hbm4b:s7+s2], $0x80, $0x38;
	[tilespmem:$0x10600] =	vst v63  }
0x21b: {  	s9 =	sand.u32 $0x1FFFFFF0, s26;
	s28 =	spop (v2sf);
	s20 =	simm.s32 $0x780;
	(v2sf) =	vpush v2, $0xA  }
0x21c: {  	[tilespmem:s5], [sflag:$0x1] =	stream.linear.gather [hbm4b:s8+s2], $0x80, $0x38;
	[tilespmem:$0x10600] =	vst v63  }
0x21d: {  	s29 =	sadd.s32 s4, s9;
	s30 =	sand.u32 $0x1FFFFFF0, s28;
	s31 =	spop (v2sf);
	(v2sf) =	vpush v1, $0xA  }
0x21e: {  	[tilespmem:s22], [sflag:$0x1] =	stream.linear.gather [hbm4b:s29+s2], $0x80, $0x38;
	[tilespmem:$0x10600] =	vst v63  }
0x21f: {  	s25 =	simm.s32 $0x800;
	s13 =	sadd.s32 s3, s30;
	s6 =	sand.u32 $0x1FFFFFF0, s31  }
0x220: {  	[tilespmem:s24], [sflag:$0x1] =	stream.linear.gather [hbm4b:s13+s2], $0x80, $0x38;
	[tilespmem:$0x10600] =	vst v63  }
0x221: {  	s17 =	simm.s32 $0x8700;
	s6 =	sadd.s32 s4, s6;
	s18 =	spop (v2sf)  }
0x222: {  	[tilespmem:s17], [sflag:$0x1] =	stream.linear.gather [hbm4b:s6+s2], $0x80, $0x38;
	[tilespmem:$0x10600] =	vst v63  }
0x223: {  	s9 =	simm.s32 $0x8880;
	(v2sf) =	vpush v2, $0xB;
	s8 =	sand.u32 $0x1FFFFFF0, s18;
	s19 =	spop (v2sf)  }
0x224: {  	s5 =	simm.s32 $0x8980;
	s21 =	sadd.s32 s3, s8;
	s24 =	spop (v2sf)  }
0x225: {  	(v2sf) =	vpush v1, $0xB;
	[tilespmem:s20], [sflag:$0x1] =	stream.linear.gather [hbm4b:s21+s2], $0x80, $0x38;
	[tilespmem:$0x10600] =	vst v63  }
0x226: {  	s29 =	simm.s32 $0x8800;
	s22 =	sand.u32 $0x1FFFFFF0, s19;
	s26 =	spop (v2sf)  }
0x227: {  	s8 =	sadd.s32 s4, s22;
	s7 =	sand.u32 $0x1FFFFFF0, s24;
	s28 =	spop (v2sf)  }
0x228: {  	(v2sf) =	vpush v2, $0xC;
	[tilespmem:s23], [sflag:$0x1] =	stream.linear.gather [hbm4b:s8+s2], $0x80, $0x38;
	[tilespmem:$0x10600] =	vst v63  }
0x229: {  	s17 =	simm.s32 $0x900;
	s7 =	sadd.s32 s3, s7;
	s13 =	spop (v2sf)  }
0x22a: {  	(v2sf) =	vpush v1, $0xC;
	s8 =	sand.u32 $0x1FFFFFF0, s26;
	s31 =	sand.u32 $0x1FFFFFF0, s28;
	s18 =	spop (v2sf)  }
0x22b: {  	[tilespmem:s25], [sflag:$0x1] =	stream.linear.gather [hbm4b:s7+s2], $0x80, $0x38;
	[tilespmem:$0x10600] =	vst v63  }
0x22c: {  	s26 =	simm.s32 $0x980;
	s30 =	sadd.s32 s4, s8;
	s19 =	spop (v2sf)  }
0x22d: {  	[tilespmem:s29], [sflag:$0x1] =	stream.linear.gather [hbm4b:s30+s2], $0x80, $0x38;
	[tilespmem:$0x10600] =	vst v63  }
0x22e: {  	s8 =	sadd.s32 s3, s31;
	s7 =	sand.u32 $0x1FFFFFF0, s13;
	s21 =	sand.u32 $0x1FFFFFF0, s19  }
0x22f: {  	[tilespmem:s1], [sflag:$0x1] =	stream.linear.gather [hbm4b:s8+s2], $0x80, $0x38;
	[tilespmem:$0x10600] =	vst v63  }
0x230: {  	s7 =	sadd.s32 s4, s7;
	s23 =	sadd.s32 s4, s21;
	s8 =	sand.u32 $0x1FFFFFF0, s18  }
0x231: {  	[tilespmem:s9], [sflag:$0x1] =	stream.linear.gather [hbm4b:s7+s2], $0x80, $0x38;
	[tilespmem:$0x10600] =	vst v63  }
0x232: {  	s21 =	simm.s32 $0x310;
	s20 =	sadd.s32 s3, s8;
	s22 =	spop (v2sf)  }
0x233: {  	[tilespmem:s17], [sflag:$0x1] =	stream.linear.gather [hbm4b:s20+s2], $0x80, $0x38;
	[tilespmem:$0x10600] =	vst v63  }
0x234: {  	s20 =	simm.s32 $0x110;
	s24 =	sand.u32 $0x1FFFFFF0, s22;
	s25 =	spop (v2sf)  }
0x235: {  	(v2sf) =	vpush v2, $0xD;
	[tilespmem:s0], [sflag:$0x1] =	stream.linear.gather [hbm4b:s23+s2], $0x80, $0x38;
	[tilespmem:$0x10600] =	vst v63  }
0x236: {  	(v2sf) =	vpush v1, $0xD;
	s28 =	sadd.s32 s3, s24;
	s29 =	sand.u32 $0x1FFFFFF0, s25;
	s24 =	simm.s32 $0xA00  }
0x237: {  	(v2sf) =	vpush v2, $0xE;
	s23 =	simm.s32 $0xB00;
	s30 =	sadd.s32 s4, s29;
	s31 =	spop (v2sf)  }
0x238: {  	(v2sf) =	vpush v1, $0xE;
	[tilespmem:s26], [sflag:$0x1] =	stream.linear.gather [hbm4b:s28+s2], $0x80, $0x38;
	[tilespmem:$0x10600] =	vst v63  }
0x239: {  	s4 =	simm.s32 $0x8B00;
	(v2sf) =	vpush v2, $0xF;
	s0 =	sand.u32 $0x1FFFFFF0, s31;
	s1 =	spop (v2sf)  }
0x23a: {  	(v2sf) =	vpush v1, $0xF;
	[tilespmem:s5], [sflag:$0x1] =	stream.linear.gather [hbm4b:s30+s2], $0x80, $0x38;
	[tilespmem:$0x10600] =	vst v63  }
.LBB2_6:
0x23b: {  	_ =	sdelay $0x3  }
0x23c: {  	s22 =	rddreg [dreg:$0x5]  }
0x23d: {  	s1 =	sand.u32 $0x1FFFFFF0, s1;
	s13 =	rddreg [dreg:$0x6];
	s0 =	sadd.s32 s22, s0  }
0x23e: {  	[tilespmem:s24], [sflag:$0x1] =	stream.linear.gather [hbm4b:s0+s2], $0x80, $0x38;
	[tilespmem:$0x10600] =	vst v63  }
0x23f: {  	s29 =	sadd.s32 s13, s1  }
0x240: {  	[tilespmem:s14], [sflag:$0x1] =	stream.linear.gather [hbm4b:s29+s2], $0x80, $0x38;
	[tilespmem:$0x10600] =	vst v63  }
0x241: {  	s5 =	spop (v2sf)  }
0x242: {  	s30 =	sand.u32 $0x1FFFFFF0, s5;
	s31 =	spop (v2sf)  }
0x243: {  	s3 =	sadd.s32 s22, s30;
	s5 =	sand.u32 $0x1FFFFFF0, s31;
	s6 =	spop (v2sf)  }
0x244: {  	[tilespmem:s12], [sflag:$0x1] =	stream.linear.gather [hbm4b:s3+s2], $0x80, $0x38;
	[tilespmem:$0x10600] =	vst v63  }
0x245: {  	s7 =	sadd.s32 s13, s5;
	s8 =	sand.u32 $0x1FFFFFF0, s6;
	s9 =	spop (v2sf)  }
0x246: {  	[tilespmem:s10], [sflag:$0x1] =	stream.linear.gather [hbm4b:s7+s2], $0x80, $0x38;
	[tilespmem:$0x10600] =	vst v63  }
0x247: {  	s12 =	sand.u32 $0x1FFFFFF0, s9;
	s14 =	spop (v2sf);
	s10 =	sadd.s32 s22, s8  }
0x248: {  	[tilespmem:s23], [sflag:$0x1] =	stream.linear.gather [hbm4b:s10+s2], $0x80, $0x38;
	[tilespmem:$0x10600] =	vst v63  }
0x249: {  	s17 =	sadd.s32 s13, s12;
	s18 =	sand.u32 $0x1FFFFFF0, s14;
	s19 =	spop (v2sf)  }
0x24a: {  	[tilespmem:s4], [sflag:$0x1] =	stream.linear.gather [hbm4b:s17+s2], $0x80, $0x38;
	[tilespmem:$0x10600] =	vst v63  }
0x24b: {  	s1 =	sadd.s32 s22, s18;
	s5 =	sand.u32 $0x1FFFFFF0, s19;
	s23 =	sadd.s32 $0xB80, s15  }
0x24c: {  	[tilespmem:s23], [sflag:$0x1] =	stream.linear.gather [hbm4b:s1+s2], $0x80, $0x38;
	[tilespmem:$0x10600] =	vst v63  }
0x24d: {  	s24 =	sadd.s32 $0x8B80, s15;
	s25 =	sadd.s32 s13, s5  }
0x24e: {  	[tilespmem:s24], [sflag:$0x1] =	stream.linear.gather [hbm4b:s25+s2], $0x80, $0x38;
	[tilespmem:$0x10600] =	vst v63  }
0x24f: {  	v1 =	vld [tilespmem:s20+$0x0]  }
0x250: {  	v3 =	vld [tilespmem:s21+$0x0];
	_ =	sdelay $0x3  }
0x251: {  	v2 =	vshll.u32 v1, $0x4  }
0x252: {  	s26 =	smov.u32 s16;
	v1 =	vshll.u32 v3, $0x4;
	(v2sf) =	vpush v2, $0x0  }
0x253: {  	s15 =	sshra.s32 s26, $0x2;
	(v2sf) =	vpush v1, $0x0  }
0x254: {  	p0 =	sne.s32 s16, $0x1E000;
	s16 =	sadd.s32 $0x2000, s16;
	s29 =	sadd.s32 $0x8400, s15;
	(v2sf) =	vpush v2, $0x1  }
0x255: {  	s0 =	sadd.s32 $0x680, s15;
	s28 =	sadd.s32 $0x880, s15;
	s31 =	sadd.s32 $0x400, s15  }
0x256: {  	s10 =	sadd.s32 $0x600, s15;
	s30 =	sadd.s32 $0x8900, s15;
	s3 =	sadd.s32 $0x8A00, s15;
	(v2sf) =	vpush v1, $0x1  }
0x257: {  	s14 =	sadd.s32 $0x8600, s15;
	s12 =	sadd.s32 $0xA80, s15;
	[dreg:$0x18] =	wrdreg s0  }
0x258: {  	s26 =	sadd.s32 $0x8500, s15;
	s9 =	sadd.s32 $0x8680, s15;
	[dreg:$0xc] =	wrdreg s28;
	(v2sf) =	vpush v2, $0x2  }
0x259: {  	s8 =	sadd.s32 $0x700, s15;
	s6 =	sadd.s32 $0x900, s15;
	[dreg:$0x8] =	wrdreg s30  }
0x25a: {  	s5 =	sadd.s32 $0x8A80, s15;
	s18 =	sadd.s32 $0x8800, s15;
	[dreg:$0xe] =	wrdreg s6;
	(v2sf) =	vpush v1, $0x2  }
0x25b: {  	s7 =	sadd.s32 $0x8700, s15;
	s19 =	sadd.s32 $0x8780, s15;
	[dreg:$0x14] =	wrdreg s18  }
0x25c: {  	s17 =	sadd.s32 $0x8580, s15;
	s4 =	sadd.s32 $0x8880, s15;
	[dreg:$0x1a] =	wrdreg s19;
	(v2sf) =	vpush v2, $0x3  }
0x25d: {  	s28 =	sadd.s32 $0x500, s15;
	s19 =	sadd.s32 $0x980, s15;
	[dreg:$0x10] =	wrdreg s4  }
0x25e: {  	s30 =	sadd.s32 $0x8480, s15;
	[dreg:$0x12] =	wrdreg s19;
	s1 =	sadd.s32 $0x8980, s15;
	(v2sf) =	vpush v1, $0x3  }
0x25f: {  	s6 =	sadd.s32 $0x780, s15;
	s23 =	sadd.s32 $0x800, s15;
	[dreg:$0xa] =	wrdreg s1;
	(v2sf) =	vpush v2, $0x4  }
0x260: {  	s18 =	sadd.s32 $0x480, s15;
	s4 =	sadd.s32 $0x8B00, s15;
	[dreg:$0x16] =	wrdreg s23  }
0x261: {  	s23 =	sadd.s32 $0xB00, s15;
	s25 =	sadd.s32 $0x580, s15;
	s1 =	spop (v2sf)  }
0x262: {  	s24 =	sadd.s32 $0xA00, s15;
	s0 =	sand.u32 $0x1FFFFFF0, s1;
	s19 =	spop (v2sf)  }
0x263: {  	(v2sf) =	vpush v1, $0x4;
	s0 =	sadd.s32 s22, s0;
	s19 =	sand.u32 $0x1FFFFFF0, s19;
	s1 =	spop (v2sf)  }
0x264: {  	[tilespmem:s31], [sflag:$0x1] =	stream.linear.gather [hbm4b:s0+s2], $0x80, $0x38;
	[tilespmem:$0x10600] =	vst v63  }
0x265: {  	(v2sf) =	vpush v2, $0x5;
	s19 =	sadd.s32 s13, s19;
	s1 =	sand.u32 $0x1FFFFFF0, s1;
	s31 =	spop (v2sf)  }
0x266: {  	(v2sf) =	vpush v1, $0x5;
	[tilespmem:s29], [sflag:$0x1] =	stream.linear.gather [hbm4b:s19+s2], $0x80, $0x38;
	[tilespmem:$0x10600] =	vst v63  }
0x267: {  	s1 =	sadd.s32 s22, s1;
	s29 =	sand.u32 $0x1FFFFFF0, s31;
	s31 =	spop (v2sf)  }
0x268: {  	(v2sf) =	vpush v2, $0x6;
	[tilespmem:s18], [sflag:$0x1] =	stream.linear.gather [hbm4b:s1+s2], $0x80, $0x38;
	[tilespmem:$0x10600] =	vst v63  }
0x269: {  	s19 =	spop (v2sf);
	s1 =	sadd.s32 s13, s29;
	s18 =	sand.u32 $0x1FFFFFF0, s31  }
0x26a: {  	[tilespmem:s30], [sflag:$0x1] =	stream.linear.gather [hbm4b:s1+s2], $0x80, $0x38;
	[tilespmem:$0x10600] =	vst v63  }
0x26b: {  	s20 =	sadd.s32 $0x10, s20;
	(v2sf) =	vpush v1, $0x6;
	s31 =	spop (v2sf);
	s29 =	sadd.s32 s22, s18  }
0x26c: {  	[tilespmem:s28], [sflag:$0x1] =	stream.linear.gather [hbm4b:s29+s2], $0x80, $0x38;
	[tilespmem:$0x10600] =	vst v63  }
0x26d: {  	s21 =	sadd.s32 $0x10, s21;
	(v2sf) =	vpush v2, $0x7;
	s30 =	sand.u32 $0x1FFFFFF0, s19;
	s28 =	spop (v2sf)  }
0x26e: {  	s19 =	sand.u32 $0x1FFFFFF0, s31;
	s1 =	sadd.s32 s13, s30;
	s31 =	spop (v2sf)  }
0x26f: {  	(v2sf) =	vpush v1, $0x7;
	[tilespmem:s26], [sflag:$0x1] =	stream.linear.gather [hbm4b:s1+s2], $0x80, $0x38;
	[tilespmem:$0x10600] =	vst v63  }
0x270: {  	s29 =	sadd.s32 s22, s19;
	s30 =	sand.u32 $0x1FFFFFF0, s28;
	s18 =	sand.u32 $0x1FFFFFF0, s31  }
0x271: {  	(v2sf) =	vpush v2, $0x8;
	[tilespmem:s25], [sflag:$0x1] =	stream.linear.gather [hbm4b:s29+s2], $0x80, $0x38;
	[tilespmem:$0x10600] =	vst v63  }
0x272: {  	s1 =	sadd.s32 s13, s30;
	s25 =	sadd.s32 s22, s18;
	s19 =	spop (v2sf)  }
0x273: {  	[tilespmem:s17], [sflag:$0x1] =	stream.linear.gather [hbm4b:s1+s2], $0x80, $0x38;
	[tilespmem:$0x10600] =	vst v63  }
0x274: {  	s26 =	sand.u32 $0x1FFFFFF0, s19;
	s28 =	spop (v2sf);
	s19 =	rddreg [dreg:$0x18]  }
0x275: {  	(v2sf) =	vpush v1, $0x8;
	s29 =	sadd.s32 s13, s26;
	s30 =	sand.u32 $0x1FFFFFF0, s28;
	s31 =	spop (v2sf)  }
0x276: {  	(v2sf) =	vpush v2, $0x9;
	[tilespmem:s10], [sflag:$0x1] =	stream.linear.gather [hbm4b:s25+s2], $0x80, $0x38;
	[tilespmem:$0x10600] =	vst v63  }
0x277: {  	s17 =	sand.u32 $0x1FFFFFF0, s31;
	s10 =	smov.u32 s5;
	s18 =	spop (v2sf)  }
0x278: {  	(v2sf) =	vpush v1, $0x9;
	[tilespmem:s14], [sflag:$0x1] =	stream.linear.gather [hbm4b:s29+s2], $0x80, $0x38;
	[tilespmem:$0x10600] =	vst v63  }
0x279: {  	s25 =	sadd.s32 s13, s17;
	s14 =	smov.u32 s3;
	s26 =	sand.u32 $0x1FFFFFF0, s18  }
0x27a: {  	s3 =	sadd.s32 s22, s30;
	s28 =	spop (v2sf);
	s29 =	sadd.s32 s22, s26  }
0x27b: {  	[tilespmem:s19], [sflag:$0x1] =	stream.linear.gather [hbm4b:s3+s2], $0x80, $0x38;
	[tilespmem:$0x10600] =	vst v63  }
0x27c: {  	(v2sf) =	vpush v2, $0xA;
	s30 =	sand.u32 $0x1FFFFFF0, s28;
	s31 =	spop (v2sf);
	s28 =	rddreg [dreg:$0x1a]  }
0x27d: {  	[tilespmem:s9], [sflag:$0x1] =	stream.linear.gather [hbm4b:s25+s2], $0x80, $0x38;
	[tilespmem:$0x10600] =	vst v63  }
0x27e: {  	(v2sf) =	vpush v1, $0xA;
	s1 =	sadd.s32 s13, s30;
	s3 =	sand.u32 $0x1FFFFFF0, s31;
	s5 =	spop (v2sf)  }
0x27f: {  	[tilespmem:s8], [sflag:$0x1] =	stream.linear.gather [hbm4b:s29+s2], $0x80, $0x38;
	[tilespmem:$0x10600] =	vst v63  }
0x280: {  	(v2sf) =	vpush v2, $0xB;
	s9 =	sadd.s32 s22, s3;
	s17 =	sand.u32 $0x1FFFFFF0, s5;
	s18 =	spop (v2sf)  }
0x281: {  	[tilespmem:s7], [sflag:$0x1] =	stream.linear.gather [hbm4b:s1+s2], $0x80, $0x38;
	[tilespmem:$0x10600] =	vst v63  }
0x282: {  	s19 =	sadd.s32 s13, s17;
	s25 =	sand.u32 $0x1FFFFFF0, s18;
	s17 =	rddreg [dreg:$0x14]  }
0x283: {  	[tilespmem:s6], [sflag:$0x1] =	stream.linear.gather [hbm4b:s9+s2], $0x80, $0x38;
	[tilespmem:$0x10600] =	vst v63  }
0x284: {  	(v2sf) =	vpush v1, $0xB;
	s29 =	sadd.s32 s22, s25;
	s26 =	spop (v2sf);
	s6 =	rddreg [dreg:$0x16]  }
0x285: {  	(v2sf) =	vpush v2, $0xC;
	s30 =	sand.u32 $0x1FFFFFF0, s26;
	s31 =	spop (v2sf);
	s26 =	rddreg [dreg:$0xc]  }
0x286: {  	[tilespmem:s28], [sflag:$0x1] =	stream.linear.gather [hbm4b:s19+s2], $0x80, $0x38;
	[tilespmem:$0x10600] =	vst v63  }
0x287: {  	(v2sf) =	vpush v1, $0xC;
	s7 =	sadd.s32 s13, s30;
	s8 =	sand.u32 $0x1FFFFFF0, s31;
	s9 =	spop (v2sf)  }
0x288: {  	[tilespmem:s6], [sflag:$0x1] =	stream.linear.gather [hbm4b:s29+s2], $0x80, $0x38;
	[tilespmem:$0x10600] =	vst v63  }
0x289: {  	s31 =	rddreg [dreg:$0x10];
	s18 =	sadd.s32 s22, s8;
	s19 =	sand.u32 $0x1FFFFFF0, s9  }
0x28a: {  	[tilespmem:s17], [sflag:$0x1] =	stream.linear.gather [hbm4b:s7+s2], $0x80, $0x38;
	[tilespmem:$0x10600] =	vst v63  }
0x28b: {  	s8 =	rddreg [dreg:$0xe];
	s25 =	spop (v2sf);
	s28 =	sadd.s32 s13, s19  }
0x28c: {  	[tilespmem:s26], [sflag:$0x1] =	stream.linear.gather [hbm4b:s18+s2], $0x80, $0x38;
	[tilespmem:$0x10600] =	vst v63  }
0x28d: {  	s19 =	rddreg [dreg:$0x8];
	s29 =	sand.u32 $0x1FFFFFF0, s25;
	s30 =	spop (v2sf)  }
0x28e: {  	[tilespmem:s31], [sflag:$0x1] =	stream.linear.gather [hbm4b:s28+s2], $0x80, $0x38;
	[tilespmem:$0x10600] =	vst v63  }
0x28f: {  	s3 =	sadd.s32 s22, s29;
	s6 =	sand.u32 $0x1FFFFFF0, s30;
	s7 =	spop (v2sf)  }
0x290: {  	[tilespmem:s8], [sflag:$0x1] =	stream.linear.gather [hbm4b:s3+s2], $0x80, $0x38;
	[tilespmem:$0x10600] =	vst v63  }
0x291: {  	s29 =	rddreg [dreg:$0x12];
	s9 =	sadd.s32 s13, s6;
	s17 =	sand.u32 $0x1FFFFFF0, s7  }
0x292: {  	(v2sf) =	vpush v2, $0xD;
	[tilespmem:s19], [sflag:$0x1] =	stream.linear.gather [hbm4b:s9+s2], $0x80, $0x38;
	[tilespmem:$0x10600] =	vst v63  }
.Ltmp2:
0x293: {  	(v2sf) =	vpush v1, $0xD;
	s25 =	sadd.s32 s22, s17;
	s18 =	spop (v2sf);
	(pc) =	sbr.rel @p0 .LBB2_6-.Ltmp2, $4  }
0x294: {  	(v2sf) =	vpush v2, $0xE;
	s31 =	rddreg [dreg:$0xa];
	s26 =	sand.u32 $0x1FFFFFF0, s18;
	s28 =	spop (v2sf)  }
0x295: {  	(v2sf) =	vpush v1, $0xE;
	[tilespmem:s29], [sflag:$0x1] =	stream.linear.gather [hbm4b:s25+s2], $0x80, $0x38;
	[tilespmem:$0x10600] =	vst v63  }
0x296: {  	(v2sf) =	vpush v2, $0xF;
	s30 =	sadd.s32 s13, s26;
	s0 =	sand.u32 $0x1FFFFFF0, s28;
	s1 =	spop (v2sf)  }
0x297: {  	(v2sf) =	vpush v1, $0xF;
	[tilespmem:s31], [sflag:$0x1] =	stream.linear.gather [hbm4b:s30+s2], $0x80, $0x38;
	[tilespmem:$0x10600] =	vst v63  }
0x298: {  	_ =	sdelay $0x3  }
0x299: {  	s3 =	rddreg [dreg:$0x5]  }
0x29a: {  	s1 =	sand.u32 $0x1FFFFFF0, s1;
	s6 =	rddreg [dreg:$0x6];
	s0 =	sadd.s32 s3, s0  }
0x29b: {  	[tilespmem:s24], [sflag:$0x1] =	stream.linear.gather [hbm4b:s0+s2], $0x80, $0x38;
	[tilespmem:$0x10600] =	vst v63  }
0x29c: {  	s7 =	sadd.s32 s6, s1  }
0x29d: {  	[tilespmem:s14], [sflag:$0x1] =	stream.linear.gather [hbm4b:s7+s2], $0x80, $0x38;
	[tilespmem:$0x10600] =	vst v63  }
0x29e: {  	s5 =	spop (v2sf)  }
0x29f: {  	s28 =	sadd.s32 $0xB80, s15;
	s8 =	sand.u32 $0x1FFFFFF0, s5;
	s9 =	spop (v2sf)  }
0x2a0: {  	s13 =	sadd.s32 s3, s8;
	s14 =	sand.u32 $0x1FFFFFF0, s9;
	s16 =	spop (v2sf)  }
0x2a1: {  	[tilespmem:s12], [sflag:$0x1] =	stream.linear.gather [hbm4b:s13+s2], $0x80, $0x38;
	[tilespmem:$0x10600] =	vst v63  }
0x2a2: {  	s17 =	sadd.s32 s6, s14;
	s18 =	sand.u32 $0x1FFFFFF0, s16;
	s19 =	spop (v2sf)  }
0x2a3: {  	[tilespmem:s10], [sflag:$0x1] =	stream.linear.gather [hbm4b:s17+s2], $0x80, $0x38;
	[tilespmem:$0x10600] =	vst v63  }
0x2a4: {  	s20 =	sadd.s32 s3, s18;
	s21 =	sand.u32 $0x1FFFFFF0, s19;
	s22 =	spop (v2sf)  }
0x2a5: {  	[tilespmem:s23], [sflag:$0x1] =	stream.linear.gather [hbm4b:s20+s2], $0x80, $0x38;
	[tilespmem:$0x10600] =	vst v63  }
0x2a6: {  	s24 =	sadd.s32 s6, s21;
	s25 =	sand.u32 $0x1FFFFFF0, s22;
	s26 =	spop (v2sf)  }
0x2a7: {  	[tilespmem:s4], [sflag:$0x1] =	stream.linear.gather [hbm4b:s24+s2], $0x80, $0x38;
	[tilespmem:$0x10600] =	vst v63  }
0x2a8: {  	s29 =	sadd.s32 $0x8B80, s15;
	s1 =	sadd.s32 s3, s25;
	s5 =	sand.u32 $0x1FFFFFF0, s26  }
0x2a9: {  	[tilespmem:s28], [sflag:$0x1] =	stream.linear.gather [hbm4b:s1+s2], $0x80, $0x38;
	[tilespmem:$0x10600] =	vst v63  }
0x2aa: {  	s15 =	simm.s32 $0x0;
	s31 =	simm.s32 $0x1;
	s30 =	sadd.s32 s6, s5  }
0x2ab: {  	v1 =	vmov s15;
	[tilespmem:s29], [sflag:$0x1] =	stream.linear.gather [hbm4b:s30+s2], $0x80, $0x38;
	[tilespmem:$0x10600] =	vst v63  }
0x2ac: {  	v1 =	vshll.u32 v1, $0x7;
	_ =	swait.ge [sflag:s31], $0x8000  }
0x2ad: {  	v1 =	vor.u32 v0, v1;
	[sflag:s31] =	ssyncset.done $0x0  }
0x2ae: {  	[sflag:s31] =	ssyncadd.s32 $0xFFFF8000  }
0x2af: {  	v2 =	vor.u32 $0x1, v1;
	_ =	swait.ge [sflag:s31], $0x8000  }
0x2b0: {  	[sflag:s31] =	ssyncset.done $0x0  }
0x2b1: {  	v3 =	vor.u32 $0x2, v1;
	s12 =	simm.s32 $0x8400;
	[sflag:s31] =	ssyncadd.s32 $0xFFFF8000  }
0x2b2: {  	v4 =	vld.idx.msk [tilespmem:v1+s12+$0x0], $0xffff  }
0x2b3: {  	v6 =	vor.u32 $0x3, v1;
	v5 =	vld.idx.msk [tilespmem:v1+s11+$0x0], $0xffff  }
0x2b4: {  	v7 =	vld.idx.msk [tilespmem:v2+s11+$0x0], $0xffff  }
0x2b5: {  	v8 =	vor.u32 $0x4, v1;
	v2 =	vld.idx.msk [tilespmem:v2+s12+$0x0], $0xffff  }
0x2b6: {  	v9 =	vld.idx.msk [tilespmem:v3+s11+$0x0], $0xffff  }
0x2b7: {  	v10 =	vor.u32 $0x5, v1;
	v3 =	vld.idx.msk [tilespmem:v3+s12+$0x0], $0xffff  }
0x2b8: {  	v11 =	vld.idx.msk [tilespmem:v6+s11+$0x0], $0xffff;
	v4 =	vmul.f32 v4, v5  }
0x2b9: {  	v5 =	vld.idx.msk [tilespmem:v6+s12+$0x0], $0xffff;
	v6 =	vor.u32 $0x6, v1  }
0x2ba: {  	v12 =	vld.idx.msk [tilespmem:v8+s11+$0x0], $0xffff;
	v2 =	vmul.f32 v2, v7;
	v4 =	vadd.f32 $0.0e+00, v4  }
0x2bb: {  	v23 =	vor.u32 $0x7, v1;
	v7 =	vld.idx.msk [tilespmem:v8+s12+$0x0], $0xffff  }
0x2bc: {  	v13 =	vld.idx.msk [tilespmem:v10+s11+$0x0], $0xffff;
	v3 =	vmul.f32 v3, v9;
	v2 =	vadd.f32 v2, v4  }
0x2bd: {  	v24 =	vor.u32 $0x8, v1;
	v4 =	vld.idx.msk [tilespmem:v10+s12+$0x0], $0xffff  }
0x2be: {  	v25 =	vld.idx.msk [tilespmem:v6+s11+$0x0], $0xffff;
	v2 =	vadd.f32 v3, v2;
	v3 =	vmul.f32 v5, v11  }
0x2bf: {  	v5 =	vld.idx.msk [tilespmem:v6+s12+$0x0], $0xffff;
	v6 =	vor.u32 $0x9, v1  }
0x2c0: {  	v26 =	vld.idx.msk [tilespmem:v23+s11+$0x0], $0xffff;
	v2 =	vadd.f32 v3, v2;
	v3 =	vmul.f32 v7, v12  }
0x2c1: {  	v27 =	vor.u32 $0xA, v1;
	v7 =	vld.idx.msk [tilespmem:v23+s12+$0x0], $0xffff  }
0x2c2: {  	v28 =	vld.idx.msk [tilespmem:v24+s11+$0x0], $0xffff;
	v2 =	vadd.f32 v3, v2;
	v3 =	vmul.f32 v4, v13  }
0x2c3: {  	v29 =	vor.u32 $0xB, v1;
	v4 =	vld.idx.msk [tilespmem:v24+s12+$0x0], $0xffff  }
0x2c4: {  	v30 =	vld.idx.msk [tilespmem:v6+s11+$0x0], $0xffff;
	v2 =	vadd.f32 v3, v2;
	v3 =	vmul.f32 v5, v25  }
0x2c5: {  	v5 =	vld.idx.msk [tilespmem:v6+s12+$0x0], $0xffff;
	v6 =	vor.u32 $0xC, v1  }
0x2c6: {  	v31 =	vld.idx.msk [tilespmem:v27+s11+$0x0], $0xffff;
	v2 =	vadd.f32 v3, v2;
	v3 =	vmul.f32 v7, v26  }
0x2c7: {  	v32 =	vor.u32 $0xD, v1;
	v7 =	vld.idx.msk [tilespmem:v27+s12+$0x0], $0xffff  }
0x2c8: {  	v33 =	vld.idx.msk [tilespmem:v29+s11+$0x0], $0xffff;
	v2 =	vadd.f32 v3, v2;
	v3 =	vmul.f32 v4, v28  }
0x2c9: {  	v34 =	vor.u32 $0xE, v1;
	v4 =	vld.idx.msk [tilespmem:v29+s12+$0x0], $0xffff  }
0x2ca: {  	v35 =	vld.idx.msk [tilespmem:v6+s11+$0x0], $0xffff;
	v2 =	vadd.f32 v3, v2;
	v3 =	vmul.f32 v5, v30  }
0x2cb: {  	v5 =	vld.idx.msk [tilespmem:v6+s12+$0x0], $0xffff;
	v6 =	vor.u32 $0xF, v1  }
0x2cc: {  	v36 =	vld.idx.msk [tilespmem:v32+s11+$0x0], $0xffff;
	v2 =	vadd.f32 v3, v2;
	v3 =	vmul.f32 v7, v31  }
0x2cd: {  	v37 =	vor.u32 $0x10, v1;
	v7 =	vld.idx.msk [tilespmem:v32+s12+$0x0], $0xffff  }
0x2ce: {  	v38 =	vld.idx.msk [tilespmem:v34+s11+$0x0], $0xffff;
	v2 =	vadd.f32 v3, v2;
	v3 =	vmul.f32 v4, v33  }
0x2cf: {  	v39 =	vor.u32 $0x11, v1;
	v4 =	vld.idx.msk [tilespmem:v34+s12+$0x0], $0xffff  }
0x2d0: {  	v40 =	vld.idx.msk [tilespmem:v6+s11+$0x0], $0xffff;
	v2 =	vadd.f32 v3, v2;
	v3 =	vmul.f32 v5, v35  }
0x2d1: {  	v5 =	vld.idx.msk [tilespmem:v6+s12+$0x0], $0xffff;
	v6 =	vor.u32 $0x12, v1  }
0x2d2: {  	v41 =	vld.idx.msk [tilespmem:v37+s11+$0x0], $0xffff;
	v2 =	vadd.f32 v3, v2;
	v3 =	vmul.f32 v7, v36  }
0x2d3: {  	v42 =	vor.u32 $0x13, v1;
	v7 =	vld.idx.msk [tilespmem:v37+s12+$0x0], $0xffff  }
0x2d4: {  	v43 =	vld.idx.msk [tilespmem:v39+s11+$0x0], $0xffff;
	v2 =	vadd.f32 v3, v2;
	v3 =	vmul.f32 v4, v38  }
0x2d5: {  	v44 =	vor.u32 $0x14, v1;
	v4 =	vld.idx.msk [tilespmem:v39+s12+$0x0], $0xffff  }
0x2d6: {  	v45 =	vld.idx.msk [tilespmem:v6+s11+$0x0], $0xffff;
	v2 =	vadd.f32 v3, v2;
	v3 =	vmul.f32 v5, v40  }
0x2d7: {  	v5 =	vld.idx.msk [tilespmem:v6+s12+$0x0], $0xffff;
	v6 =	vor.u32 $0x15, v1  }
0x2d8: {  	v46 =	vld.idx.msk [tilespmem:v42+s11+$0x0], $0xffff;
	v2 =	vadd.f32 v3, v2;
	v3 =	vmul.f32 v7, v41  }
0x2d9: {  	v47 =	vor.u32 $0x16, v1;
	v7 =	vld.idx.msk [tilespmem:v42+s12+$0x0], $0xffff  }
0x2da: {  	v48 =	vld.idx.msk [tilespmem:v44+s11+$0x0], $0xffff;
	v2 =	vadd.f32 v3, v2;
	v3 =	vmul.f32 v4, v43  }
0x2db: {  	v49 =	vor.u32 $0x17, v1;
	v4 =	vld.idx.msk [tilespmem:v44+s12+$0x0], $0xffff  }
0x2dc: {  	v50 =	vld.idx.msk [tilespmem:v6+s11+$0x0], $0xffff;
	v2 =	vadd.f32 v3, v2;
	v3 =	vmul.f32 v5, v45  }
0x2dd: {  	v5 =	vld.idx.msk [tilespmem:v6+s12+$0x0], $0xffff;
	v6 =	vor.u32 $0x18, v1  }
0x2de: {  	v51 =	vld.idx.msk [tilespmem:v47+s11+$0x0], $0xffff;
	v2 =	vadd.f32 v3, v2;
	v3 =	vmul.f32 v7, v46  }
0x2df: {  	v52 =	vor.u32 $0x19, v1;
	v7 =	vld.idx.msk [tilespmem:v47+s12+$0x0], $0xffff  }
0x2e0: {  	v53 =	vld.idx.msk [tilespmem:v49+s11+$0x0], $0xffff;
	v2 =	vadd.f32 v3, v2;
	v3 =	vmul.f32 v4, v48  }
0x2e1: {  	v54 =	vor.u32 $0x1A, v1;
	v4 =	vld.idx.msk [tilespmem:v49+s12+$0x0], $0xffff  }
0x2e2: {  	v55 =	vld.idx.msk [tilespmem:v6+s11+$0x0], $0xffff;
	v2 =	vadd.f32 v3, v2;
	v3 =	vmul.f32 v5, v50  }
0x2e3: {  	v5 =	vld.idx.msk [tilespmem:v6+s12+$0x0], $0xffff;
	v6 =	vor.u32 $0x1B, v1  }
0x2e4: {  	v56 =	vld.idx.msk [tilespmem:v52+s11+$0x0], $0xffff;
	v2 =	vadd.f32 v3, v2;
	v3 =	vmul.f32 v7, v51  }
0x2e5: {  	v57 =	vor.u32 $0x1C, v1;
	v7 =	vld.idx.msk [tilespmem:v52+s12+$0x0], $0xffff  }
0x2e6: {  	v58 =	vld.idx.msk [tilespmem:v54+s11+$0x0], $0xffff;
	v2 =	vadd.f32 v3, v2;
	v3 =	vmul.f32 v4, v53  }
0x2e7: {  	v4 =	vld.idx.msk [tilespmem:v54+s12+$0x0], $0xffff  }
0x2e8: {  	v60 =	vld.idx.msk [tilespmem:v6+s11+$0x0], $0xffff;
	v2 =	vadd.f32 v3, v2;
	v3 =	vmul.f32 v5, v55  }
0x2e9: {  	v59 =	vor.u32 $0x1D, v1;
	v5 =	vld.idx.msk [tilespmem:v6+s12+$0x0], $0xffff  }
0x2ea: {  	v61 =	vld.idx.msk [tilespmem:v57+s11+$0x0], $0xffff;
	v2 =	vadd.f32 v3, v2;
	v3 =	vmul.f32 v7, v56  }
0x2eb: {  	v6 =	vor.u32 $0x1E, v1;
	v7 =	vld.idx.msk [tilespmem:v57+s12+$0x0], $0xffff  }
0x2ec: {  	v2 =	vadd.f32 v3, v2;
	v3 =	vmul.f32 v4, v58  }
0x2ed: {  	v1 =	vor.u32 $0x1F, v1  }
0x2ee: {  	v62 =	vld.idx.msk [tilespmem:v59+s11+$0x0], $0xffff;
	v2 =	vadd.f32 v3, v2;
	v3 =	vmul.f32 v5, v60  }
0x2ef: {  	v4 =	vld.idx.msk [tilespmem:v59+s12+$0x0], $0xffff  }
0x2f0: {  	v63 =	vld.idx.msk [tilespmem:v6+s11+$0x0], $0xffff;
	v2 =	vadd.f32 v3, v2;
	v3 =	vmul.f32 v7, v61  }
0x2f1: {  	v5 =	vld.idx.msk [tilespmem:v6+s12+$0x0], $0xffff  }
0x2f2: {  	v6 =	vadd.f32 v3, v2;
	v2 =	vld.idx.msk [tilespmem:v1+s11+$0x0], $0xffff  }
0x2f3: {  	v3 =	vld.idx.msk [tilespmem:v1+s12+$0x0], $0xffff  }
0x2f4: {  	v4 =	vmul.f32 v4, v62  }
0x2f5: {  	s16 =	simm.s32 $0x10  }
0x2f6: {  	v7 =	vmov s16;
	v5 =	vmul.f32 v5, v63;
	v4 =	vadd.f32 v4, v6  }
0x2f7: {  	s17 =	simm.s32 $0x20;
	v1 =	vshll.u32 v7, $0x7  }
.LBB2_8:
0x2f8: {  	p0 =	sne.s32 s17, $0xF0;
	v1 =	vor.u32 v0, v1;
	v4 =	vadd.f32 v5, v4;
	v2 =	vmul.f32 v3, v2;
	_ =	sdelay $0x1  }
0x2f9: {  	v3 =	vor.u32 $0x1, v1;
	v2 =	vadd.f32 v2, v4  }
0x2fa: {  	s0 =	sand.u32 $0xF0, s15;
	s15 =	smov.u32 s16;
	s16 =	smov.u32 s17  }
0x2fb: {  	v4 =	vor.u32 $0x2, v1;
	[tilespmem:s0+$0x10500] =	vst v2  }
0x2fc: {  	v2 =	vld.idx.msk [tilespmem:v1+s12+$0x0], $0xffff  }
0x2fd: {  	v6 =	vor.u32 $0x3, v1;
	v5 =	vld.idx.msk [tilespmem:v1+s11+$0x0], $0xffff  }
0x2fe: {  	v7 =	vld.idx.msk [tilespmem:v3+s11+$0x0], $0xffff  }
0x2ff: {  	v8 =	vor.u32 $0x4, v1;
	v3 =	vld.idx.msk [tilespmem:v3+s12+$0x0], $0xffff  }
0x300: {  	v9 =	vld.idx.msk [tilespmem:v4+s11+$0x0], $0xffff  }
0x301: {  	v10 =	vor.u32 $0x5, v1;
	v4 =	vld.idx.msk [tilespmem:v4+s12+$0x0], $0xffff  }
0x302: {  	v11 =	vld.idx.msk [tilespmem:v6+s11+$0x0], $0xffff  }
0x303: {  	v2 =	vmul.f32 v2, v5;
	v5 =	vld.idx.msk [tilespmem:v6+s12+$0x0], $0xffff;
	v6 =	vor.u32 $0x6, v1  }
0x304: {  	v12 =	vld.idx.msk [tilespmem:v8+s11+$0x0], $0xffff  }
0x305: {  	v2 =	vadd.f32 $0.0e+00, v2;
	v3 =	vmul.f32 v3, v7;
	v7 =	vld.idx.msk [tilespmem:v8+s12+$0x0], $0xffff;
	v8 =	vor.u32 $0x7, v1  }
0x306: {  	v13 =	vld.idx.msk [tilespmem:v10+s11+$0x0], $0xffff  }
0x307: {  	v2 =	vadd.f32 v3, v2;
	v3 =	vmul.f32 v4, v9;
	v9 =	vor.u32 $0x8, v1;
	v4 =	vld.idx.msk [tilespmem:v10+s12+$0x0], $0xffff  }
0x308: {  	v10 =	vld.idx.msk [tilespmem:v6+s11+$0x0], $0xffff  }
0x309: {  	v2 =	vadd.f32 v3, v2;
	v3 =	vmul.f32 v5, v11;
	v5 =	vld.idx.msk [tilespmem:v6+s12+$0x0], $0xffff;
	v6 =	vor.u32 $0x9, v1  }
0x30a: {  	v11 =	vld.idx.msk [tilespmem:v8+s11+$0x0], $0xffff  }
0x30b: {  	v2 =	vadd.f32 v3, v2;
	v3 =	vmul.f32 v7, v12;
	v7 =	vld.idx.msk [tilespmem:v8+s12+$0x0], $0xffff;
	v8 =	vor.u32 $0xA, v1  }
0x30c: {  	v12 =	vld.idx.msk [tilespmem:v9+s11+$0x0], $0xffff  }
0x30d: {  	v2 =	vadd.f32 v3, v2;
	v3 =	vmul.f32 v4, v13;
	v4 =	vld.idx.msk [tilespmem:v9+s12+$0x0], $0xffff;
	v9 =	vor.u32 $0xB, v1  }
0x30e: {  	v13 =	vld.idx.msk [tilespmem:v6+s11+$0x0], $0xffff  }
0x30f: {  	v2 =	vadd.f32 v3, v2;
	v3 =	vmul.f32 v5, v10;
	v5 =	vld.idx.msk [tilespmem:v6+s12+$0x0], $0xffff;
	v6 =	vor.u32 $0xC, v1  }
0x310: {  	v10 =	vld.idx.msk [tilespmem:v8+s11+$0x0], $0xffff  }
0x311: {  	v2 =	vadd.f32 v3, v2;
	v3 =	vmul.f32 v7, v11;
	v7 =	vld.idx.msk [tilespmem:v8+s12+$0x0], $0xffff;
	v8 =	vor.u32 $0xD, v1  }
0x312: {  	v11 =	vld.idx.msk [tilespmem:v9+s11+$0x0], $0xffff  }
0x313: {  	v2 =	vadd.f32 v3, v2;
	v3 =	vmul.f32 v4, v12;
	v4 =	vld.idx.msk [tilespmem:v9+s12+$0x0], $0xffff;
	v9 =	vor.u32 $0xE, v1  }
0x314: {  	v12 =	vld.idx.msk [tilespmem:v6+s11+$0x0], $0xffff  }
0x315: {  	v2 =	vadd.f32 v3, v2;
	v3 =	vmul.f32 v5, v13;
	v5 =	vld.idx.msk [tilespmem:v6+s12+$0x0], $0xffff;
	v6 =	vor.u32 $0xF, v1  }
0x316: {  	v13 =	vld.idx.msk [tilespmem:v8+s11+$0x0], $0xffff  }
0x317: {  	v2 =	vadd.f32 v3, v2;
	v3 =	vmul.f32 v7, v10;
	v7 =	vld.idx.msk [tilespmem:v8+s12+$0x0], $0xffff;
	v8 =	vor.u32 $0x10, v1  }
0x318: {  	v10 =	vld.idx.msk [tilespmem:v9+s11+$0x0], $0xffff  }
0x319: {  	v2 =	vadd.f32 v3, v2;
	v3 =	vmul.f32 v4, v11;
	v4 =	vld.idx.msk [tilespmem:v9+s12+$0x0], $0xffff;
	v9 =	vor.u32 $0x11, v1  }
0x31a: {  	v11 =	vld.idx.msk [tilespmem:v6+s11+$0x0], $0xffff  }
0x31b: {  	v2 =	vadd.f32 v3, v2;
	v3 =	vmul.f32 v5, v12;
	v5 =	vld.idx.msk [tilespmem:v6+s12+$0x0], $0xffff;
	v6 =	vor.u32 $0x12, v1  }
0x31c: {  	v12 =	vld.idx.msk [tilespmem:v8+s11+$0x0], $0xffff  }
0x31d: {  	v2 =	vadd.f32 v3, v2;
	v3 =	vmul.f32 v7, v13;
	v7 =	vld.idx.msk [tilespmem:v8+s12+$0x0], $0xffff;
	v8 =	vor.u32 $0x13, v1  }
0x31e: {  	v13 =	vld.idx.msk [tilespmem:v9+s11+$0x0], $0xffff  }
0x31f: {  	v2 =	vadd.f32 v3, v2;
	v3 =	vmul.f32 v4, v10;
	v4 =	vld.idx.msk [tilespmem:v9+s12+$0x0], $0xffff;
	v9 =	vor.u32 $0x14, v1  }
0x320: {  	v10 =	vld.idx.msk [tilespmem:v6+s11+$0x0], $0xffff  }
0x321: {  	v2 =	vadd.f32 v3, v2;
	v3 =	vmul.f32 v5, v11;
	v5 =	vld.idx.msk [tilespmem:v6+s12+$0x0], $0xffff;
	v6 =	vor.u32 $0x15, v1  }
0x322: {  	v11 =	vld.idx.msk [tilespmem:v8+s11+$0x0], $0xffff  }
0x323: {  	v2 =	vadd.f32 v3, v2;
	v3 =	vmul.f32 v7, v12;
	v7 =	vld.idx.msk [tilespmem:v8+s12+$0x0], $0xffff;
	v8 =	vor.u32 $0x16, v1  }
0x324: {  	v12 =	vld.idx.msk [tilespmem:v9+s11+$0x0], $0xffff  }
0x325: {  	v2 =	vadd.f32 v3, v2;
	v3 =	vmul.f32 v4, v13;
	v4 =	vld.idx.msk [tilespmem:v9+s12+$0x0], $0xffff;
	v9 =	vor.u32 $0x17, v1  }
0x326: {  	v13 =	vld.idx.msk [tilespmem:v6+s11+$0x0], $0xffff  }
0x327: {  	v2 =	vadd.f32 v3, v2;
	v3 =	vmul.f32 v5, v10;
	v5 =	vld.idx.msk [tilespmem:v6+s12+$0x0], $0xffff;
	v6 =	vor.u32 $0x18, v1  }
0x328: {  	v10 =	vld.idx.msk [tilespmem:v8+s11+$0x0], $0xffff  }
0x329: {  	v2 =	vadd.f32 v3, v2;
	v3 =	vmul.f32 v7, v11;
	v7 =	vld.idx.msk [tilespmem:v8+s12+$0x0], $0xffff;
	v8 =	vor.u32 $0x19, v1  }
0x32a: {  	v11 =	vld.idx.msk [tilespmem:v9+s11+$0x0], $0xffff  }
0x32b: {  	v2 =	vadd.f32 v3, v2;
	v3 =	vmul.f32 v4, v12;
	v4 =	vld.idx.msk [tilespmem:v9+s12+$0x0], $0xffff;
	v9 =	vor.u32 $0x1A, v1  }
0x32c: {  	v12 =	vld.idx.msk [tilespmem:v6+s11+$0x0], $0xffff  }
0x32d: {  	v2 =	vadd.f32 v3, v2;
	v3 =	vmul.f32 v5, v13;
	v5 =	vld.idx.msk [tilespmem:v6+s12+$0x0], $0xffff;
	v6 =	vor.u32 $0x1B, v1  }
0x32e: {  	v13 =	vld.idx.msk [tilespmem:v8+s11+$0x0], $0xffff  }
0x32f: {  	v2 =	vadd.f32 v3, v2;
	v3 =	vmul.f32 v7, v10;
	v7 =	vld.idx.msk [tilespmem:v8+s12+$0x0], $0xffff;
	v8 =	vor.u32 $0x1C, v1  }
0x330: {  	v10 =	vld.idx.msk [tilespmem:v9+s11+$0x0], $0xffff  }
0x331: {  	v2 =	vadd.f32 v3, v2;
	v3 =	vmul.f32 v4, v11;
	v4 =	vld.idx.msk [tilespmem:v9+s12+$0x0], $0xffff;
	v9 =	vor.u32 $0x1D, v1  }
0x332: {  	v11 =	vld.idx.msk [tilespmem:v6+s11+$0x0], $0xffff  }
0x333: {  	v2 =	vadd.f32 v3, v2;
	v3 =	vmul.f32 v5, v12;
	v5 =	vld.idx.msk [tilespmem:v6+s12+$0x0], $0xffff;
	v6 =	vor.u32 $0x1E, v1  }
0x334: {  	v12 =	vld.idx.msk [tilespmem:v8+s11+$0x0], $0xffff  }
0x335: {  	v1 =	vor.u32 $0x1F, v1;
	v2 =	vadd.f32 v3, v2;
	v3 =	vmul.f32 v7, v13;
	v7 =	vld.idx.msk [tilespmem:v8+s12+$0x0], $0xffff  }
0x336: {  	v8 =	vld.idx.msk [tilespmem:v9+s11+$0x0], $0xffff  }
0x337: {  	v2 =	vadd.f32 v3, v2;
	v3 =	vmul.f32 v4, v10;
	v4 =	vld.idx.msk [tilespmem:v9+s12+$0x0], $0xffff  }
0x338: {  	v9 =	vld.idx.msk [tilespmem:v6+s11+$0x0], $0xffff  }
0x339: {  	v3 =	vadd.f32 v3, v2;
	v5 =	vmul.f32 v5, v11;
	v6 =	vld.idx.msk [tilespmem:v6+s12+$0x0], $0xffff  }
0x33a: {  	v2 =	vld.idx.msk [tilespmem:v1+s11+$0x0], $0xffff  }
0x33b: {  	v5 =	vadd.f32 v5, v3;
	v7 =	vmul.f32 v7, v12;
	v3 =	vld.idx.msk [tilespmem:v1+s12+$0x0], $0xffff  }
.Ltmp3:
0x33c: {  	(pc) =	sbr.rel @p0 .LBB2_8-.Ltmp3, $3  }
0x33d: {  	v1 =	vadd.f32 v7, v5;
	v4 =	vmul.f32 v4, v8;
	_ =	sdelay $0x1  }
0x33e: {  	v7 =	vmov s17;
	v4 =	vadd.f32 v4, v1;
	v5 =	vmul.f32 v6, v9  }
0x33f: {  	s17 =	sadd.s32 $0x10, s17;
	v1 =	vshll.u32 v7, $0x7  }
0x340: {  	v1 =	vor.u32 v0, v1;
	v4 =	vadd.f32 v5, v4;
	v2 =	vmul.f32 v3, v2;
	_ =	sdelay $0x1  }
0x341: {  	v3 =	vor.u32 $0x1, v1;
	v2 =	vadd.f32 v2, v4  }
0x342: {  	s0 =	sand.u32 $0xF0, s15  }
0x343: {  	v31 =	vor.u32 $0x2, v1;
	[tilespmem:s0+$0x10500] =	vst v2  }
0x344: {  	v2 =	vld.idx.msk [tilespmem:v1+s12+$0x0], $0xffff  }
0x345: {  	v6 =	vor.u32 $0x3, v1;
	v32 =	vld.idx.msk [tilespmem:v1+s11+$0x0], $0xffff  }
0x346: {  	v7 =	vld.idx.msk [tilespmem:v3+s11+$0x0], $0xffff  }
0x347: {  	v8 =	vor.u32 $0x4, v1;
	v3 =	vld.idx.msk [tilespmem:v3+s12+$0x0], $0xffff  }
0x348: {  	v9 =	vld.idx.msk [tilespmem:v31+s11+$0x0], $0xffff  }
0x349: {  	v10 =	vor.u32 $0x5, v1;
	v4 =	vld.idx.msk [tilespmem:v31+s12+$0x0], $0xffff  }
0x34a: {  	v11 =	vld.idx.msk [tilespmem:v6+s11+$0x0], $0xffff;
	v2 =	vmul.f32 v2, v32  }
0x34b: {  	v34 =	vor.u32 $0x6, v1;
	v33 =	vld.idx.msk [tilespmem:v6+s12+$0x0], $0xffff  }
0x34c: {  	v12 =	vld.idx.msk [tilespmem:v8+s11+$0x0], $0xffff;
	v3 =	vmul.f32 v3, v7;
	v2 =	vadd.f32 $0.0e+00, v2  }
0x34d: {  	v36 =	vor.u32 $0x7, v1;
	v35 =	vld.idx.msk [tilespmem:v8+s12+$0x0], $0xffff  }
0x34e: {  	v13 =	vld.idx.msk [tilespmem:v10+s11+$0x0], $0xffff;
	v2 =	vadd.f32 v3, v2;
	v3 =	vmul.f32 v4, v9  }
0x34f: {  	v38 =	vor.u32 $0x8, v1;
	v37 =	vld.idx.msk [tilespmem:v10+s12+$0x0], $0xffff  }
0x350: {  	v39 =	vld.idx.msk [tilespmem:v34+s11+$0x0], $0xffff;
	v2 =	vadd.f32 v3, v2;
	v3 =	vmul.f32 v33, v11  }
0x351: {  	v41 =	vor.u32 $0x9, v1;
	v40 =	vld.idx.msk [tilespmem:v34+s12+$0x0], $0xffff  }
0x352: {  	v42 =	vld.idx.msk [tilespmem:v36+s11+$0x0], $0xffff;
	v2 =	vadd.f32 v3, v2;
	v3 =	vmul.f32 v35, v12  }
0x353: {  	v44 =	vor.u32 $0xA, v1;
	v43 =	vld.idx.msk [tilespmem:v36+s12+$0x0], $0xffff  }
0x354: {  	v45 =	vld.idx.msk [tilespmem:v38+s11+$0x0], $0xffff;
	v2 =	vadd.f32 v3, v2;
	v3 =	vmul.f32 v37, v13  }
0x355: {  	v47 =	vor.u32 $0xB, v1;
	v46 =	vld.idx.msk [tilespmem:v38+s12+$0x0], $0xffff  }
0x356: {  	v48 =	vld.idx.msk [tilespmem:v41+s11+$0x0], $0xffff;
	v2 =	vadd.f32 v3, v2;
	v3 =	vmul.f32 v40, v39  }
0x357: {  	v50 =	vor.u32 $0xC, v1;
	v49 =	vld.idx.msk [tilespmem:v41+s12+$0x0], $0xffff  }
0x358: {  	v51 =	vld.idx.msk [tilespmem:v44+s11+$0x0], $0xffff;
	v2 =	vadd.f32 v3, v2;
	v3 =	vmul.f32 v43, v42  }
0x359: {  	v53 =	vor.u32 $0xD, v1;
	v52 =	vld.idx.msk [tilespmem:v44+s12+$0x0], $0xffff  }
0x35a: {  	v54 =	vld.idx.msk [tilespmem:v47+s11+$0x0], $0xffff;
	v2 =	vadd.f32 v3, v2;
	v3 =	vmul.f32 v46, v45  }
0x35b: {  	v56 =	vor.u32 $0xE, v1;
	v55 =	vld.idx.msk [tilespmem:v47+s12+$0x0], $0xffff  }
0x35c: {  	v57 =	vld.idx.msk [tilespmem:v50+s11+$0x0], $0xffff;
	v2 =	vadd.f32 v3, v2;
	v3 =	vmul.f32 v49, v48  }
0x35d: {  	v59 =	vor.u32 $0xF, v1;
	v58 =	vld.idx.msk [tilespmem:v50+s12+$0x0], $0xffff  }
0x35e: {  	v60 =	vld.idx.msk [tilespmem:v53+s11+$0x0], $0xffff;
	v2 =	vadd.f32 v3, v2;
	v3 =	vmul.f32 v52, v51  }
0x35f: {  	v62 =	vor.u32 $0x10, v1;
	v61 =	vld.idx.msk [tilespmem:v53+s12+$0x0], $0xffff  }
0x360: {  	v63 =	vld.idx.msk [tilespmem:v56+s11+$0x0], $0xffff;
	v2 =	vadd.f32 v3, v2;
	v3 =	vmul.f32 v55, v54  }
0x361: {  	v17 =	vor.u32 $0x11, v1;
	v16 =	vld.idx.msk [tilespmem:v56+s12+$0x0], $0xffff  }
0x362: {  	v18 =	vld.idx.msk [tilespmem:v59+s11+$0x0], $0xffff;
	v2 =	vadd.f32 v3, v2;
	v3 =	vmul.f32 v58, v57  }
0x363: {  	v20 =	vor.u32 $0x12, v1;
	v19 =	vld.idx.msk [tilespmem:v59+s12+$0x0], $0xffff  }
0x364: {  	v21 =	vld.idx.msk [tilespmem:v62+s11+$0x0], $0xffff;
	v2 =	vadd.f32 v3, v2;
	v3 =	vmul.f32 v61, v60  }
0x365: {  	v23 =	vor.u32 $0x13, v1;
	v22 =	vld.idx.msk [tilespmem:v62+s12+$0x0], $0xffff  }
0x366: {  	v24 =	vld.idx.msk [tilespmem:v17+s11+$0x0], $0xffff;
	v2 =	vadd.f32 v3, v2;
	v3 =	vmul.f32 v16, v63  }
0x367: {  	v26 =	vor.u32 $0x14, v1;
	v25 =	vld.idx.msk [tilespmem:v17+s12+$0x0], $0xffff  }
0x368: {  	v27 =	vld.idx.msk [tilespmem:v20+s11+$0x0], $0xffff;
	v2 =	vadd.f32 v3, v2;
	v3 =	vmul.f32 v19, v18  }
0x369: {  	v29 =	vor.u32 $0x15, v1;
	v28 =	vld.idx.msk [tilespmem:v20+s12+$0x0], $0xffff  }
0x36a: {  	v30 =	vld.idx.msk [tilespmem:v23+s11+$0x0], $0xffff;
	v2 =	vadd.f32 v3, v2;
	v3 =	vmul.f32 v22, v21  }
0x36b: {  	v31 =	vld.idx.msk [tilespmem:v23+s12+$0x0], $0xffff;
	v32 =	vor.u32 $0x16, v1  }
0x36c: {  	v34 =	vld.idx.msk [tilespmem:v26+s12+$0x0], $0xffff;
	v2 =	vadd.f32 v3, v2;
	v3 =	vmul.f32 v25, v24  }
0x36d: {  	v33 =	vld.idx.msk [tilespmem:v26+s11+$0x0], $0xffff;
	v35 =	vor.u32 $0x17, v1  }
0x36e: {  	v36 =	vld.idx.msk [tilespmem:v29+s11+$0x0], $0xffff;
	v2 =	vadd.f32 v3, v2;
	v3 =	vmul.f32 v28, v27  }
0x36f: {  	v38 =	vor.u32 $0x18, v1;
	v37 =	vld.idx.msk [tilespmem:v29+s12+$0x0], $0xffff  }
0x370: {  	v39 =	vld.idx.msk [tilespmem:v32+s11+$0x0], $0xffff;
	v2 =	vadd.f32 v3, v2;
	v3 =	vmul.f32 v31, v30  }
0x371: {  	v41 =	vor.u32 $0x19, v1;
	v40 =	vld.idx.msk [tilespmem:v32+s12+$0x0], $0xffff  }
0x372: {  	v42 =	vld.idx.msk [tilespmem:v35+s11+$0x0], $0xffff;
	v2 =	vadd.f32 v3, v2;
	v3 =	vmul.f32 v34, v33  }
0x373: {  	v44 =	vor.u32 $0x1A, v1;
	v43 =	vld.idx.msk [tilespmem:v35+s12+$0x0], $0xffff  }
0x374: {  	v45 =	vld.idx.msk [tilespmem:v38+s11+$0x0], $0xffff;
	v2 =	vadd.f32 v3, v2;
	v3 =	vmul.f32 v37, v36  }
0x375: {  	v47 =	vor.u32 $0x1B, v1;
	v46 =	vld.idx.msk [tilespmem:v38+s12+$0x0], $0xffff  }
0x376: {  	v48 =	vld.idx.msk [tilespmem:v41+s11+$0x0], $0xffff;
	v2 =	vadd.f32 v3, v2;
	v3 =	vmul.f32 v40, v39  }
0x377: {  	v50 =	vor.u32 $0x1C, v1;
	v49 =	vld.idx.msk [tilespmem:v41+s12+$0x0], $0xffff  }
0x378: {  	v51 =	vld.idx.msk [tilespmem:v44+s11+$0x0], $0xffff;
	v2 =	vadd.f32 v3, v2;
	v3 =	vmul.f32 v43, v42  }
0x379: {  	v53 =	vor.u32 $0x1D, v1;
	v52 =	vld.idx.msk [tilespmem:v44+s12+$0x0], $0xffff  }
0x37a: {  	v54 =	vld.idx.msk [tilespmem:v47+s11+$0x0], $0xffff;
	v2 =	vadd.f32 v3, v2;
	v3 =	vmul.f32 v46, v45  }
0x37b: {  	v56 =	vor.u32 $0x1E, v1;
	v55 =	vld.idx.msk [tilespmem:v47+s12+$0x0], $0xffff  }
0x37c: {  	v57 =	vld.idx.msk [tilespmem:v50+s11+$0x0], $0xffff;
	v2 =	vadd.f32 v3, v2;
	v3 =	vmul.f32 v49, v48  }
0x37d: {  	v1 =	vor.u32 $0x1F, v1;
	v58 =	vld.idx.msk [tilespmem:v50+s12+$0x0], $0xffff  }
0x37e: {  	v59 =	vld.idx.msk [tilespmem:v53+s11+$0x0], $0xffff;
	v2 =	vadd.f32 v3, v2;
	v3 =	vmul.f32 v52, v51  }
0x37f: {  	v60 =	vld.idx.msk [tilespmem:v53+s12+$0x0], $0xffff  }
0x380: {  	v62 =	vld.idx.msk [tilespmem:v56+s12+$0x0], $0xffff;
	v2 =	vadd.f32 v3, v2;
	v3 =	vmul.f32 v55, v54  }
0x381: {  	v61 =	vld.idx.msk [tilespmem:v56+s11+$0x0], $0xffff  }
0x382: {  	v63 =	vld.idx.msk [tilespmem:v1+s11+$0x0], $0xffff;
	v2 =	vadd.f32 v3, v2;
	v3 =	vmul.f32 v58, v57  }
0x383: {  	v1 =	vld.idx.msk [tilespmem:v1+s12+$0x0], $0xffff  }
0x384: {  	v2 =	vadd.f32 v3, v2;
	v3 =	vmul.f32 v60, v59;
	_ =	sdelay $0x1  }
0x385: {  	v2 =	vadd.f32 v3, v2;
	v3 =	vmul.f32 v62, v61;
	_ =	sdelay $0x1  }
0x386: {  	v1 =	vmul.f32 v1, v63;
	v2 =	vadd.f32 v3, v2;
	_ =	sdelay $0x1  }
0x387: {  	v1 =	vadd.f32 v1, v2  }
0x388: {  	s28 =	sand.u32 $0xF0, s16  }
0x389: {  	s29 =	rddreg [dreg:$0x1d];
	s1 =	simm.s32 $0x10400;
	s5 =	simm.s32 $0x2;
	[tilespmem:s28+$0x10500] =	vst v1  }
0x38a: {  	[hbm4b:s29+s2] =	stream.linear.scatter [tilespmem:s1], [sflag:$0x2], $0x200, $0x38;
	[tilespmem:$0x10600] =	vst v63  }
0x38b: {  	_ =	swait.ge [sflag:s5], $0x200  }
0x38c: {  	s30 =	rddreg [dreg:$0x1f]  }
0x38d: {  	s31 =	rddreg [dreg:$0x1e];
	s1 =	sadd.s32 $0x1, s30  }
0x38e: {  	p0 =	sne.s32 s1, s31  }
.Ltmp4:
0x38f: {  	_ = 	snop;
	(pc) =	sbr.rel @p0 .LBB2_1-.Ltmp4, $3  }
0x390: {  	_ =	sdelay $0x1  }
0x391: {  	[sflag:s5] =	ssyncset.done $0x0  }
0x392: {  	[sflag:s5] =	ssyncadd.s32 $0xFFFFFE00  }
0x393: {  	_ =	sfence.sel $0x180000  }
0x394: {  	[bflag:$0x0] =	sbarrier.arrive $0xFFFF  }
0x395: {  	_ =	strace $0x90000047  }
0x396: {  	s0 =	stileid.u32;
	[bflag:$0x2] =	sbarrier.arrive $0xFFFF  }
0x397: {  	p0 =	sne.s32 s0, $0x0;
	s0 =	rddreg [dreg:$0x4]  }
0x398: {  	s0 =	sadd.s32 @!p0 $0x100000, s0  }
0x399: {  	[sflag:s0] =	ssyncadd.tile.s32 @!p0 $0x1;
	_ =	shalt  }
.Lfunc_end2:
_tile_overlayer_lowered:
.L_overlay_start_2:
0x39a: {  	(tag) =	ssettag $0x2  }
0x39b: {  	s0 =	rddreg [dreg:$0x0];
	s2 =	stileid.u32  }
0x39c: {  	s1 =	rddreg [dreg:$0x1];
	p0 =	sne.s32 s2, $0x0  }
0x39d: {  	s3 =	rddreg [dreg:$0x2];
	[bflag:$0x3] =	sbarrier.arrive $0xFFFF;
	s2 =	simm.s32 @!p0 $0x1C02  }
0x39e: {  	[timem:s3], [sflag:s2] =	dma.local @!p0 [hbm:s0], s1  }
0x39f: {  	s0 =	simm.s32 @!p0 $0x2  }
0x3a0: {  	_ =	swait.ge @!p0 [sflag:s0], s1  }
0x3a1: {  	s1 =	ssub.s32 @!p0 $0x0, s1;
	[sflag:s0] =	ssyncset.done @!p0 $0x0  }
0x3a2: {  	[sflag:s0] =	ssyncadd.s32 @!p0 s1  }
0x3a3: {  	[bflag:$0x3] =	sbarrier.arrive $0xFFFF  }
0x3a4: {  	_ =	shalt  }

</sc_bundles>
